<compile_context>
chip_gen: v7x
topology: tpu7x:2x2x1
jax: 0.10.2.dev20260603
libtpu: 0.0.44.dev20260713+nightly
codegen_flags: <defaults>
</compile_context>

<pallas_src>
import functools

import jax
import jax.numpy as jnp
from jax import lax
from jax.experimental import pallas as pl
from jax.experimental.pallas import tpu as pltpu
from jax.experimental.pallas import tpu_sc as plsc

Z = 64
B = 16384
NU = 1_000_000
NC = 2
NS = 16
NW = NC * NS
BPW = B // NW
LB = 128
NSLOT = 4
LA = NSLOT - 1
GPC = 8
NCHK = BPW // LB


@functools.partial(
    pl.kernel,
    mesh=plsc.VectorSubcoreMesh(core_axis_name="c", subcore_axis_name="s"),
    compiler_params=pltpu.CompilerParams(needs_layout_passes=False),
    out_type=(
        jax.ShapeDtypeStruct((Z, B), jnp.float32),
        jax.ShapeDtypeStruct((Z, B), jnp.float32),
    ),
    scratch_types=[
        pltpu.VMEM((BPW,), jnp.int32),
        pltpu.VMEM((NSLOT, Z, LB), jnp.float32),
        pltpu.VMEM((NSLOT, Z, LB), jnp.float32),
        pltpu.VMEM((2, Z, LB), jnp.float32),
        pltpu.VMEM((2, Z, LB), jnp.float32),
    ] + [pltpu.SemaphoreType.DMA] * (2 * NSLOT + 2),
)
def _gather2(u_hbm, mwt_hbm, vwt_hbm, omt_hbm, ovt_hbm,
             idx_v, mblk, vblk, mob, vob, *sems):
    wid = lax.axis_index("s") * NC + lax.axis_index("c")
    base = wid * BPW
    pltpu.sync_copy(u_hbm.at[wid], idx_v)
    msems = sems[:NSLOT]
    vsems = sems[NSLOT:2 * NSLOT]
    sem_om, sem_ov = sems[2 * NSLOT], sems[2 * NSLOT + 1]
    lanes = lax.iota(jnp.int32, 16)

    def issue_one(r, slot):
        al = pl.multiple_of((r >> 7) << 7, LB)
        pltpu.async_copy(mwt_hbm.at[:, pl.ds(al, LB)], mblk.at[slot], msems[slot])
        pltpu.async_copy(vwt_hbm.at[:, pl.ds(al, LB)], vblk.at[slot], vsems[slot])

    def wait_one(slot):
        pltpu.make_async_copy(mwt_hbm.at[:, pl.ds(0, LB)], mblk.at[slot],
                              msems[slot]).wait()
        pltpu.make_async_copy(vwt_hbm.at[:, pl.ds(0, LB)], vblk.at[slot],
                              vsems[slot]).wait()

    def wait_out():
        pltpu.make_async_copy(mob.at[0], omt_hbm.at[:, pl.ds(base, LB)],
                              sem_om).wait()
        pltpu.make_async_copy(vob.at[0], ovt_hbm.at[:, pl.ds(base, LB)],
                              sem_ov).wait()

    def extract_one(r, slot, cb, pos):
        ln = jnp.full((16,), r & (LB - 1), jnp.int32)
        sl = jnp.full((16,), slot, jnp.int32)
        cbv = jnp.full((16,), cb, jnp.int32)
        po = jnp.full((16,), pos, jnp.int32)
        for gz in range(Z // 16):
            rows = lanes + gz * 16
            mvals = plsc.load_gather(mblk, [sl, rows, ln])
            vvals = plsc.load_gather(vblk, [sl, rows, ln])
            plsc.store_scatter(mob, [cbv, rows, po], mvals)
            plsc.store_scatter(vob, [cbv, rows, po], vvals)

    def chunk(c, _):
        cb = c % 2
        @pl.when(c >= 2)
        def _():
            wait_out()

        def grp(gg, _):
            g = c * GPC + gg
            v = idx_v[pl.ds(g * 16, 16)]
            vn = idx_v[pl.ds(jnp.minimum((g + 1) * 16, BPW - 16), 16)]
            for l in range(16):
                slot = l % NSLOT
                wait_one(slot)
                nxt = v[l + LA] if l + LA < 16 else vn[l + LA - 16]
                issue_one(nxt, (l + LA) % NSLOT)
                extract_one(v[l], slot, cb, gg * 16 + l)
            return 0

        lax.fori_loop(0, GPC, grp, 0)
        off = base + c * LB
        pltpu.async_copy(mob.at[cb], omt_hbm.at[:, pl.ds(off, LB)], sem_om)
        pltpu.async_copy(vob.at[cb], ovt_hbm.at[:, pl.ds(off, LB)], sem_ov)
        return 0

    v0 = idx_v[pl.ds(0, 16)]
    for i in range(LA):
        issue_one(v0[i], i % NSLOT)
    lax.fori_loop(0, NCHK, chunk, 0)
    for i in range(BPW, BPW + LA):
        wait_one(i % NSLOT)
    wait_out()
    wait_out()


def kernel(u_input, lam_mean_w, lam_log_var_w):
    u = u_input.astype(jnp.int32).reshape(NW, BPW)
    omt, ovt = _gather2(u, lam_mean_w.T, lam_log_var_w.T)
    return omt.T, ovt.T

# --- scband reference (transcript-rebuilt; emitter-appended) ---
"""Pipeline reference for scband-z-prior-disc-67886253080842 (READ-ONLY COPY).

The authoritative reference and input builder live on the scoring server;
editing this copy changes nothing except your own understanding.
"""

import jax, jax.numpy as jnp
import numpy as np

Z_DIM = 64
NUM_U = 1000000
BATCH = 16384

def setup_inputs(seed: int = 0) -> dict:
    key = jax.random.key(seed)
    k1, k2, k3 = jax.random.split(key, 3)
    u_input = jax.random.randint(k1, (BATCH, 1), 0, NUM_U, dtype=jnp.int64 if jax.config.jax_enable_x64 else jnp.int32)
    lam_mean_w = jax.random.normal(k2, (NUM_U, Z_DIM), dtype=jnp.float32)
    lam_log_var_w = jax.random.normal(k3, (NUM_U, Z_DIM), dtype=jnp.float32)
    return {"u_input": u_input, "lam_mean_w": lam_mean_w, "lam_log_var_w": lam_log_var_w}

def reference(u_input, lam_mean_w, lam_log_var_w):
    # nn.Embedding lookup -> gather rows
    lam_mean = jnp.take(lam_mean_w, u_input, axis=0)        # [B, 1, z_dim]
    lam_log_var = jnp.take(lam_log_var_w, u_input, axis=0)  # [B, 1, z_dim]
    # torch.squeeze(input=x, dim=1)
    lam_mean = jnp.squeeze(lam_mean, axis=1)
    lam_log_var = jnp.squeeze(lam_log_var, axis=1)
    return (lam_mean, lam_log_var)

if __name__ == "__main__":
    import jax
    _d = setup_inputs()
    print(jax.jit(kernel)(*tuple(_d.values())))

</pallas_src>

<mosaic_0001>
#map = affine_map<(d0, d1) -> (0, 0)>
module attributes {stable_mosaic.version = 14 : i64} {
  func.func @_gather2(%arg0: i32, %arg1: i32, %arg2: memref<32x512xi32, #tpu.memory_space<hbm>>, %arg3: memref<64x1000000xf32, #tpu.memory_space<hbm>>, %arg4: memref<64x1000000xf32, #tpu.memory_space<hbm>>, %arg5: memref<64x16384xf32, #tpu.memory_space<hbm>>, %arg6: memref<64x16384xf32, #tpu.memory_space<hbm>>, %arg7: memref<512xi32, #tpu.memory_space<vmem>>, %arg8: memref<4x64x128xf32, #tpu.memory_space<vmem>>, %arg9: memref<4x64x128xf32, #tpu.memory_space<vmem>>, %arg10: memref<2x64x128xf32, #tpu.memory_space<vmem>>, %arg11: memref<2x64x128xf32, #tpu.memory_space<vmem>>, %arg12: memref<!tpu.dma_semaphore, #tpu.memory_space<semaphore_mem>>, %arg13: memref<!tpu.dma_semaphore, #tpu.memory_space<semaphore_mem>>, %arg14: memref<!tpu.dma_semaphore, #tpu.memory_space<semaphore_mem>>, %arg15: memref<!tpu.dma_semaphore, #tpu.memory_space<semaphore_mem>>, %arg16: memref<!tpu.dma_semaphore, #tpu.memory_space<semaphore_mem>>, %arg17: memref<!tpu.dma_semaphore, #tpu.memory_space<semaphore_mem>>, %arg18: memref<!tpu.dma_semaphore, #tpu.memory_space<semaphore_mem>>, %arg19: memref<!tpu.dma_semaphore, #tpu.memory_space<semaphore_mem>>, %arg20: memref<!tpu.dma_semaphore, #tpu.memory_space<semaphore_mem>>, %arg21: memref<!tpu.dma_semaphore, #tpu.memory_space<semaphore_mem>>) attributes {dimension_semantics = [#tpu.dimension_semantics<core_parallel>, #tpu.dimension_semantics<subcore_parallel>], iteration_bounds = array<i64: 2, 16>, scalar_prefetch = 0 : i64, scratch_operands = 15 : i64, tpu.core_type = #tpu.core_type<sc_vector_subcore>, window_params = [{transform_indices = #map}, {transform_indices = #map}, {transform_indices = #map}, {transform_indices = #map}, {transform_indices = #map}]} {
    %mul3A = arith.constant 2 : i32
    %mul3A_0 = arith.muli %arg1, %mul3A : i32
    %add3A = arith.addi %mul3A_0, %arg0 : i32
    %mul3A_1 = arith.constant 512 : i32
    %mul3A_2 = arith.muli %add3A, %mul3A_1 : i32
    "tpu.region"() ({
      %run_scoped3A = tpu.sem_alloc : memref<!tpu.dma_semaphore, #tpu.memory_space<semaphore_mem>>
      %dma_start3A_244 = arith.constant 0 : i32
      %dma_start3A_245 = tpu.memref_slice %arg2[%add3A, %dma_start3A_244] : memref<32x512xi32, #tpu.memory_space<hbm>> -> memref<1x512xi32, #tpu.memory_space<hbm>>
      %dma_start3A_246 = tpu.memref_squeeze %dma_start3A_245 : memref<1x512xi32, #tpu.memory_space<hbm>> -> memref<512xi32, #tpu.memory_space<hbm>>
      %dma_start3A_247 = arith.constant 0 : i32
      %dma_start3A_248 = tpu.memref_slice %arg2[%add3A, %dma_start3A_247] : memref<32x512xi32, #tpu.memory_space<hbm>> -> memref<1x512xi32, #tpu.memory_space<hbm>>
      %dma_start3A_249 = tpu.memref_squeeze %dma_start3A_248 : memref<1x512xi32, #tpu.memory_space<hbm>> -> memref<512xi32, #tpu.memory_space<hbm>>
      tpu.enqueue_dma source(%dma_start3A_249 : memref<512xi32, #tpu.memory_space<hbm>>) target(%arg7 : memref<512xi32, #tpu.memory_space<vmem>>) target_semaphore(%run_scoped3A : memref<!tpu.dma_semaphore, #tpu.memory_space<semaphore_mem>>)
      %dma_wait3A_250 = arith.constant 0 : i32
      %dma_wait3A_251 = tpu.memref_slice %arg2[%add3A, %dma_wait3A_250] : memref<32x512xi32, #tpu.memory_space<hbm>> -> memref<1x512xi32, #tpu.memory_space<hbm>>
      %dma_wait3A_252 = tpu.memref_squeeze %dma_wait3A_251 : memref<1x512xi32, #tpu.memory_space<hbm>> -> memref<512xi32, #tpu.memory_space<hbm>>
      %dma_wait3A_253 = arith.constant 0 : i32
      %dma_wait3A_254 = tpu.memref_slice %arg2[%add3A, %dma_wait3A_253] : memref<32x512xi32, #tpu.memory_space<hbm>> -> memref<1x512xi32, #tpu.memory_space<hbm>>
      %dma_wait3A_255 = tpu.memref_squeeze %dma_wait3A_254 : memref<1x512xi32, #tpu.memory_space<hbm>> -> memref<512xi32, #tpu.memory_space<hbm>>
      tpu.wait_dma2 semaphore(%run_scoped3A : memref<!tpu.dma_semaphore, #tpu.memory_space<semaphore_mem>>) src(%dma_wait3A_255 : memref<512xi32, #tpu.memory_space<hbm>>) dst(%arg7 : memref<512xi32, #tpu.memory_space<vmem>>)
      tpu.yield
    }) : () -> ()
    %iota3A = tpu.iota {dimensions = array<i32: 0>} : vector<16xi32>
    %get3A = arith.constant 0 : index
    %get3A_3 = tpu.vector_load %arg7[%get3A] {strides = array<i32>} : memref<512xi32, #tpu.memory_space<vmem>>, vector<16xi32>,
    %slice3A = vector.extract_strided_slice %get3A_3 {offsets = [0], sizes = [1], strides = [1]} : vector<16xi32> to vector<1xi32>
    %squeeze3A = vector.extract %slice3A[0] : i32 from vector<1xi32>
    %shift_right_arithmetic3A = arith.constant 7 : i32
    %shift_right_arithmetic3A_4 = arith.shrsi %squeeze3A, %shift_right_arithmetic3A : i32
    %shift_left3A = arith.constant 7 : i32
    %shift_left3A_5 = arith.shli %shift_right_arithmetic3A_4, %shift_left3A : i32
    %multiple_of3A = tpu.assume_multiple %shift_left3A_5, 128 : i32
    %dma_start3A = arith.constant 0 : i32
    %dma_start3A_6 = arith.constant 0 : i32
    %dma_start3A_7 = arith.constant 0 : i32
    %dma_start3A_8 = tpu.memref_slice %arg8[%dma_start3A, %dma_start3A_6, %dma_start3A_7] : memref<4x64x128xf32, #tpu.memory_space<vmem>> -> memref<1x64x128xf32, #tpu.memory_space<vmem>>
    %dma_start3A_9 = tpu.memref_squeeze %dma_start3A_8 : memref<1x64x128xf32, #tpu.memory_space<vmem>> -> memref<64x128xf32, #tpu.memory_space<vmem>>
    %dma_start3A_10 = arith.constant 0 : i32
    %dma_start3A_11 = tpu.memref_slice %arg3[%dma_start3A_10, %multiple_of3A] : memref<64x1000000xf32, #tpu.memory_space<hbm>> -> memref<64x128xf32, #tpu.memory_space<hbm>>
    %dma_start3A_12 = arith.constant 0 : i32
    %dma_start3A_13 = arith.constant 0 : i32
    %dma_start3A_14 = tpu.memref_slice %arg8[%dma_start3A, %dma_start3A_12, %dma_start3A_13] : memref<4x64x128xf32, #tpu.memory_space<vmem>> -> memref<1x64x128xf32, #tpu.memory_space<vmem>>
    %dma_start3A_15 = tpu.memref_squeeze %dma_start3A_14 : memref<1x64x128xf32, #tpu.memory_space<vmem>> -> memref<64x128xf32, #tpu.memory_space<vmem>>
    %dma_start3A_16 = arith.constant 0 : i32
    %dma_start3A_17 = tpu.memref_slice %arg3[%dma_start3A_16, %multiple_of3A] : memref<64x1000000xf32, #tpu.memory_space<hbm>> -> memref<64x128xf32, #tpu.memory_space<hbm>>
    tpu.enqueue_dma source(%dma_start3A_17 : memref<64x128xf32, #tpu.memory_space<hbm>>) target(%dma_start3A_15 : memref<64x128xf32, #tpu.memory_space<vmem>>) target_semaphore(%arg12 : memref<!tpu.dma_semaphore, #tpu.memory_space<semaphore_mem>>)
    %dma_start3A_18 = arith.constant 0 : i32
    %dma_start3A_19 = arith.constant 0 : i32
    %dma_start3A_20 = arith.constant 0 : i32
    %dma_start3A_21 = tpu.memref_slice %arg9[%dma_start3A_18, %dma_start3A_19, %dma_start3A_20] : memref<4x64x128xf32, #tpu.memory_space<vmem>> -> memref<1x64x128xf32, #tpu.memory_space<vmem>>
    %dma_start3A_22 = tpu.memref_squeeze %dma_start3A_21 : memref<1x64x128xf32, #tpu.memory_space<vmem>> -> memref<64x128xf32, #tpu.memory_space<vmem>>
    %dma_start3A_23 = arith.constant 0 : i32
    %dma_start3A_24 = tpu.memref_slice %arg4[%dma_start3A_23, %multiple_of3A] : memref<64x1000000xf32, #tpu.memory_space<hbm>> -> memref<64x128xf32, #tpu.memory_space<hbm>>
    %dma_start3A_25 = arith.constant 0 : i32
    %dma_start3A_26 = arith.constant 0 : i32
    %dma_start3A_27 = tpu.memref_slice %arg9[%dma_start3A_18, %dma_start3A_25, %dma_start3A_26] : memref<4x64x128xf32, #tpu.memory_space<vmem>> -> memref<1x64x128xf32, #tpu.memory_space<vmem>>
    %dma_start3A_28 = tpu.memref_squeeze %dma_start3A_27 : memref<1x64x128xf32, #tpu.memory_space<vmem>> -> memref<64x128xf32, #tpu.memory_space<vmem>>
    %dma_start3A_29 = arith.constant 0 : i32
    %dma_start3A_30 = tpu.memref_slice %arg4[%dma_start3A_29, %multiple_of3A] : memref<64x1000000xf32, #tpu.memory_space<hbm>> -> memref<64x128xf32, #tpu.memory_space<hbm>>
    tpu.enqueue_dma source(%dma_start3A_30 : memref<64x128xf32, #tpu.memory_space<hbm>>) target(%dma_start3A_28 : memref<64x128xf32, #tpu.memory_space<vmem>>) target_semaphore(%arg16 : memref<!tpu.dma_semaphore, #tpu.memory_space<semaphore_mem>>)
    %slice3A_31 = vector.extract_strided_slice %get3A_3 {offsets = [1], sizes = [1], strides = [1]} : vector<16xi32> to vector<1xi32>
    %squeeze3A_32 = vector.extract %slice3A_31[0] : i32 from vector<1xi32>
    %shift_right_arithmetic3A_33 = arith.constant 7 : i32
    %shift_right_arithmetic3A_34 = arith.shrsi %squeeze3A_32, %shift_right_arithmetic3A_33 : i32
    %shift_left3A_35 = arith.constant 7 : i32
    %shift_left3A_36 = arith.shli %shift_right_arithmetic3A_34, %shift_left3A_35 : i32
    %multiple_of3A_37 = tpu.assume_multiple %shift_left3A_36, 128 : i32
    %dma_start3A_38 = arith.constant 1 : i32
    %dma_start3A_39 = arith.constant 0 : i32
    %dma_start3A_40 = arith.constant 0 : i32
    %dma_start3A_41 = tpu.memref_slice %arg8[%dma_start3A_38, %dma_start3A_39, %dma_start3A_40] : memref<4x64x128xf32, #tpu.memory_space<vmem>> -> memref<1x64x128xf32, #tpu.memory_space<vmem>>
    %dma_start3A_42 = tpu.memref_squeeze %dma_start3A_41 : memref<1x64x128xf32, #tpu.memory_space<vmem>> -> memref<64x128xf32, #tpu.memory_space<vmem>>
    %dma_start3A_43 = arith.constant 0 : i32
    %dma_start3A_44 = tpu.memref_slice %arg3[%dma_start3A_43, %multiple_of3A_37] : memref<64x1000000xf32, #tpu.memory_space<hbm>> -> memref<64x128xf32, #tpu.memory_space<hbm>>
    %dma_start3A_45 = arith.constant 0 : i32
    %dma_start3A_46 = arith.constant 0 : i32
    %dma_start3A_47 = tpu.memref_slice %arg8[%dma_start3A_38, %dma_start3A_45, %dma_start3A_46] : memref<4x64x128xf32, #tpu.memory_space<vmem>> -> memref<1x64x128xf32, #tpu.memory_space<vmem>>
    %dma_start3A_48 = tpu.memref_squeeze %dma_start3A_47 : memref<1x64x128xf32, #tpu.memory_space<vmem>> -> memref<64x128xf32, #tpu.memory_space<vmem>>
    %dma_start3A_49 = arith.constant 0 : i32
    %dma_start3A_50 = tpu.memref_slice %arg3[%dma_start3A_49, %multiple_of3A_37] : memref<64x1000000xf32, #tpu.memory_space<hbm>> -> memref<64x128xf32, #tpu.memory_space<hbm>>
    tpu.enqueue_dma source(%dma_start3A_50 : memref<64x128xf32, #tpu.memory_space<hbm>>) target(%dma_start3A_48 : memref<64x128xf32, #tpu.memory_space<vmem>>) target_semaphore(%arg13 : memref<!tpu.dma_semaphore, #tpu.memory_space<semaphore_mem>>)
    %dma_start3A_51 = arith.constant 1 : i32
    %dma_start3A_52 = arith.constant 0 : i32
    %dma_start3A_53 = arith.constant 0 : i32
    %dma_start3A_54 = tpu.memref_slice %arg9[%dma_start3A_51, %dma_start3A_52, %dma_start3A_53] : memref<4x64x128xf32, #tpu.memory_space<vmem>> -> memref<1x64x128xf32, #tpu.memory_space<vmem>>
    %dma_start3A_55 = tpu.memref_squeeze %dma_start3A_54 : memref<1x64x128xf32, #tpu.memory_space<vmem>> -> memref<64x128xf32, #tpu.memory_space<vmem>>
    %dma_start3A_56 = arith.constant 0 : i32
    %dma_start3A_57 = tpu.memref_slice %arg4[%dma_start3A_56, %multiple_of3A_37] : memref<64x1000000xf32, #tpu.memory_space<hbm>> -> memref<64x128xf32, #tpu.memory_space<hbm>>
    %dma_start3A_58 = arith.constant 0 : i32
    %dma_start3A_59 = arith.constant 0 : i32
    %dma_start3A_60 = tpu.memref_slice %arg9[%dma_start3A_51, %dma_start3A_58, %dma_start3A_59] : memref<4x64x128xf32, #tpu.memory_space<vmem>> -> memref<1x64x128xf32, #tpu.memory_space<vmem>>
    %dma_start3A_61 = tpu.memref_squeeze %dma_start3A_60 : memref<1x64x128xf32, #tpu.memory_space<vmem>> -> memref<64x128xf32, #tpu.memory_space<vmem>>
    %dma_start3A_62 = arith.constant 0 : i32
    %dma_start3A_63 = tpu.memref_slice %arg4[%dma_start3A_62, %multiple_of3A_37] : memref<64x1000000xf32, #tpu.memory_space<hbm>> -> memref<64x128xf32, #tpu.memory_space<hbm>>
    tpu.enqueue_dma source(%dma_start3A_63 : memref<64x128xf32, #tpu.memory_space<hbm>>) target(%dma_start3A_61 : memref<64x128xf32, #tpu.memory_space<vmem>>) target_semaphore(%arg17 : memref<!tpu.dma_semaphore, #tpu.memory_space<semaphore_mem>>)
    %slice3A_64 = vector.extract_strided_slice %get3A_3 {offsets = [2], sizes = [1], strides = [1]} : vector<16xi32> to vector<1xi32>
    %squeeze3A_65 = vector.extract %slice3A_64[0] : i32 from vector<1xi32>
    %shift_right_arithmetic3A_66 = arith.constant 7 : i32
    %shift_right_arithmetic3A_67 = arith.shrsi %squeeze3A_65, %shift_right_arithmetic3A_66 : i32
    %shift_left3A_68 = arith.constant 7 : i32
    %shift_left3A_69 = arith.shli %shift_right_arithmetic3A_67, %shift_left3A_68 : i32
    %multiple_of3A_70 = tpu.assume_multiple %shift_left3A_69, 128 : i32
    %dma_start3A_71 = arith.constant 2 : i32
    %dma_start3A_72 = arith.constant 0 : i32
    %dma_start3A_73 = arith.constant 0 : i32
    %dma_start3A_74 = tpu.memref_slice %arg8[%dma_start3A_71, %dma_start3A_72, %dma_start3A_73] : memref<4x64x128xf32, #tpu.memory_space<vmem>> -> memref<1x64x128xf32, #tpu.memory_space<vmem>>
    %dma_start3A_75 = tpu.memref_squeeze %dma_start3A_74 : memref<1x64x128xf32, #tpu.memory_space<vmem>> -> memref<64x128xf32, #tpu.memory_space<vmem>>
    %dma_start3A_76 = arith.constant 0 : i32
    %dma_start3A_77 = tpu.memref_slice %arg3[%dma_start3A_76, %multiple_of3A_70] : memref<64x1000000xf32, #tpu.memory_space<hbm>> -> memref<64x128xf32, #tpu.memory_space<hbm>>
    %dma_start3A_78 = arith.constant 0 : i32
    %dma_start3A_79 = arith.constant 0 : i32
    %dma_start3A_80 = tpu.memref_slice %arg8[%dma_start3A_71, %dma_start3A_78, %dma_start3A_79] : memref<4x64x128xf32, #tpu.memory_space<vmem>> -> memref<1x64x128xf32, #tpu.memory_space<vmem>>
    %dma_start3A_81 = tpu.memref_squeeze %dma_start3A_80 : memref<1x64x128xf32, #tpu.memory_space<vmem>> -> memref<64x128xf32, #tpu.memory_space<vmem>>
    %dma_start3A_82 = arith.constant 0 : i32
    %dma_start3A_83 = tpu.memref_slice %arg3[%dma_start3A_82, %multiple_of3A_70] : memref<64x1000000xf32, #tpu.memory_space<hbm>> -> memref<64x128xf32, #tpu.memory_space<hbm>>
    tpu.enqueue_dma source(%dma_start3A_83 : memref<64x128xf32, #tpu.memory_space<hbm>>) target(%dma_start3A_81 : memref<64x128xf32, #tpu.memory_space<vmem>>) target_semaphore(%arg14 : memref<!tpu.dma_semaphore, #tpu.memory_space<semaphore_mem>>)
    %dma_start3A_84 = arith.constant 2 : i32
    %dma_start3A_85 = arith.constant 0 : i32
    %dma_start3A_86 = arith.constant 0 : i32
    %dma_start3A_87 = tpu.memref_slice %arg9[%dma_start3A_84, %dma_start3A_85, %dma_start3A_86] : memref<4x64x128xf32, #tpu.memory_space<vmem>> -> memref<1x64x128xf32, #tpu.memory_space<vmem>>
    %dma_start3A_88 = tpu.memref_squeeze %dma_start3A_87 : memref<1x64x128xf32, #tpu.memory_space<vmem>> -> memref<64x128xf32, #tpu.memory_space<vmem>>
    %dma_start3A_89 = arith.constant 0 : i32
    %dma_start3A_90 = tpu.memref_slice %arg4[%dma_start3A_89, %multiple_of3A_70] : memref<64x1000000xf32, #tpu.memory_space<hbm>> -> memref<64x128xf32, #tpu.memory_space<hbm>>
    %dma_start3A_91 = arith.constant 0 : i32
    %dma_start3A_92 = arith.constant 0 : i32
    %dma_start3A_93 = tpu.memref_slice %arg9[%dma_start3A_84, %dma_start3A_91, %dma_start3A_92] : memref<4x64x128xf32, #tpu.memory_space<vmem>> -> memref<1x64x128xf32, #tpu.memory_space<vmem>>
    %dma_start3A_94 = tpu.memref_squeeze %dma_start3A_93 : memref<1x64x128xf32, #tpu.memory_space<vmem>> -> memref<64x128xf32, #tpu.memory_space<vmem>>
    %dma_start3A_95 = arith.constant 0 : i32
    %dma_start3A_96 = tpu.memref_slice %arg4[%dma_start3A_95, %multiple_of3A_70] : memref<64x1000000xf32, #tpu.memory_space<hbm>> -> memref<64x128xf32, #tpu.memory_space<hbm>>
    tpu.enqueue_dma source(%dma_start3A_96 : memref<64x128xf32, #tpu.memory_space<hbm>>) target(%dma_start3A_94 : memref<64x128xf32, #tpu.memory_space<vmem>>) target_semaphore(%arg18 : memref<!tpu.dma_semaphore, #tpu.memory_space<semaphore_mem>>)
    %scan3A = arith.constant 0 : i32
    %scan3A_97 = arith.constant 0 : i32
    %scan3A_98 = arith.constant 4 : i32
    %scan3A_99 = arith.addi %scan3A_97, %scan3A_98 : i32
    %scan3A_100 = arith.constant 1 : i32
    %scan3A_101 = scf.for %scan3A_244 = %scan3A_97 to %scan3A_99 step %scan3A_100 iter_args(%scan3A_245 = %scan3A) -> (i32)  : i32 {
      %jit3A = arith.constant 2 : i32
      %eq3A = arith.constant 0 : i32
      %eq3A_246 = arith.cmpi eq, %jit3A, %eq3A : i32
      %jit3A_247 = arith.constant 1 : i32
      %select_n3A = arith.select %eq3A_246, %jit3A_247, %jit3A : i32
      %rem3A = arith.remsi %scan3A_244, %select_n3A : i32
      %ne3A = arith.constant 0 : i32
      %ne3A_248 = arith.cmpi ne, %rem3A, %ne3A : i32
      %lt3A = arith.constant 0 : i32
      %lt3A_249 = arith.cmpi slt, %rem3A, %lt3A : i32
      %lt3A_250 = arith.constant 0 : i32
      %lt3A_251 = arith.cmpi slt, %select_n3A, %lt3A_250 : i32
      %ne3A_252 = arith.xori %lt3A_249, %lt3A_251 : i1
      %and3A = arith.andi %ne3A_252, %ne3A_248 : i1
      %add3A_253 = arith.addi %rem3A, %select_n3A : i32
      %select_n3A_254 = arith.select %and3A, %add3A_253, %rem3A : i32
      %ge3A = arith.constant 2 : i32
      %ge3A_255 = arith.cmpi sge, %scan3A_244, %ge3A : i32
      %convert_element_type3A = arith.extui %ge3A_255 : i1 to i32
      %cond3A = arith.constant 0 : i32
      %cond3A_256 = arith.cmpi ne, %convert_element_type3A, %cond3A : i32
      scf.if %cond3A_256 {
        %dma_wait3A_292 = arith.constant 0 : i32
        %dma_wait3A_293 = arith.constant 0 : i32
        %dma_wait3A_294 = arith.constant 0 : i32
        %dma_wait3A_295 = tpu.memref_slice %arg10[%dma_wait3A_292, %dma_wait3A_293, %dma_wait3A_294] : memref<2x64x128xf32, #tpu.memory_space<vmem>> -> memref<1x64x128xf32, #tpu.memory_space<vmem>>
        %dma_wait3A_296 = tpu.memref_squeeze %dma_wait3A_295 : memref<1x64x128xf32, #tpu.memory_space<vmem>> -> memref<64x128xf32, #tpu.memory_space<vmem>>
        %dma_wait3A_297 = arith.constant 0 : i32
        %dma_wait3A_298 = tpu.memref_slice %arg5[%dma_wait3A_297, %mul3A_2] : memref<64x16384xf32, #tpu.memory_space<hbm>> -> memref<64x128xf32, #tpu.memory_space<hbm>>
        %dma_wait3A_299 = arith.constant 0 : i32
        %dma_wait3A_300 = tpu.memref_slice %arg5[%dma_wait3A_299, %mul3A_2] : memref<64x16384xf32, #tpu.memory_space<hbm>> -> memref<64x128xf32, #tpu.memory_space<hbm>>
        %dma_wait3A_301 = arith.constant 0 : i32
        %dma_wait3A_302 = arith.constant 0 : i32
        %dma_wait3A_303 = tpu.memref_slice %arg10[%dma_wait3A_292, %dma_wait3A_301, %dma_wait3A_302] : memref<2x64x128xf32, #tpu.memory_space<vmem>> -> memref<1x64x128xf32, #tpu.memory_space<vmem>>
        %dma_wait3A_304 = tpu.memref_squeeze %dma_wait3A_303 : memref<1x64x128xf32, #tpu.memory_space<vmem>> -> memref<64x128xf32, #tpu.memory_space<vmem>>
        tpu.wait_dma2 semaphore(%arg20 : memref<!tpu.dma_semaphore, #tpu.memory_space<semaphore_mem>>) src(%dma_wait3A_304 : memref<64x128xf32, #tpu.memory_space<vmem>>) dst(%dma_wait3A_300 : memref<64x128xf32, #tpu.memory_space<hbm>>)
        %dma_wait3A_305 = arith.constant 0 : i32
        %dma_wait3A_306 = arith.constant 0 : i32
        %dma_wait3A_307 = arith.constant 0 : i32
        %dma_wait3A_308 = tpu.memref_slice %arg11[%dma_wait3A_305, %dma_wait3A_306, %dma_wait3A_307] : memref<2x64x128xf32, #tpu.memory_space<vmem>> -> memref<1x64x128xf32, #tpu.memory_space<vmem>>
        %dma_wait3A_309 = tpu.memref_squeeze %dma_wait3A_308 : memref<1x64x128xf32, #tpu.memory_space<vmem>> -> memref<64x128xf32, #tpu.memory_space<vmem>>
        %dma_wait3A_310 = arith.constant 0 : i32
        %dma_wait3A_311 = tpu.memref_slice %arg6[%dma_wait3A_310, %mul3A_2] : memref<64x16384xf32, #tpu.memory_space<hbm>> -> memref<64x128xf32, #tpu.memory_space<hbm>>
        %dma_wait3A_312 = arith.constant 0 : i32
        %dma_wait3A_313 = tpu.memref_slice %arg6[%dma_wait3A_312, %mul3A_2] : memref<64x16384xf32, #tpu.memory_space<hbm>> -> memref<64x128xf32, #tpu.memory_space<hbm>>
        %dma_wait3A_314 = arith.constant 0 : i32
        %dma_wait3A_315 = arith.constant 0 : i32
        %dma_wait3A_316 = tpu.memref_slice %arg11[%dma_wait3A_305, %dma_wait3A_314, %dma_wait3A_315] : memref<2x64x128xf32, #tpu.memory_space<vmem>> -> memref<1x64x128xf32, #tpu.memory_space<vmem>>
        %dma_wait3A_317 = tpu.memref_squeeze %dma_wait3A_316 : memref<1x64x128xf32, #tpu.memory_space<vmem>> -> memref<64x128xf32, #tpu.memory_space<vmem>>
        tpu.wait_dma2 semaphore(%arg21 : memref<!tpu.dma_semaphore, #tpu.memory_space<semaphore_mem>>) src(%dma_wait3A_317 : memref<64x128xf32, #tpu.memory_space<vmem>>) dst(%dma_wait3A_313 : memref<64x128xf32, #tpu.memory_space<hbm>>)
      } else {
      }
      %scan3A_257 = arith.constant 0 : i32
      %scan3A_258 = arith.constant 0 : i32
      %scan3A_259 = arith.constant 8 : i32
      %scan3A_260 = arith.addi %scan3A_258, %scan3A_259 : i32
      %scan3A_261 = arith.constant 1 : i32
      %scan3A_262 = scf.for %scan3A_292 = %scan3A_258 to %scan3A_260 step %scan3A_261 iter_args(%scan3A_293 = %scan3A_257) -> (i32)  : i32 {
        %mul3A_294 = arith.constant 8 : i32
        %mul3A_295 = arith.muli %scan3A_244, %mul3A_294 : i32
        %add3A_296 = arith.addi %mul3A_295, %scan3A_292 : i32
        %mul3A_297 = arith.constant 16 : i32
        %mul3A_298 = arith.muli %add3A_296, %mul3A_297 : i32
        %get3A_299 = arith.index_cast %mul3A_298 : i32 to index
        %get3A_300 = tpu.vector_load %arg7[%get3A_299] {strides = array<i32>} : memref<512xi32, #tpu.memory_space<vmem>>, vector<16xi32>,
        %add3A_301 = arith.constant 1 : i32
        %add3A_302 = arith.addi %add3A_296, %add3A_301 : i32
        %mul3A_303 = arith.constant 16 : i32
        %mul3A_304 = arith.muli %add3A_302, %mul3A_303 : i32
        %min3A = arith.constant 496 : i32
        %min3A_305 = arith.minsi %mul3A_304, %min3A : i32
        %get3A_306 = arith.index_cast %min3A_305 : i32 to index
        %get3A_307 = tpu.vector_load %arg7[%get3A_306] {strides = array<i32>} : memref<512xi32, #tpu.memory_space<vmem>>, vector<16xi32>,
        %dma_wait3A_308 = arith.constant 0 : i32
        %dma_wait3A_309 = arith.constant 0 : i32
        %dma_wait3A_310 = arith.constant 0 : i32
        %dma_wait3A_311 = tpu.memref_slice %arg8[%dma_wait3A_308, %dma_wait3A_309, %dma_wait3A_310] : memref<4x64x128xf32, #tpu.memory_space<vmem>> -> memref<1x64x128xf32, #tpu.memory_space<vmem>>
        %dma_wait3A_312 = tpu.memref_squeeze %dma_wait3A_311 : memref<1x64x128xf32, #tpu.memory_space<vmem>> -> memref<64x128xf32, #tpu.memory_space<vmem>>
        %dma_wait3A_313 = arith.constant 0 : i32
        %dma_wait3A_314 = arith.constant 0 : i32
        %dma_wait3A_315 = tpu.memref_slice %arg3[%dma_wait3A_313, %dma_wait3A_314] : memref<64x1000000xf32, #tpu.memory_space<hbm>> -> memref<64x128xf32, #tpu.memory_space<hbm>>
        %dma_wait3A_316 = arith.constant 0 : i32
        %dma_wait3A_317 = arith.constant 0 : i32
        %dma_wait3A_318 = tpu.memref_slice %arg8[%dma_wait3A_308, %dma_wait3A_316, %dma_wait3A_317] : memref<4x64x128xf32, #tpu.memory_space<vmem>> -> memref<1x64x128xf32, #tpu.memory_space<vmem>>
        %dma_wait3A_319 = tpu.memref_squeeze %dma_wait3A_318 : memref<1x64x128xf32, #tpu.memory_space<vmem>> -> memref<64x128xf32, #tpu.memory_space<vmem>>
        %dma_wait3A_320 = arith.constant 0 : i32
        %dma_wait3A_321 = arith.constant 0 : i32
        %dma_wait3A_322 = tpu.memref_slice %arg3[%dma_wait3A_320, %dma_wait3A_321] : memref<64x1000000xf32, #tpu.memory_space<hbm>> -> memref<64x128xf32, #tpu.memory_space<hbm>>
        tpu.wait_dma2 semaphore(%arg12 : memref<!tpu.dma_semaphore, #tpu.memory_space<semaphore_mem>>) src(%dma_wait3A_322 : memref<64x128xf32, #tpu.memory_space<hbm>>) dst(%dma_wait3A_319 : memref<64x128xf32, #tpu.memory_space<vmem>>)
        %dma_wait3A_323 = arith.constant 0 : i32
        %dma_wait3A_324 = arith.constant 0 : i32
        %dma_wait3A_325 = arith.constant 0 : i32
        %dma_wait3A_326 = tpu.memref_slice %arg9[%dma_wait3A_323, %dma_wait3A_324, %dma_wait3A_325] : memref<4x64x128xf32, #tpu.memory_space<vmem>> -> memref<1x64x128xf32, #tpu.memory_space<vmem>>
        %dma_wait3A_327 = tpu.memref_squeeze %dma_wait3A_326 : memref<1x64x128xf32, #tpu.memory_space<vmem>> -> memref<64x128xf32, #tpu.memory_space<vmem>>
        %dma_wait3A_328 = arith.constant 0 : i32
        %dma_wait3A_329 = arith.constant 0 : i32
        %dma_wait3A_330 = tpu.memref_slice %arg4[%dma_wait3A_328, %dma_wait3A_329] : memref<64x1000000xf32, #tpu.memory_space<hbm>> -> memref<64x128xf32, #tpu.memory_space<hbm>>
        %dma_wait3A_331 = arith.constant 0 : i32
        %dma_wait3A_332 = arith.constant 0 : i32
        %dma_wait3A_333 = tpu.memref_slice %arg9[%dma_wait3A_323, %dma_wait3A_331, %dma_wait3A_332] : memref<4x64x128xf32, #tpu.memory_space<vmem>> -> memref<1x64x128xf32, #tpu.memory_space<vmem>>
        %dma_wait3A_334 = tpu.memref_squeeze %dma_wait3A_333 : memref<1x64x128xf32, #tpu.memory_space<vmem>> -> memref<64x128xf32, #tpu.memory_space<vmem>>
        %dma_wait3A_335 = arith.constant 0 : i32
        %dma_wait3A_336 = arith.constant 0 : i32
        %dma_wait3A_337 = tpu.memref_slice %arg4[%dma_wait3A_335, %dma_wait3A_336] : memref<64x1000000xf32, #tpu.memory_space<hbm>> -> memref<64x128xf32, #tpu.memory_space<hbm>>
        tpu.wait_dma2 semaphore(%arg16 : memref<!tpu.dma_semaphore, #tpu.memory_space<semaphore_mem>>) src(%dma_wait3A_337 : memref<64x128xf32, #tpu.memory_space<hbm>>) dst(%dma_wait3A_334 : memref<64x128xf32, #tpu.memory_space<vmem>>)
        %slice3A_338 = vector.extract_strided_slice %get3A_300 {offsets = [3], sizes = [1], strides = [1]} : vector<16xi32> to vector<1xi32>
        %squeeze3A_339 = vector.extract %slice3A_338[0] : i32 from vector<1xi32>
        %shift_right_arithmetic3A_340 = arith.constant 7 : i32
        %shift_right_arithmetic3A_341 = arith.shrsi %squeeze3A_339, %shift_right_arithmetic3A_340 : i32
        %shift_left3A_342 = arith.constant 7 : i32
        %shift_left3A_343 = arith.shli %shift_right_arithmetic3A_341, %shift_left3A_342 : i32
        %multiple_of3A_344 = tpu.assume_multiple %shift_left3A_343, 128 : i32
        %dma_start3A_345 = arith.constant 3 : i32
        %dma_start3A_346 = arith.constant 0 : i32
        %dma_start3A_347 = arith.constant 0 : i32
        %dma_start3A_348 = tpu.memref_slice %arg8[%dma_start3A_345, %dma_start3A_346, %dma_start3A_347] : memref<4x64x128xf32, #tpu.memory_space<vmem>> -> memref<1x64x128xf32, #tpu.memory_space<vmem>>
        %dma_start3A_349 = tpu.memref_squeeze %dma_start3A_348 : memref<1x64x128xf32, #tpu.memory_space<vmem>> -> memref<64x128xf32, #tpu.memory_space<vmem>>
        %dma_start3A_350 = arith.constant 0 : i32
        %dma_start3A_351 = tpu.memref_slice %arg3[%dma_start3A_350, %multiple_of3A_344] : memref<64x1000000xf32, #tpu.memory_space<hbm>> -> memref<64x128xf32, #tpu.memory_space<hbm>>
        %dma_start3A_352 = arith.constant 0 : i32
        %dma_start3A_353 = arith.constant 0 : i32
        %dma_start3A_354 = tpu.memref_slice %arg8[%dma_start3A_345, %dma_start3A_352, %dma_start3A_353] : memref<4x64x128xf32, #tpu.memory_space<vmem>> -> memref<1x64x128xf32, #tpu.memory_space<vmem>>
        %dma_start3A_355 = tpu.memref_squeeze %dma_start3A_354 : memref<1x64x128xf32, #tpu.memory_space<vmem>> -> memref<64x128xf32, #tpu.memory_space<vmem>>
        %dma_start3A_356 = arith.constant 0 : i32
        %dma_start3A_357 = tpu.memref_slice %arg3[%dma_start3A_356, %multiple_of3A_344] : memref<64x1000000xf32, #tpu.memory_space<hbm>> -> memref<64x128xf32, #tpu.memory_space<hbm>>
        tpu.enqueue_dma source(%dma_start3A_357 : memref<64x128xf32, #tpu.memory_space<hbm>>) target(%dma_start3A_355 : memref<64x128xf32, #tpu.memory_space<vmem>>) target_semaphore(%arg15 : memref<!tpu.dma_semaphore, #tpu.memory_space<semaphore_mem>>)
        %dma_start3A_358 = arith.constant 3 : i32
        %dma_start3A_359 = arith.constant 0 : i32
        %dma_start3A_360 = arith.constant 0 : i32
        %dma_start3A_361 = tpu.memref_slice %arg9[%dma_start3A_358, %dma_start3A_359, %dma_start3A_360] : memref<4x64x128xf32, #tpu.memory_space<vmem>> -> memref<1x64x128xf32, #tpu.memory_space<vmem>>
        %dma_start3A_362 = tpu.memref_squeeze %dma_start3A_361 : memref<1x64x128xf32, #tpu.memory_space<vmem>> -> memref<64x128xf32, #tpu.memory_space<vmem>>
        %dma_start3A_363 = arith.constant 0 : i32
        %dma_start3A_364 = tpu.memref_slice %arg4[%dma_start3A_363, %multiple_of3A_344] : memref<64x1000000xf32, #tpu.memory_space<hbm>> -> memref<64x128xf32, #tpu.memory_space<hbm>>
        %dma_start3A_365 = arith.constant 0 : i32
        %dma_start3A_366 = arith.constant 0 : i32
        %dma_start3A_367 = tpu.memref_slice %arg9[%dma_start3A_358, %dma_start3A_365, %dma_start3A_366] : memref<4x64x128xf32, #tpu.memory_space<vmem>> -> memref<1x64x128xf32, #tpu.memory_space<vmem>>
        %dma_start3A_368 = tpu.memref_squeeze %dma_start3A_367 : memref<1x64x128xf32, #tpu.memory_space<vmem>> -> memref<64x128xf32, #tpu.memory_space<vmem>>
        %dma_start3A_369 = arith.constant 0 : i32
        %dma_start3A_370 = tpu.memref_slice %arg4[%dma_start3A_369, %multiple_of3A_344] : memref<64x1000000xf32, #tpu.memory_space<hbm>> -> memref<64x128xf32, #tpu.memory_space<hbm>>
        tpu.enqueue_dma source(%dma_start3A_370 : memref<64x128xf32, #tpu.memory_space<hbm>>) target(%dma_start3A_368 : memref<64x128xf32, #tpu.memory_space<vmem>>) target_semaphore(%arg19 : memref<!tpu.dma_semaphore, #tpu.memory_space<semaphore_mem>>)
        %slice3A_371 = vector.extract_strided_slice %get3A_300 {offsets = [0], sizes = [1], strides = [1]} : vector<16xi32> to vector<1xi32>
        %squeeze3A_372 = vector.extract %slice3A_371[0] : i32 from vector<1xi32>
        %mul3A_373 = arith.constant 16 : i32
        %mul3A_374 = arith.muli %scan3A_292, %mul3A_373 : i32
        %add3A_375 = arith.constant 0 : i32
        %add3A_376 = arith.addi %mul3A_374, %add3A_375 : i32
        %and3A_377 = arith.constant 127 : i32
        %and3A_378 = arith.andi %squeeze3A_372, %and3A_377 : i32
        %broadcast_in_dim3A = vector.broadcast %and3A_378 : i32 to vector<16xi32>
        %broadcast_in_dim3A_379 = arith.constant 0 : i32
        %broadcast_in_dim3A_380 = vector.broadcast %broadcast_in_dim3A_379 : i32 to vector<16xi32>
        %broadcast_in_dim3A_381 = vector.broadcast %select_n3A_254 : i32 to vector<16xi32>
        %broadcast_in_dim3A_382 = vector.broadcast %add3A_376 : i32 to vector<16xi32>
        %add3A_383 = arith.constant 0 : i32
        %add3A_384 = vector.broadcast %add3A_383 : i32 to vector<16xi32>
        %add3A_385 = arith.addi %iota3A, %add3A_384 : vector<16xi32>
        %gather3A = tpu.vector_load_idx %arg8[%broadcast_in_dim3A_380, %add3A_385, %broadcast_in_dim3A] : memref<4x64x128xf32, #tpu.memory_space<vmem>>[vector<16xi32>, vector<16xi32>, vector<16xi32>], vector<16xf32>,
        %gather3A_386 = tpu.vector_load_idx %arg9[%broadcast_in_dim3A_380, %add3A_385, %broadcast_in_dim3A] : memref<4x64x128xf32, #tpu.memory_space<vmem>>[vector<16xi32>, vector<16xi32>, vector<16xi32>], vector<16xf32>,
        tpu.vector_store_idx %arg10[%broadcast_in_dim3A_381, %add3A_385, %broadcast_in_dim3A_382], %gather3A : memref<2x64x128xf32, #tpu.memory_space<vmem>>[vector<16xi32>, vector<16xi32>, vector<16xi32>], vector<16xf32>,
        tpu.vector_store_idx %arg11[%broadcast_in_dim3A_381, %add3A_385, %broadcast_in_dim3A_382], %gather3A_386 : memref<2x64x128xf32, #tpu.memory_space<vmem>>[vector<16xi32>, vector<16xi32>, vector<16xi32>], vector<16xf32>,
        %add3A_387 = arith.constant 16 : i32
        %add3A_388 = vector.broadcast %add3A_387 : i32 to vector<16xi32>
        %add3A_389 = arith.addi %iota3A, %add3A_388 : vector<16xi32>
        %gather3A_390 = tpu.vector_load_idx %arg8[%broadcast_in_dim3A_380, %add3A_389, %broadcast_in_dim3A] : memref<4x64x128xf32, #tpu.memory_space<vmem>>[vector<16xi32>, vector<16xi32>, vector<16xi32>], vector<16xf32>,
        %gather3A_391 = tpu.vector_load_idx %arg9[%broadcast_in_dim3A_380, %add3A_389, %broadcast_in_dim3A] : memref<4x64x128xf32, #tpu.memory_space<vmem>>[vector<16xi32>, vector<16xi32>, vector<16xi32>], vector<16xf32>,
        tpu.vector_store_idx %arg10[%broadcast_in_dim3A_381, %add3A_389, %broadcast_in_dim3A_382], %gather3A_390 : memref<2x64x128xf32, #tpu.memory_space<vmem>>[vector<16xi32>, vector<16xi32>, vector<16xi32>], vector<16xf32>,
        tpu.vector_store_idx %arg11[%broadcast_in_dim3A_381, %add3A_389, %broadcast_in_dim3A_382], %gather3A_391 : memref<2x64x128xf32, #tpu.memory_space<vmem>>[vector<16xi32>, vector<16xi32>, vector<16xi32>], vector<16xf32>,
        %add3A_392 = arith.constant 32 : i32
        %add3A_393 = vector.broadcast %add3A_392 : i32 to vector<16xi32>
        %add3A_394 = arith.addi %iota3A, %add3A_393 : vector<16xi32>
        %gather3A_395 = tpu.vector_load_idx %arg8[%broadcast_in_dim3A_380, %add3A_394, %broadcast_in_dim3A] : memref<4x64x128xf32, #tpu.memory_space<vmem>>[vector<16xi32>, vector<16xi32>, vector<16xi32>], vector<16xf32>,
        %gather3A_396 = tpu.vector_load_idx %arg9[%broadcast_in_dim3A_380, %add3A_394, %broadcast_in_dim3A] : memref<4x64x128xf32, #tpu.memory_space<vmem>>[vector<16xi32>, vector<16xi32>, vector<16xi32>], vector<16xf32>,
        tpu.vector_store_idx %arg10[%broadcast_in_dim3A_381, %add3A_394, %broadcast_in_dim3A_382], %gather3A_395 : memref<2x64x128xf32, #tpu.memory_space<vmem>>[vector<16xi32>, vector<16xi32>, vector<16xi32>], vector<16xf32>,
        tpu.vector_store_idx %arg11[%broadcast_in_dim3A_381, %add3A_394, %broadcast_in_dim3A_382], %gather3A_396 : memref<2x64x128xf32, #tpu.memory_space<vmem>>[vector<16xi32>, vector<16xi32>, vector<16xi32>], vector<16xf32>,
        %add3A_397 = arith.constant 48 : i32
        %add3A_398 = vector.broadcast %add3A_397 : i32 to vector<16xi32>
        %add3A_399 = arith.addi %iota3A, %add3A_398 : vector<16xi32>
        %gather3A_400 = tpu.vector_load_idx %arg8[%broadcast_in_dim3A_380, %add3A_399, %broadcast_in_dim3A] : memref<4x64x128xf32, #tpu.memory_space<vmem>>[vector<16xi32>, vector<16xi32>, vector<16xi32>], vector<16xf32>,
        %gather3A_401 = tpu.vector_load_idx %arg9[%broadcast_in_dim3A_380, %add3A_399, %broadcast_in_dim3A] : memref<4x64x128xf32, #tpu.memory_space<vmem>>[vector<16xi32>, vector<16xi32>, vector<16xi32>], vector<16xf32>,
        tpu.vector_store_idx %arg10[%broadcast_in_dim3A_381, %add3A_399, %broadcast_in_dim3A_382], %gather3A_400 : memref<2x64x128xf32, #tpu.memory_space<vmem>>[vector<16xi32>, vector<16xi32>, vector<16xi32>], vector<16xf32>,
        tpu.vector_store_idx %arg11[%broadcast_in_dim3A_381, %add3A_399, %broadcast_in_dim3A_382], %gather3A_401 : memref<2x64x128xf32, #tpu.memory_space<vmem>>[vector<16xi32>, vector<16xi32>, vector<16xi32>], vector<16xf32>,
        %dma_wait3A_402 = arith.constant 1 : i32
        %dma_wait3A_403 = arith.constant 0 : i32
        %dma_wait3A_404 = arith.constant 0 : i32
        %dma_wait3A_405 = tpu.memref_slice %arg8[%dma_wait3A_402, %dma_wait3A_403, %dma_wait3A_404] : memref<4x64x128xf32, #tpu.memory_space<vmem>> -> memref<1x64x128xf32, #tpu.memory_space<vmem>>
        %dma_wait3A_406 = tpu.memref_squeeze %dma_wait3A_405 : memref<1x64x128xf32, #tpu.memory_space<vmem>> -> memref<64x128xf32, #tpu.memory_space<vmem>>
        %dma_wait3A_407 = arith.constant 0 : i32
        %dma_wait3A_408 = arith.constant 0 : i32
        %dma_wait3A_409 = tpu.memref_slice %arg3[%dma_wait3A_407, %dma_wait3A_408] : memref<64x1000000xf32, #tpu.memory_space<hbm>> -> memref<64x128xf32, #tpu.memory_space<hbm>>
        %dma_wait3A_410 = arith.constant 0 : i32
        %dma_wait3A_411 = arith.constant 0 : i32
        %dma_wait3A_412 = tpu.memref_slice %arg8[%dma_wait3A_402, %dma_wait3A_410, %dma_wait3A_411] : memref<4x64x128xf32, #tpu.memory_space<vmem>> -> memref<1x64x128xf32, #tpu.memory_space<vmem>>
        %dma_wait3A_413 = tpu.memref_squeeze %dma_wait3A_412 : memref<1x64x128xf32, #tpu.memory_space<vmem>> -> memref<64x128xf32, #tpu.memory_space<vmem>>
        %dma_wait3A_414 = arith.constant 0 : i32
        %dma_wait3A_415 = arith.constant 0 : i32
        %dma_wait3A_416 = tpu.memref_slice %arg3[%dma_wait3A_414, %dma_wait3A_415] : memref<64x1000000xf32, #tpu.memory_space<hbm>> -> memref<64x128xf32, #tpu.memory_space<hbm>>
        tpu.wait_dma2 semaphore(%arg13 : memref<!tpu.dma_semaphore, #tpu.memory_space<semaphore_mem>>) src(%dma_wait3A_416 : memref<64x128xf32, #tpu.memory_space<hbm>>) dst(%dma_wait3A_413 : memref<64x128xf32, #tpu.memory_space<vmem>>)
        %dma_wait3A_417 = arith.constant 1 : i32
        %dma_wait3A_418 = arith.constant 0 : i32
        %dma_wait3A_419 = arith.constant 0 : i32
        %dma_wait3A_420 = tpu.memref_slice %arg9[%dma_wait3A_417, %dma_wait3A_418, %dma_wait3A_419] : memref<4x64x128xf32, #tpu.memory_space<vmem>> -> memref<1x64x128xf32, #tpu.memory_space<vmem>>
        %dma_wait3A_421 = tpu.memref_squeeze %dma_wait3A_420 : memref<1x64x128xf32, #tpu.memory_space<vmem>> -> memref<64x128xf32, #tpu.memory_space<vmem>>
        %dma_wait3A_422 = arith.constant 0 : i32
        %dma_wait3A_423 = arith.constant 0 : i32
        %dma_wait3A_424 = tpu.memref_slice %arg4[%dma_wait3A_422, %dma_wait3A_423] : memref<64x1000000xf32, #tpu.memory_space<hbm>> -> memref<64x128xf32, #tpu.memory_space<hbm>>
        %dma_wait3A_425 = arith.constant 0 : i32
        %dma_wait3A_426 = arith.constant 0 : i32
        %dma_wait3A_427 = tpu.memref_slice %arg9[%dma_wait3A_417, %dma_wait3A_425, %dma_wait3A_426] : memref<4x64x128xf32, #tpu.memory_space<vmem>> -> memref<1x64x128xf32, #tpu.memory_space<vmem>>
        %dma_wait3A_428 = tpu.memref_squeeze %dma_wait3A_427 : memref<1x64x128xf32, #tpu.memory_space<vmem>> -> memref<64x128xf32, #tpu.memory_space<vmem>>
        %dma_wait3A_429 = arith.constant 0 : i32
        %dma_wait3A_430 = arith.constant 0 : i32
        %dma_wait3A_431 = tpu.memref_slice %arg4[%dma_wait3A_429, %dma_wait3A_430] : memref<64x1000000xf32, #tpu.memory_space<hbm>> -> memref<64x128xf32, #tpu.memory_space<hbm>>
        tpu.wait_dma2 semaphore(%arg17 : memref<!tpu.dma_semaphore, #tpu.memory_space<semaphore_mem>>) src(%dma_wait3A_431 : memref<64x128xf32, #tpu.memory_space<hbm>>) dst(%dma_wait3A_428 : memref<64x128xf32, #tpu.memory_space<vmem>>)
        %slice3A_432 = vector.extract_strided_slice %get3A_300 {offsets = [4], sizes = [1], strides = [1]} : vector<16xi32> to vector<1xi32>
        %squeeze3A_433 = vector.extract %slice3A_432[0] : i32 from vector<1xi32>
        %shift_right_arithmetic3A_434 = arith.constant 7 : i32
        %shift_right_arithmetic3A_435 = arith.shrsi %squeeze3A_433, %shift_right_arithmetic3A_434 : i32
        %shift_left3A_436 = arith.constant 7 : i32
        %shift_left3A_437 = arith.shli %shift_right_arithmetic3A_435, %shift_left3A_436 : i32
        %multiple_of3A_438 = tpu.assume_multiple %shift_left3A_437, 128 : i32
        %dma_start3A_439 = arith.constant 0 : i32
        %dma_start3A_440 = arith.constant 0 : i32
        %dma_start3A_441 = arith.constant 0 : i32
        %dma_start3A_442 = tpu.memref_slice %arg8[%dma_start3A_439, %dma_start3A_440, %dma_start3A_441] : memref<4x64x128xf32, #tpu.memory_space<vmem>> -> memref<1x64x128xf32, #tpu.memory_space<vmem>>
        %dma_start3A_443 = tpu.memref_squeeze %dma_start3A_442 : memref<1x64x128xf32, #tpu.memory_space<vmem>> -> memref<64x128xf32, #tpu.memory_space<vmem>>
        %dma_start3A_444 = arith.constant 0 : i32
        %dma_start3A_445 = tpu.memref_slice %arg3[%dma_start3A_444, %multiple_of3A_438] : memref<64x1000000xf32, #tpu.memory_space<hbm>> -> memref<64x128xf32, #tpu.memory_space<hbm>>
        %dma_start3A_446 = arith.constant 0 : i32
        %dma_start3A_447 = arith.constant 0 : i32
        %dma_start3A_448 = tpu.memref_slice %arg8[%dma_start3A_439, %dma_start3A_446, %dma_start3A_447] : memref<4x64x128xf32, #tpu.memory_space<vmem>> -> memref<1x64x128xf32, #tpu.memory_space<vmem>>
        %dma_start3A_449 = tpu.memref_squeeze %dma_start3A_448 : memref<1x64x128xf32, #tpu.memory_space<vmem>> -> memref<64x128xf32, #tpu.memory_space<vmem>>
        %dma_start3A_450 = arith.constant 0 : i32
        %dma_start3A_451 = tpu.memref_slice %arg3[%dma_start3A_450, %multiple_of3A_438] : memref<64x1000000xf32, #tpu.memory_space<hbm>> -> memref<64x128xf32, #tpu.memory_space<hbm>>
        tpu.enqueue_dma source(%dma_start3A_451 : memref<64x128xf32, #tpu.memory_space<hbm>>) target(%dma_start3A_449 : memref<64x128xf32, #tpu.memory_space<vmem>>) target_semaphore(%arg12 : memref<!tpu.dma_semaphore, #tpu.memory_space<semaphore_mem>>)
        %dma_start3A_452 = arith.constant 0 : i32
        %dma_start3A_453 = arith.constant 0 : i32
        %dma_start3A_454 = arith.constant 0 : i32
        %dma_start3A_455 = tpu.memref_slice %arg9[%dma_start3A_452, %dma_start3A_453, %dma_start3A_454] : memref<4x64x128xf32, #tpu.memory_space<vmem>> -> memref<1x64x128xf32, #tpu.memory_space<vmem>>
        %dma_start3A_456 = tpu.memref_squeeze %dma_start3A_455 : memref<1x64x128xf32, #tpu.memory_space<vmem>> -> memref<64x128xf32, #tpu.memory_space<vmem>>
        %dma_start3A_457 = arith.constant 0 : i32
        %dma_start3A_458 = tpu.memref_slice %arg4[%dma_start3A_457, %multiple_of3A_438] : memref<64x1000000xf32, #tpu.memory_space<hbm>> -> memref<64x128xf32, #tpu.memory_space<hbm>>
        %dma_start3A_459 = arith.constant 0 : i32
        %dma_start3A_460 = arith.constant 0 : i32
        %dma_start3A_461 = tpu.memref_slice %arg9[%dma_start3A_452, %dma_start3A_459, %dma_start3A_460] : memref<4x64x128xf32, #tpu.memory_space<vmem>> -> memref<1x64x128xf32, #tpu.memory_space<vmem>>
        %dma_start3A_462 = tpu.memref_squeeze %dma_start3A_461 : memref<1x64x128xf32, #tpu.memory_space<vmem>> -> memref<64x128xf32, #tpu.memory_space<vmem>>
        %dma_start3A_463 = arith.constant 0 : i32
        %dma_start3A_464 = tpu.memref_slice %arg4[%dma_start3A_463, %multiple_of3A_438] : memref<64x1000000xf32, #tpu.memory_space<hbm>> -> memref<64x128xf32, #tpu.memory_space<hbm>>
        tpu.enqueue_dma source(%dma_start3A_464 : memref<64x128xf32, #tpu.memory_space<hbm>>) target(%dma_start3A_462 : memref<64x128xf32, #tpu.memory_space<vmem>>) target_semaphore(%arg16 : memref<!tpu.dma_semaphore, #tpu.memory_space<semaphore_mem>>)
        %slice3A_465 = vector.extract_strided_slice %get3A_300 {offsets = [1], sizes = [1], strides = [1]} : vector<16xi32> to vector<1xi32>
        %squeeze3A_466 = vector.extract %slice3A_465[0] : i32 from vector<1xi32>
        %mul3A_467 = arith.constant 16 : i32
        %mul3A_468 = arith.muli %scan3A_292, %mul3A_467 : i32
        %add3A_469 = arith.constant 1 : i32
        %add3A_470 = arith.addi %mul3A_468, %add3A_469 : i32
        %and3A_471 = arith.constant 127 : i32
        %and3A_472 = arith.andi %squeeze3A_466, %and3A_471 : i32
        %broadcast_in_dim3A_473 = vector.broadcast %and3A_472 : i32 to vector<16xi32>
        %broadcast_in_dim3A_474 = arith.constant 1 : i32
        %broadcast_in_dim3A_475 = vector.broadcast %broadcast_in_dim3A_474 : i32 to vector<16xi32>
        %broadcast_in_dim3A_476 = vector.broadcast %select_n3A_254 : i32 to vector<16xi32>
        %broadcast_in_dim3A_477 = vector.broadcast %add3A_470 : i32 to vector<16xi32>
        %add3A_478 = arith.constant 0 : i32
        %add3A_479 = vector.broadcast %add3A_478 : i32 to vector<16xi32>
        %add3A_480 = arith.addi %iota3A, %add3A_479 : vector<16xi32>
        %gather3A_481 = tpu.vector_load_idx %arg8[%broadcast_in_dim3A_475, %add3A_480, %broadcast_in_dim3A_473] : memref<4x64x128xf32, #tpu.memory_space<vmem>>[vector<16xi32>, vector<16xi32>, vector<16xi32>], vector<16xf32>,
        %gather3A_482 = tpu.vector_load_idx %arg9[%broadcast_in_dim3A_475, %add3A_480, %broadcast_in_dim3A_473] : memref<4x64x128xf32, #tpu.memory_space<vmem>>[vector<16xi32>, vector<16xi32>, vector<16xi32>], vector<16xf32>,
        tpu.vector_store_idx %arg10[%broadcast_in_dim3A_476, %add3A_480, %broadcast_in_dim3A_477], %gather3A_481 : memref<2x64x128xf32, #tpu.memory_space<vmem>>[vector<16xi32>, vector<16xi32>, vector<16xi32>], vector<16xf32>,
        tpu.vector_store_idx %arg11[%broadcast_in_dim3A_476, %add3A_480, %broadcast_in_dim3A_477], %gather3A_482 : memref<2x64x128xf32, #tpu.memory_space<vmem>>[vector<16xi32>, vector<16xi32>, vector<16xi32>], vector<16xf32>,
        %add3A_483 = arith.constant 16 : i32
        %add3A_484 = vector.broadcast %add3A_483 : i32 to vector<16xi32>
        %add3A_485 = arith.addi %iota3A, %add3A_484 : vector<16xi32>
        %gather3A_486 = tpu.vector_load_idx %arg8[%broadcast_in_dim3A_475, %add3A_485, %broadcast_in_dim3A_473] : memref<4x64x128xf32, #tpu.memory_space<vmem>>[vector<16xi32>, vector<16xi32>, vector<16xi32>], vector<16xf32>,
        %gather3A_487 = tpu.vector_load_idx %arg9[%broadcast_in_dim3A_475, %add3A_485, %broadcast_in_dim3A_473] : memref<4x64x128xf32, #tpu.memory_space<vmem>>[vector<16xi32>, vector<16xi32>, vector<16xi32>], vector<16xf32>,
        tpu.vector_store_idx %arg10[%broadcast_in_dim3A_476, %add3A_485, %broadcast_in_dim3A_477], %gather3A_486 : memref<2x64x128xf32, #tpu.memory_space<vmem>>[vector<16xi32>, vector<16xi32>, vector<16xi32>], vector<16xf32>,
        tpu.vector_store_idx %arg11[%broadcast_in_dim3A_476, %add3A_485, %broadcast_in_dim3A_477], %gather3A_487 : memref<2x64x128xf32, #tpu.memory_space<vmem>>[vector<16xi32>, vector<16xi32>, vector<16xi32>], vector<16xf32>,
        %add3A_488 = arith.constant 32 : i32
        %add3A_489 = vector.broadcast %add3A_488 : i32 to vector<16xi32>
        %add3A_490 = arith.addi %iota3A, %add3A_489 : vector<16xi32>
        %gather3A_491 = tpu.vector_load_idx %arg8[%broadcast_in_dim3A_475, %add3A_490, %broadcast_in_dim3A_473] : memref<4x64x128xf32, #tpu.memory_space<vmem>>[vector<16xi32>, vector<16xi32>, vector<16xi32>], vector<16xf32>,
        %gather3A_492 = tpu.vector_load_idx %arg9[%broadcast_in_dim3A_475, %add3A_490, %broadcast_in_dim3A_473] : memref<4x64x128xf32, #tpu.memory_space<vmem>>[vector<16xi32>, vector<16xi32>, vector<16xi32>], vector<16xf32>,
        tpu.vector_store_idx %arg10[%broadcast_in_dim3A_476, %add3A_490, %broadcast_in_dim3A_477], %gather3A_491 : memref<2x64x128xf32, #tpu.memory_space<vmem>>[vector<16xi32>, vector<16xi32>, vector<16xi32>], vector<16xf32>,
        tpu.vector_store_idx %arg11[%broadcast_in_dim3A_476, %add3A_490, %broadcast_in_dim3A_477], %gather3A_492 : memref<2x64x128xf32, #tpu.memory_space<vmem>>[vector<16xi32>, vector<16xi32>, vector<16xi32>], vector<16xf32>,
        %add3A_493 = arith.constant 48 : i32
        %add3A_494 = vector.broadcast %add3A_493 : i32 to vector<16xi32>
        %add3A_495 = arith.addi %iota3A, %add3A_494 : vector<16xi32>
        %gather3A_496 = tpu.vector_load_idx %arg8[%broadcast_in_dim3A_475, %add3A_495, %broadcast_in_dim3A_473] : memref<4x64x128xf32, #tpu.memory_space<vmem>>[vector<16xi32>, vector<16xi32>, vector<16xi32>], vector<16xf32>,
        %gather3A_497 = tpu.vector_load_idx %arg9[%broadcast_in_dim3A_475, %add3A_495, %broadcast_in_dim3A_473] : memref<4x64x128xf32, #tpu.memory_space<vmem>>[vector<16xi32>, vector<16xi32>, vector<16xi32>], vector<16xf32>,
        tpu.vector_store_idx %arg10[%broadcast_in_dim3A_476, %add3A_495, %broadcast_in_dim3A_477], %gather3A_496 : memref<2x64x128xf32, #tpu.memory_space<vmem>>[vector<16xi32>, vector<16xi32>, vector<16xi32>], vector<16xf32>,
        tpu.vector_store_idx %arg11[%broadcast_in_dim3A_476, %add3A_495, %broadcast_in_dim3A_477], %gather3A_497 : memref<2x64x128xf32, #tpu.memory_space<vmem>>[vector<16xi32>, vector<16xi32>, vector<16xi32>], vector<16xf32>,
        %dma_wait3A_498 = arith.constant 2 : i32
        %dma_wait3A_499 = arith.constant 0 : i32
        %dma_wait3A_500 = arith.constant 0 : i32
        %dma_wait3A_501 = tpu.memref_slice %arg8[%dma_wait3A_498, %dma_wait3A_499, %dma_wait3A_500] : memref<4x64x128xf32, #tpu.memory_space<vmem>> -> memref<1x64x128xf32, #tpu.memory_space<vmem>>
        %dma_wait3A_502 = tpu.memref_squeeze %dma_wait3A_501 : memref<1x64x128xf32, #tpu.memory_space<vmem>> -> memref<64x128xf32, #tpu.memory_space<vmem>>
        %dma_wait3A_503 = arith.constant 0 : i32
        %dma_wait3A_504 = arith.constant 0 : i32
        %dma_wait3A_505 = tpu.memref_slice %arg3[%dma_wait3A_503, %dma_wait3A_504] : memref<64x1000000xf32, #tpu.memory_space<hbm>> -> memref<64x128xf32, #tpu.memory_space<hbm>>
        %dma_wait3A_506 = arith.constant 0 : i32
        %dma_wait3A_507 = arith.constant 0 : i32
        %dma_wait3A_508 = tpu.memref_slice %arg8[%dma_wait3A_498, %dma_wait3A_506, %dma_wait3A_507] : memref<4x64x128xf32, #tpu.memory_space<vmem>> -> memref<1x64x128xf32, #tpu.memory_space<vmem>>
        %dma_wait3A_509 = tpu.memref_squeeze %dma_wait3A_508 : memref<1x64x128xf32, #tpu.memory_space<vmem>> -> memref<64x128xf32, #tpu.memory_space<vmem>>
        %dma_wait3A_510 = arith.constant 0 : i32
        %dma_wait3A_511 = arith.constant 0 : i32
        %dma_wait3A_512 = tpu.memref_slice %arg3[%dma_wait3A_510, %dma_wait3A_511] : memref<64x1000000xf32, #tpu.memory_space<hbm>> -> memref<64x128xf32, #tpu.memory_space<hbm>>
        tpu.wait_dma2 semaphore(%arg14 : memref<!tpu.dma_semaphore, #tpu.memory_space<semaphore_mem>>) src(%dma_wait3A_512 : memref<64x128xf32, #tpu.memory_space<hbm>>) dst(%dma_wait3A_509 : memref<64x128xf32, #tpu.memory_space<vmem>>)
        %dma_wait3A_513 = arith.constant 2 : i32
        %dma_wait3A_514 = arith.constant 0 : i32
        %dma_wait3A_515 = arith.constant 0 : i32
        %dma_wait3A_516 = tpu.memref_slice %arg9[%dma_wait3A_513, %dma_wait3A_514, %dma_wait3A_515] : memref<4x64x128xf32, #tpu.memory_space<vmem>> -> memref<1x64x128xf32, #tpu.memory_space<vmem>>
        %dma_wait3A_517 = tpu.memref_squeeze %dma_wait3A_516 : memref<1x64x128xf32, #tpu.memory_space<vmem>> -> memref<64x128xf32, #tpu.memory_space<vmem>>
        %dma_wait3A_518 = arith.constant 0 : i32
        %dma_wait3A_519 = arith.constant 0 : i32
        %dma_wait3A_520 = tpu.memref_slice %arg4[%dma_wait3A_518, %dma_wait3A_519] : memref<64x1000000xf32, #tpu.memory_space<hbm>> -> memref<64x128xf32, #tpu.memory_space<hbm>>
        %dma_wait3A_521 = arith.constant 0 : i32
        %dma_wait3A_522 = arith.constant 0 : i32
        %dma_wait3A_523 = tpu.memref_slice %arg9[%dma_wait3A_513, %dma_wait3A_521, %dma_wait3A_522] : memref<4x64x128xf32, #tpu.memory_space<vmem>> -> memref<1x64x128xf32, #tpu.memory_space<vmem>>
        %dma_wait3A_524 = tpu.memref_squeeze %dma_wait3A_523 : memref<1x64x128xf32, #tpu.memory_space<vmem>> -> memref<64x128xf32, #tpu.memory_space<vmem>>
        %dma_wait3A_525 = arith.constant 0 : i32
        %dma_wait3A_526 = arith.constant 0 : i32
        %dma_wait3A_527 = tpu.memref_slice %arg4[%dma_wait3A_525, %dma_wait3A_526] : memref<64x1000000xf32, #tpu.memory_space<hbm>> -> memref<64x128xf32, #tpu.memory_space<hbm>>
        tpu.wait_dma2 semaphore(%arg18 : memref<!tpu.dma_semaphore, #tpu.memory_space<semaphore_mem>>) src(%dma_wait3A_527 : memref<64x128xf32, #tpu.memory_space<hbm>>) dst(%dma_wait3A_524 : memref<64x128xf32, #tpu.memory_space<vmem>>)
        %slice3A_528 = vector.extract_strided_slice %get3A_300 {offsets = [5], sizes = [1], strides = [1]} : vector<16xi32> to vector<1xi32>
        %squeeze3A_529 = vector.extract %slice3A_528[0] : i32 from vector<1xi32>
        %shift_right_arithmetic3A_530 = arith.constant 7 : i32
        %shift_right_arithmetic3A_531 = arith.shrsi %squeeze3A_529, %shift_right_arithmetic3A_530 : i32
        %shift_left3A_532 = arith.constant 7 : i32
        %shift_left3A_533 = arith.shli %shift_right_arithmetic3A_531, %shift_left3A_532 : i32
        %multiple_of3A_534 = tpu.assume_multiple %shift_left3A_533, 128 : i32
        %dma_start3A_535 = arith.constant 1 : i32
        %dma_start3A_536 = arith.constant 0 : i32
        %dma_start3A_537 = arith.constant 0 : i32
        %dma_start3A_538 = tpu.memref_slice %arg8[%dma_start3A_535, %dma_start3A_536, %dma_start3A_537] : memref<4x64x128xf32, #tpu.memory_space<vmem>> -> memref<1x64x128xf32, #tpu.memory_space<vmem>>
        %dma_start3A_539 = tpu.memref_squeeze %dma_start3A_538 : memref<1x64x128xf32, #tpu.memory_space<vmem>> -> memref<64x128xf32, #tpu.memory_space<vmem>>
        %dma_start3A_540 = arith.constant 0 : i32
        %dma_start3A_541 = tpu.memref_slice %arg3[%dma_start3A_540, %multiple_of3A_534] : memref<64x1000000xf32, #tpu.memory_space<hbm>> -> memref<64x128xf32, #tpu.memory_space<hbm>>
        %dma_start3A_542 = arith.constant 0 : i32
        %dma_start3A_543 = arith.constant 0 : i32
        %dma_start3A_544 = tpu.memref_slice %arg8[%dma_start3A_535, %dma_start3A_542, %dma_start3A_543] : memref<4x64x128xf32, #tpu.memory_space<vmem>> -> memref<1x64x128xf32, #tpu.memory_space<vmem>>
        %dma_start3A_545 = tpu.memref_squeeze %dma_start3A_544 : memref<1x64x128xf32, #tpu.memory_space<vmem>> -> memref<64x128xf32, #tpu.memory_space<vmem>>
        %dma_start3A_546 = arith.constant 0 : i32
        %dma_start3A_547 = tpu.memref_slice %arg3[%dma_start3A_546, %multiple_of3A_534] : memref<64x1000000xf32, #tpu.memory_space<hbm>> -> memref<64x128xf32, #tpu.memory_space<hbm>>
        tpu.enqueue_dma source(%dma_start3A_547 : memref<64x128xf32, #tpu.memory_space<hbm>>) target(%dma_start3A_545 : memref<64x128xf32, #tpu.memory_space<vmem>>) target_semaphore(%arg13 : memref<!tpu.dma_semaphore, #tpu.memory_space<semaphore_mem>>)
        %dma_start3A_548 = arith.constant 1 : i32
        %dma_start3A_549 = arith.constant 0 : i32
        %dma_start3A_550 = arith.constant 0 : i32
        %dma_start3A_551 = tpu.memref_slice %arg9[%dma_start3A_548, %dma_start3A_549, %dma_start3A_550] : memref<4x64x128xf32, #tpu.memory_space<vmem>> -> memref<1x64x128xf32, #tpu.memory_space<vmem>>
        %dma_start3A_552 = tpu.memref_squeeze %dma_start3A_551 : memref<1x64x128xf32, #tpu.memory_space<vmem>> -> memref<64x128xf32, #tpu.memory_space<vmem>>
        %dma_start3A_553 = arith.constant 0 : i32
        %dma_start3A_554 = tpu.memref_slice %arg4[%dma_start3A_553, %multiple_of3A_534] : memref<64x1000000xf32, #tpu.memory_space<hbm>> -> memref<64x128xf32, #tpu.memory_space<hbm>>
        %dma_start3A_555 = arith.constant 0 : i32
        %dma_start3A_556 = arith.constant 0 : i32
        %dma_start3A_557 = tpu.memref_slice %arg9[%dma_start3A_548, %dma_start3A_555, %dma_start3A_556] : memref<4x64x128xf32, #tpu.memory_space<vmem>> -> memref<1x64x128xf32, #tpu.memory_space<vmem>>
        %dma_start3A_558 = tpu.memref_squeeze %dma_start3A_557 : memref<1x64x128xf32, #tpu.memory_space<vmem>> -> memref<64x128xf32, #tpu.memory_space<vmem>>
        %dma_start3A_559 = arith.constant 0 : i32
        %dma_start3A_560 = tpu.memref_slice %arg4[%dma_start3A_559, %multiple_of3A_534] : memref<64x1000000xf32, #tpu.memory_space<hbm>> -> memref<64x128xf32, #tpu.memory_space<hbm>>
        tpu.enqueue_dma source(%dma_start3A_560 : memref<64x128xf32, #tpu.memory_space<hbm>>) target(%dma_start3A_558 : memref<64x128xf32, #tpu.memory_space<vmem>>) target_semaphore(%arg17 : memref<!tpu.dma_semaphore, #tpu.memory_space<semaphore_mem>>)
        %slice3A_561 = vector.extract_strided_slice %get3A_300 {offsets = [2], sizes = [1], strides = [1]} : vector<16xi32> to vector<1xi32>
        %squeeze3A_562 = vector.extract %slice3A_561[0] : i32 from vector<1xi32>
        %mul3A_563 = arith.constant 16 : i32
        %mul3A_564 = arith.muli %scan3A_292, %mul3A_563 : i32
        %add3A_565 = arith.constant 2 : i32
        %add3A_566 = arith.addi %mul3A_564, %add3A_565 : i32
        %and3A_567 = arith.constant 127 : i32
        %and3A_568 = arith.andi %squeeze3A_562, %and3A_567 : i32
        %broadcast_in_dim3A_569 = vector.broadcast %and3A_568 : i32 to vector<16xi32>
        %broadcast_in_dim3A_570 = arith.constant 2 : i32
        %broadcast_in_dim3A_571 = vector.broadcast %broadcast_in_dim3A_570 : i32 to vector<16xi32>
        %broadcast_in_dim3A_572 = vector.broadcast %select_n3A_254 : i32 to vector<16xi32>
        %broadcast_in_dim3A_573 = vector.broadcast %add3A_566 : i32 to vector<16xi32>
        %add3A_574 = arith.constant 0 : i32
        %add3A_575 = vector.broadcast %add3A_574 : i32 to vector<16xi32>
        %add3A_576 = arith.addi %iota3A, %add3A_575 : vector<16xi32>
        %gather3A_577 = tpu.vector_load_idx %arg8[%broadcast_in_dim3A_571, %add3A_576, %broadcast_in_dim3A_569] : memref<4x64x128xf32, #tpu.memory_space<vmem>>[vector<16xi32>, vector<16xi32>, vector<16xi32>], vector<16xf32>,
        %gather3A_578 = tpu.vector_load_idx %arg9[%broadcast_in_dim3A_571, %add3A_576, %broadcast_in_dim3A_569] : memref<4x64x128xf32, #tpu.memory_space<vmem>>[vector<16xi32>, vector<16xi32>, vector<16xi32>], vector<16xf32>,
        tpu.vector_store_idx %arg10[%broadcast_in_dim3A_572, %add3A_576, %broadcast_in_dim3A_573], %gather3A_577 : memref<2x64x128xf32, #tpu.memory_space<vmem>>[vector<16xi32>, vector<16xi32>, vector<16xi32>], vector<16xf32>,
        tpu.vector_store_idx %arg11[%broadcast_in_dim3A_572, %add3A_576, %broadcast_in_dim3A_573], %gather3A_578 : memref<2x64x128xf32, #tpu.memory_space<vmem>>[vector<16xi32>, vector<16xi32>, vector<16xi32>], vector<16xf32>,
        %add3A_579 = arith.constant 16 : i32
        %add3A_580 = vector.broadcast %add3A_579 : i32 to vector<16xi32>
        %add3A_581 = arith.addi %iota3A, %add3A_580 : vector<16xi32>
        %gather3A_582 = tpu.vector_load_idx %arg8[%broadcast_in_dim3A_571, %add3A_581, %broadcast_in_dim3A_569] : memref<4x64x128xf32, #tpu.memory_space<vmem>>[vector<16xi32>, vector<16xi32>, vector<16xi32>], vector<16xf32>,
        %gather3A_583 = tpu.vector_load_idx %arg9[%broadcast_in_dim3A_571, %add3A_581, %broadcast_in_dim3A_569] : memref<4x64x128xf32, #tpu.memory_space<vmem>>[vector<16xi32>, vector<16xi32>, vector<16xi32>], vector<16xf32>,
        tpu.vector_store_idx %arg10[%broadcast_in_dim3A_572, %add3A_581, %broadcast_in_dim3A_573], %gather3A_582 : memref<2x64x128xf32, #tpu.memory_space<vmem>>[vector<16xi32>, vector<16xi32>, vector<16xi32>], vector<16xf32>,
        tpu.vector_store_idx %arg11[%broadcast_in_dim3A_572, %add3A_581, %broadcast_in_dim3A_573], %gather3A_583 : memref<2x64x128xf32, #tpu.memory_space<vmem>>[vector<16xi32>, vector<16xi32>, vector<16xi32>], vector<16xf32>,
        %add3A_584 = arith.constant 32 : i32
        %add3A_585 = vector.broadcast %add3A_584 : i32 to vector<16xi32>
        %add3A_586 = arith.addi %iota3A, %add3A_585 : vector<16xi32>
        %gather3A_587 = tpu.vector_load_idx %arg8[%broadcast_in_dim3A_571, %add3A_586, %broadcast_in_dim3A_569] : memref<4x64x128xf32, #tpu.memory_space<vmem>>[vector<16xi32>, vector<16xi32>, vector<16xi32>], vector<16xf32>,
        %gather3A_588 = tpu.vector_load_idx %arg9[%broadcast_in_dim3A_571, %add3A_586, %broadcast_in_dim3A_569] : memref<4x64x128xf32, #tpu.memory_space<vmem>>[vector<16xi32>, vector<16xi32>, vector<16xi32>], vector<16xf32>,
        tpu.vector_store_idx %arg10[%broadcast_in_dim3A_572, %add3A_586, %broadcast_in_dim3A_573], %gather3A_587 : memref<2x64x128xf32, #tpu.memory_space<vmem>>[vector<16xi32>, vector<16xi32>, vector<16xi32>], vector<16xf32>,
        tpu.vector_store_idx %arg11[%broadcast_in_dim3A_572, %add3A_586, %broadcast_in_dim3A_573], %gather3A_588 : memref<2x64x128xf32, #tpu.memory_space<vmem>>[vector<16xi32>, vector<16xi32>, vector<16xi32>], vector<16xf32>,
        %add3A_589 = arith.constant 48 : i32
        %add3A_590 = vector.broadcast %add3A_589 : i32 to vector<16xi32>
        %add3A_591 = arith.addi %iota3A, %add3A_590 : vector<16xi32>
        %gather3A_592 = tpu.vector_load_idx %arg8[%broadcast_in_dim3A_571, %add3A_591, %broadcast_in_dim3A_569] : memref<4x64x128xf32, #tpu.memory_space<vmem>>[vector<16xi32>, vector<16xi32>, vector<16xi32>], vector<16xf32>,
        %gather3A_593 = tpu.vector_load_idx %arg9[%broadcast_in_dim3A_571, %add3A_591, %broadcast_in_dim3A_569] : memref<4x64x128xf32, #tpu.memory_space<vmem>>[vector<16xi32>, vector<16xi32>, vector<16xi32>], vector<16xf32>,
        tpu.vector_store_idx %arg10[%broadcast_in_dim3A_572, %add3A_591, %broadcast_in_dim3A_573], %gather3A_592 : memref<2x64x128xf32, #tpu.memory_space<vmem>>[vector<16xi32>, vector<16xi32>, vector<16xi32>], vector<16xf32>,
        tpu.vector_store_idx %arg11[%broadcast_in_dim3A_572, %add3A_591, %broadcast_in_dim3A_573], %gather3A_593 : memref<2x64x128xf32, #tpu.memory_space<vmem>>[vector<16xi32>, vector<16xi32>, vector<16xi32>], vector<16xf32>,
        %dma_wait3A_594 = arith.constant 3 : i32
        %dma_wait3A_595 = arith.constant 0 : i32
        %dma_wait3A_596 = arith.constant 0 : i32
        %dma_wait3A_597 = tpu.memref_slice %arg8[%dma_wait3A_594, %dma_wait3A_595, %dma_wait3A_596] : memref<4x64x128xf32, #tpu.memory_space<vmem>> -> memref<1x64x128xf32, #tpu.memory_space<vmem>>
        %dma_wait3A_598 = tpu.memref_squeeze %dma_wait3A_597 : memref<1x64x128xf32, #tpu.memory_space<vmem>> -> memref<64x128xf32, #tpu.memory_space<vmem>>
        %dma_wait3A_599 = arith.constant 0 : i32
        %dma_wait3A_600 = arith.constant 0 : i32
        %dma_wait3A_601 = tpu.memref_slice %arg3[%dma_wait3A_599, %dma_wait3A_600] : memref<64x1000000xf32, #tpu.memory_space<hbm>> -> memref<64x128xf32, #tpu.memory_space<hbm>>
        %dma_wait3A_602 = arith.constant 0 : i32
        %dma_wait3A_603 = arith.constant 0 : i32
        %dma_wait3A_604 = tpu.memref_slice %arg8[%dma_wait3A_594, %dma_wait3A_602, %dma_wait3A_603] : memref<4x64x128xf32, #tpu.memory_space<vmem>> -> memref<1x64x128xf32, #tpu.memory_space<vmem>>
        %dma_wait3A_605 = tpu.memref_squeeze %dma_wait3A_604 : memref<1x64x128xf32, #tpu.memory_space<vmem>> -> memref<64x128xf32, #tpu.memory_space<vmem>>
        %dma_wait3A_606 = arith.constant 0 : i32
        %dma_wait3A_607 = arith.constant 0 : i32
        %dma_wait3A_608 = tpu.memref_slice %arg3[%dma_wait3A_606, %dma_wait3A_607] : memref<64x1000000xf32, #tpu.memory_space<hbm>> -> memref<64x128xf32, #tpu.memory_space<hbm>>
        tpu.wait_dma2 semaphore(%arg15 : memref<!tpu.dma_semaphore, #tpu.memory_space<semaphore_mem>>) src(%dma_wait3A_608 : memref<64x128xf32, #tpu.memory_space<hbm>>) dst(%dma_wait3A_605 : memref<64x128xf32, #tpu.memory_space<vmem>>)
        %dma_wait3A_609 = arith.constant 3 : i32
        %dma_wait3A_610 = arith.constant 0 : i32
        %dma_wait3A_611 = arith.constant 0 : i32
        %dma_wait3A_612 = tpu.memref_slice %arg9[%dma_wait3A_609, %dma_wait3A_610, %dma_wait3A_611] : memref<4x64x128xf32, #tpu.memory_space<vmem>> -> memref<1x64x128xf32, #tpu.memory_space<vmem>>
        %dma_wait3A_613 = tpu.memref_squeeze %dma_wait3A_612 : memref<1x64x128xf32, #tpu.memory_space<vmem>> -> memref<64x128xf32, #tpu.memory_space<vmem>>
        %dma_wait3A_614 = arith.constant 0 : i32
        %dma_wait3A_615 = arith.constant 0 : i32
        %dma_wait3A_616 = tpu.memref_slice %arg4[%dma_wait3A_614, %dma_wait3A_615] : memref<64x1000000xf32, #tpu.memory_space<hbm>> -> memref<64x128xf32, #tpu.memory_space<hbm>>
        %dma_wait3A_617 = arith.constant 0 : i32
        %dma_wait3A_618 = arith.constant 0 : i32
        %dma_wait3A_619 = tpu.memref_slice %arg9[%dma_wait3A_609, %dma_wait3A_617, %dma_wait3A_618] : memref<4x64x128xf32, #tpu.memory_space<vmem>> -> memref<1x64x128xf32, #tpu.memory_space<vmem>>
        %dma_wait3A_620 = tpu.memref_squeeze %dma_wait3A_619 : memref<1x64x128xf32, #tpu.memory_space<vmem>> -> memref<64x128xf32, #tpu.memory_space<vmem>>
        %dma_wait3A_621 = arith.constant 0 : i32
        %dma_wait3A_622 = arith.constant 0 : i32
        %dma_wait3A_623 = tpu.memref_slice %arg4[%dma_wait3A_621, %dma_wait3A_622] : memref<64x1000000xf32, #tpu.memory_space<hbm>> -> memref<64x128xf32, #tpu.memory_space<hbm>>
        tpu.wait_dma2 semaphore(%arg19 : memref<!tpu.dma_semaphore, #tpu.memory_space<semaphore_mem>>) src(%dma_wait3A_623 : memref<64x128xf32, #tpu.memory_space<hbm>>) dst(%dma_wait3A_620 : memref<64x128xf32, #tpu.memory_space<vmem>>)
        %slice3A_624 = vector.extract_strided_slice %get3A_300 {offsets = [6], sizes = [1], strides = [1]} : vector<16xi32> to vector<1xi32>
        %squeeze3A_625 = vector.extract %slice3A_624[0] : i32 from vector<1xi32>
        %shift_right_arithmetic3A_626 = arith.constant 7 : i32
        %shift_right_arithmetic3A_627 = arith.shrsi %squeeze3A_625, %shift_right_arithmetic3A_626 : i32
        %shift_left3A_628 = arith.constant 7 : i32
        %shift_left3A_629 = arith.shli %shift_right_arithmetic3A_627, %shift_left3A_628 : i32
        %multiple_of3A_630 = tpu.assume_multiple %shift_left3A_629, 128 : i32
        %dma_start3A_631 = arith.constant 2 : i32
        %dma_start3A_632 = arith.constant 0 : i32
        %dma_start3A_633 = arith.constant 0 : i32
        %dma_start3A_634 = tpu.memref_slice %arg8[%dma_start3A_631, %dma_start3A_632, %dma_start3A_633] : memref<4x64x128xf32, #tpu.memory_space<vmem>> -> memref<1x64x128xf32, #tpu.memory_space<vmem>>
        %dma_start3A_635 = tpu.memref_squeeze %dma_start3A_634 : memref<1x64x128xf32, #tpu.memory_space<vmem>> -> memref<64x128xf32, #tpu.memory_space<vmem>>
        %dma_start3A_636 = arith.constant 0 : i32
        %dma_start3A_637 = tpu.memref_slice %arg3[%dma_start3A_636, %multiple_of3A_630] : memref<64x1000000xf32, #tpu.memory_space<hbm>> -> memref<64x128xf32, #tpu.memory_space<hbm>>
        %dma_start3A_638 = arith.constant 0 : i32
        %dma_start3A_639 = arith.constant 0 : i32
        %dma_start3A_640 = tpu.memref_slice %arg8[%dma_start3A_631, %dma_start3A_638, %dma_start3A_639] : memref<4x64x128xf32, #tpu.memory_space<vmem>> -> memref<1x64x128xf32, #tpu.memory_space<vmem>>
        %dma_start3A_641 = tpu.memref_squeeze %dma_start3A_640 : memref<1x64x128xf32, #tpu.memory_space<vmem>> -> memref<64x128xf32, #tpu.memory_space<vmem>>
        %dma_start3A_642 = arith.constant 0 : i32
        %dma_start3A_643 = tpu.memref_slice %arg3[%dma_start3A_642, %multiple_of3A_630] : memref<64x1000000xf32, #tpu.memory_space<hbm>> -> memref<64x128xf32, #tpu.memory_space<hbm>>
        tpu.enqueue_dma source(%dma_start3A_643 : memref<64x128xf32, #tpu.memory_space<hbm>>) target(%dma_start3A_641 : memref<64x128xf32, #tpu.memory_space<vmem>>) target_semaphore(%arg14 : memref<!tpu.dma_semaphore, #tpu.memory_space<semaphore_mem>>)
        %dma_start3A_644 = arith.constant 2 : i32
        %dma_start3A_645 = arith.constant 0 : i32
        %dma_start3A_646 = arith.constant 0 : i32
        %dma_start3A_647 = tpu.memref_slice %arg9[%dma_start3A_644, %dma_start3A_645, %dma_start3A_646] : memref<4x64x128xf32, #tpu.memory_space<vmem>> -> memref<1x64x128xf32, #tpu.memory_space<vmem>>
        %dma_start3A_648 = tpu.memref_squeeze %dma_start3A_647 : memref<1x64x128xf32, #tpu.memory_space<vmem>> -> memref<64x128xf32, #tpu.memory_space<vmem>>
        %dma_start3A_649 = arith.constant 0 : i32
        %dma_start3A_650 = tpu.memref_slice %arg4[%dma_start3A_649, %multiple_of3A_630] : memref<64x1000000xf32, #tpu.memory_space<hbm>> -> memref<64x128xf32, #tpu.memory_space<hbm>>
        %dma_start3A_651 = arith.constant 0 : i32
        %dma_start3A_652 = arith.constant 0 : i32
        %dma_start3A_653 = tpu.memref_slice %arg9[%dma_start3A_644, %dma_start3A_651, %dma_start3A_652] : memref<4x64x128xf32, #tpu.memory_space<vmem>> -> memref<1x64x128xf32, #tpu.memory_space<vmem>>
        %dma_start3A_654 = tpu.memref_squeeze %dma_start3A_653 : memref<1x64x128xf32, #tpu.memory_space<vmem>> -> memref<64x128xf32, #tpu.memory_space<vmem>>
        %dma_start3A_655 = arith.constant 0 : i32
        %dma_start3A_656 = tpu.memref_slice %arg4[%dma_start3A_655, %multiple_of3A_630] : memref<64x1000000xf32, #tpu.memory_space<hbm>> -> memref<64x128xf32, #tpu.memory_space<hbm>>
        tpu.enqueue_dma source(%dma_start3A_656 : memref<64x128xf32, #tpu.memory_space<hbm>>) target(%dma_start3A_654 : memref<64x128xf32, #tpu.memory_space<vmem>>) target_semaphore(%arg18 : memref<!tpu.dma_semaphore, #tpu.memory_space<semaphore_mem>>)
        %slice3A_657 = vector.extract_strided_slice %get3A_300 {offsets = [3], sizes = [1], strides = [1]} : vector<16xi32> to vector<1xi32>
        %squeeze3A_658 = vector.extract %slice3A_657[0] : i32 from vector<1xi32>
        %mul3A_659 = arith.constant 16 : i32
        %mul3A_660 = arith.muli %scan3A_292, %mul3A_659 : i32
        %add3A_661 = arith.constant 3 : i32
        %add3A_662 = arith.addi %mul3A_660, %add3A_661 : i32
        %and3A_663 = arith.constant 127 : i32
        %and3A_664 = arith.andi %squeeze3A_658, %and3A_663 : i32
        %broadcast_in_dim3A_665 = vector.broadcast %and3A_664 : i32 to vector<16xi32>
        %broadcast_in_dim3A_666 = arith.constant 3 : i32
        %broadcast_in_dim3A_667 = vector.broadcast %broadcast_in_dim3A_666 : i32 to vector<16xi32>
        %broadcast_in_dim3A_668 = vector.broadcast %select_n3A_254 : i32 to vector<16xi32>
        %broadcast_in_dim3A_669 = vector.broadcast %add3A_662 : i32 to vector<16xi32>
        %add3A_670 = arith.constant 0 : i32
        %add3A_671 = vector.broadcast %add3A_670 : i32 to vector<16xi32>
        %add3A_672 = arith.addi %iota3A, %add3A_671 : vector<16xi32>
        %gather3A_673 = tpu.vector_load_idx %arg8[%broadcast_in_dim3A_667, %add3A_672, %broadcast_in_dim3A_665] : memref<4x64x128xf32, #tpu.memory_space<vmem>>[vector<16xi32>, vector<16xi32>, vector<16xi32>], vector<16xf32>,
        %gather3A_674 = tpu.vector_load_idx %arg9[%broadcast_in_dim3A_667, %add3A_672, %broadcast_in_dim3A_665] : memref<4x64x128xf32, #tpu.memory_space<vmem>>[vector<16xi32>, vector<16xi32>, vector<16xi32>], vector<16xf32>,
        tpu.vector_store_idx %arg10[%broadcast_in_dim3A_668, %add3A_672, %broadcast_in_dim3A_669], %gather3A_673 : memref<2x64x128xf32, #tpu.memory_space<vmem>>[vector<16xi32>, vector<16xi32>, vector<16xi32>], vector<16xf32>,
        tpu.vector_store_idx %arg11[%broadcast_in_dim3A_668, %add3A_672, %broadcast_in_dim3A_669], %gather3A_674 : memref<2x64x128xf32, #tpu.memory_space<vmem>>[vector<16xi32>, vector<16xi32>, vector<16xi32>], vector<16xf32>,
        %add3A_675 = arith.constant 16 : i32
        %add3A_676 = vector.broadcast %add3A_675 : i32 to vector<16xi32>
        %add3A_677 = arith.addi %iota3A, %add3A_676 : vector<16xi32>
        %gather3A_678 = tpu.vector_load_idx %arg8[%broadcast_in_dim3A_667, %add3A_677, %broadcast_in_dim3A_665] : memref<4x64x128xf32, #tpu.memory_space<vmem>>[vector<16xi32>, vector<16xi32>, vector<16xi32>], vector<16xf32>,
        %gather3A_679 = tpu.vector_load_idx %arg9[%broadcast_in_dim3A_667, %add3A_677, %broadcast_in_dim3A_665] : memref<4x64x128xf32, #tpu.memory_space<vmem>>[vector<16xi32>, vector<16xi32>, vector<16xi32>], vector<16xf32>,
        tpu.vector_store_idx %arg10[%broadcast_in_dim3A_668, %add3A_677, %broadcast_in_dim3A_669], %gather3A_678 : memref<2x64x128xf32, #tpu.memory_space<vmem>>[vector<16xi32>, vector<16xi32>, vector<16xi32>], vector<16xf32>,
        tpu.vector_store_idx %arg11[%broadcast_in_dim3A_668, %add3A_677, %broadcast_in_dim3A_669], %gather3A_679 : memref<2x64x128xf32, #tpu.memory_space<vmem>>[vector<16xi32>, vector<16xi32>, vector<16xi32>], vector<16xf32>,
        %add3A_680 = arith.constant 32 : i32
        %add3A_681 = vector.broadcast %add3A_680 : i32 to vector<16xi32>
        %add3A_682 = arith.addi %iota3A, %add3A_681 : vector<16xi32>
        %gather3A_683 = tpu.vector_load_idx %arg8[%broadcast_in_dim3A_667, %add3A_682, %broadcast_in_dim3A_665] : memref<4x64x128xf32, #tpu.memory_space<vmem>>[vector<16xi32>, vector<16xi32>, vector<16xi32>], vector<16xf32>,
        %gather3A_684 = tpu.vector_load_idx %arg9[%broadcast_in_dim3A_667, %add3A_682, %broadcast_in_dim3A_665] : memref<4x64x128xf32, #tpu.memory_space<vmem>>[vector<16xi32>, vector<16xi32>, vector<16xi32>], vector<16xf32>,
        tpu.vector_store_idx %arg10[%broadcast_in_dim3A_668, %add3A_682, %broadcast_in_dim3A_669], %gather3A_683 : memref<2x64x128xf32, #tpu.memory_space<vmem>>[vector<16xi32>, vector<16xi32>, vector<16xi32>], vector<16xf32>,
        tpu.vector_store_idx %arg11[%broadcast_in_dim3A_668, %add3A_682, %broadcast_in_dim3A_669], %gather3A_684 : memref<2x64x128xf32, #tpu.memory_space<vmem>>[vector<16xi32>, vector<16xi32>, vector<16xi32>], vector<16xf32>,
        %add3A_685 = arith.constant 48 : i32
        %add3A_686 = vector.broadcast %add3A_685 : i32 to vector<16xi32>
        %add3A_687 = arith.addi %iota3A, %add3A_686 : vector<16xi32>
        %gather3A_688 = tpu.vector_load_idx %arg8[%broadcast_in_dim3A_667, %add3A_687, %broadcast_in_dim3A_665] : memref<4x64x128xf32, #tpu.memory_space<vmem>>[vector<16xi32>, vector<16xi32>, vector<16xi32>], vector<16xf32>,
        %gather3A_689 = tpu.vector_load_idx %arg9[%broadcast_in_dim3A_667, %add3A_687, %broadcast_in_dim3A_665] : memref<4x64x128xf32, #tpu.memory_space<vmem>>[vector<16xi32>, vector<16xi32>, vector<16xi32>], vector<16xf32>,
        tpu.vector_store_idx %arg10[%broadcast_in_dim3A_668, %add3A_687, %broadcast_in_dim3A_669], %gather3A_688 : memref<2x64x128xf32, #tpu.memory_space<vmem>>[vector<16xi32>, vector<16xi32>, vector<16xi32>], vector<16xf32>,
        tpu.vector_store_idx %arg11[%broadcast_in_dim3A_668, %add3A_687, %broadcast_in_dim3A_669], %gather3A_689 : memref<2x64x128xf32, #tpu.memory_space<vmem>>[vector<16xi32>, vector<16xi32>, vector<16xi32>], vector<16xf32>,
        %dma_wait3A_690 = arith.constant 0 : i32
        %dma_wait3A_691 = arith.constant 0 : i32
        %dma_wait3A_692 = arith.constant 0 : i32
        %dma_wait3A_693 = tpu.memref_slice %arg8[%dma_wait3A_690, %dma_wait3A_691, %dma_wait3A_692] : memref<4x64x128xf32, #tpu.memory_space<vmem>> -> memref<1x64x128xf32, #tpu.memory_space<vmem>>
        %dma_wait3A_694 = tpu.memref_squeeze %dma_wait3A_693 : memref<1x64x128xf32, #tpu.memory_space<vmem>> -> memref<64x128xf32, #tpu.memory_space<vmem>>
        %dma_wait3A_695 = arith.constant 0 : i32
        %dma_wait3A_696 = arith.constant 0 : i32
        %dma_wait3A_697 = tpu.memref_slice %arg3[%dma_wait3A_695, %dma_wait3A_696] : memref<64x1000000xf32, #tpu.memory_space<hbm>> -> memref<64x128xf32, #tpu.memory_space<hbm>>
        %dma_wait3A_698 = arith.constant 0 : i32
        %dma_wait3A_699 = arith.constant 0 : i32
        %dma_wait3A_700 = tpu.memref_slice %arg8[%dma_wait3A_690, %dma_wait3A_698, %dma_wait3A_699] : memref<4x64x128xf32, #tpu.memory_space<vmem>> -> memref<1x64x128xf32, #tpu.memory_space<vmem>>
        %dma_wait3A_701 = tpu.memref_squeeze %dma_wait3A_700 : memref<1x64x128xf32, #tpu.memory_space<vmem>> -> memref<64x128xf32, #tpu.memory_space<vmem>>
        %dma_wait3A_702 = arith.constant 0 : i32
        %dma_wait3A_703 = arith.constant 0 : i32
        %dma_wait3A_704 = tpu.memref_slice %arg3[%dma_wait3A_702, %dma_wait3A_703] : memref<64x1000000xf32, #tpu.memory_space<hbm>> -> memref<64x128xf32, #tpu.memory_space<hbm>>
        tpu.wait_dma2 semaphore(%arg12 : memref<!tpu.dma_semaphore, #tpu.memory_space<semaphore_mem>>) src(%dma_wait3A_704 : memref<64x128xf32, #tpu.memory_space<hbm>>) dst(%dma_wait3A_701 : memref<64x128xf32, #tpu.memory_space<vmem>>)
        %dma_wait3A_705 = arith.constant 0 : i32
        %dma_wait3A_706 = arith.constant 0 : i32
        %dma_wait3A_707 = arith.constant 0 : i32
        %dma_wait3A_708 = tpu.memref_slice %arg9[%dma_wait3A_705, %dma_wait3A_706, %dma_wait3A_707] : memref<4x64x128xf32, #tpu.memory_space<vmem>> -> memref<1x64x128xf32, #tpu.memory_space<vmem>>
        %dma_wait3A_709 = tpu.memref_squeeze %dma_wait3A_708 : memref<1x64x128xf32, #tpu.memory_space<vmem>> -> memref<64x128xf32, #tpu.memory_space<vmem>>
        %dma_wait3A_710 = arith.constant 0 : i32
        %dma_wait3A_711 = arith.constant 0 : i32
        %dma_wait3A_712 = tpu.memref_slice %arg4[%dma_wait3A_710, %dma_wait3A_711] : memref<64x1000000xf32, #tpu.memory_space<hbm>> -> memref<64x128xf32, #tpu.memory_space<hbm>>
        %dma_wait3A_713 = arith.constant 0 : i32
        %dma_wait3A_714 = arith.constant 0 : i32
        %dma_wait3A_715 = tpu.memref_slice %arg9[%dma_wait3A_705, %dma_wait3A_713, %dma_wait3A_714] : memref<4x64x128xf32, #tpu.memory_space<vmem>> -> memref<1x64x128xf32, #tpu.memory_space<vmem>>
        %dma_wait3A_716 = tpu.memref_squeeze %dma_wait3A_715 : memref<1x64x128xf32, #tpu.memory_space<vmem>> -> memref<64x128xf32, #tpu.memory_space<vmem>>
        %dma_wait3A_717 = arith.constant 0 : i32
        %dma_wait3A_718 = arith.constant 0 : i32
        %dma_wait3A_719 = tpu.memref_slice %arg4[%dma_wait3A_717, %dma_wait3A_718] : memref<64x1000000xf32, #tpu.memory_space<hbm>> -> memref<64x128xf32, #tpu.memory_space<hbm>>
        tpu.wait_dma2 semaphore(%arg16 : memref<!tpu.dma_semaphore, #tpu.memory_space<semaphore_mem>>) src(%dma_wait3A_719 : memref<64x128xf32, #tpu.memory_space<hbm>>) dst(%dma_wait3A_716 : memref<64x128xf32, #tpu.memory_space<vmem>>)
        %slice3A_720 = vector.extract_strided_slice %get3A_300 {offsets = [7], sizes = [1], strides = [1]} : vector<16xi32> to vector<1xi32>
        %squeeze3A_721 = vector.extract %slice3A_720[0] : i32 from vector<1xi32>
        %shift_right_arithmetic3A_722 = arith.constant 7 : i32
        %shift_right_arithmetic3A_723 = arith.shrsi %squeeze3A_721, %shift_right_arithmetic3A_722 : i32
        %shift_left3A_724 = arith.constant 7 : i32
        %shift_left3A_725 = arith.shli %shift_right_arithmetic3A_723, %shift_left3A_724 : i32
        %multiple_of3A_726 = tpu.assume_multiple %shift_left3A_725, 128 : i32
        %dma_start3A_727 = arith.constant 3 : i32
        %dma_start3A_728 = arith.constant 0 : i32
        %dma_start3A_729 = arith.constant 0 : i32
        %dma_start3A_730 = tpu.memref_slice %arg8[%dma_start3A_727, %dma_start3A_728, %dma_start3A_729] : memref<4x64x128xf32, #tpu.memory_space<vmem>> -> memref<1x64x128xf32, #tpu.memory_space<vmem>>
        %dma_start3A_731 = tpu.memref_squeeze %dma_start3A_730 : memref<1x64x128xf32, #tpu.memory_space<vmem>> -> memref<64x128xf32, #tpu.memory_space<vmem>>
        %dma_start3A_732 = arith.constant 0 : i32
        %dma_start3A_733 = tpu.memref_slice %arg3[%dma_start3A_732, %multiple_of3A_726] : memref<64x1000000xf32, #tpu.memory_space<hbm>> -> memref<64x128xf32, #tpu.memory_space<hbm>>
        %dma_start3A_734 = arith.constant 0 : i32
        %dma_start3A_735 = arith.constant 0 : i32
        %dma_start3A_736 = tpu.memref_slice %arg8[%dma_start3A_727, %dma_start3A_734, %dma_start3A_735] : memref<4x64x128xf32, #tpu.memory_space<vmem>> -> memref<1x64x128xf32, #tpu.memory_space<vmem>>
        %dma_start3A_737 = tpu.memref_squeeze %dma_start3A_736 : memref<1x64x128xf32, #tpu.memory_space<vmem>> -> memref<64x128xf32, #tpu.memory_space<vmem>>
        %dma_start3A_738 = arith.constant 0 : i32
        %dma_start3A_739 = tpu.memref_slice %arg3[%dma_start3A_738, %multiple_of3A_726] : memref<64x1000000xf32, #tpu.memory_space<hbm>> -> memref<64x128xf32, #tpu.memory_space<hbm>>
        tpu.enqueue_dma source(%dma_start3A_739 : memref<64x128xf32, #tpu.memory_space<hbm>>) target(%dma_start3A_737 : memref<64x128xf32, #tpu.memory_space<vmem>>) target_semaphore(%arg15 : memref<!tpu.dma_semaphore, #tpu.memory_space<semaphore_mem>>)
        %dma_start3A_740 = arith.constant 3 : i32
        %dma_start3A_741 = arith.constant 0 : i32
        %dma_start3A_742 = arith.constant 0 : i32
        %dma_start3A_743 = tpu.memref_slice %arg9[%dma_start3A_740, %dma_start3A_741, %dma_start3A_742] : memref<4x64x128xf32, #tpu.memory_space<vmem>> -> memref<1x64x128xf32, #tpu.memory_space<vmem>>
        %dma_start3A_744 = tpu.memref_squeeze %dma_start3A_743 : memref<1x64x128xf32, #tpu.memory_space<vmem>> -> memref<64x128xf32, #tpu.memory_space<vmem>>
        %dma_start3A_745 = arith.constant 0 : i32
        %dma_start3A_746 = tpu.memref_slice %arg4[%dma_start3A_745, %multiple_of3A_726] : memref<64x1000000xf32, #tpu.memory_space<hbm>> -> memref<64x128xf32, #tpu.memory_space<hbm>>
        %dma_start3A_747 = arith.constant 0 : i32
        %dma_start3A_748 = arith.constant 0 : i32
        %dma_start3A_749 = tpu.memref_slice %arg9[%dma_start3A_740, %dma_start3A_747, %dma_start3A_748] : memref<4x64x128xf32, #tpu.memory_space<vmem>> -> memref<1x64x128xf32, #tpu.memory_space<vmem>>
        %dma_start3A_750 = tpu.memref_squeeze %dma_start3A_749 : memref<1x64x128xf32, #tpu.memory_space<vmem>> -> memref<64x128xf32, #tpu.memory_space<vmem>>
        %dma_start3A_751 = arith.constant 0 : i32
        %dma_start3A_752 = tpu.memref_slice %arg4[%dma_start3A_751, %multiple_of3A_726] : memref<64x1000000xf32, #tpu.memory_space<hbm>> -> memref<64x128xf32, #tpu.memory_space<hbm>>
        tpu.enqueue_dma source(%dma_start3A_752 : memref<64x128xf32, #tpu.memory_space<hbm>>) target(%dma_start3A_750 : memref<64x128xf32, #tpu.memory_space<vmem>>) target_semaphore(%arg19 : memref<!tpu.dma_semaphore, #tpu.memory_space<semaphore_mem>>)
        %slice3A_753 = vector.extract_strided_slice %get3A_300 {offsets = [4], sizes = [1], strides = [1]} : vector<16xi32> to vector<1xi32>
        %squeeze3A_754 = vector.extract %slice3A_753[0] : i32 from vector<1xi32>
        %mul3A_755 = arith.constant 16 : i32
        %mul3A_756 = arith.muli %scan3A_292, %mul3A_755 : i32
        %add3A_757 = arith.constant 4 : i32
        %add3A_758 = arith.addi %mul3A_756, %add3A_757 : i32
        %and3A_759 = arith.constant 127 : i32
        %and3A_760 = arith.andi %squeeze3A_754, %and3A_759 : i32
        %broadcast_in_dim3A_761 = vector.broadcast %and3A_760 : i32 to vector<16xi32>
        %broadcast_in_dim3A_762 = arith.constant 0 : i32
        %broadcast_in_dim3A_763 = vector.broadcast %broadcast_in_dim3A_762 : i32 to vector<16xi32>
        %broadcast_in_dim3A_764 = vector.broadcast %select_n3A_254 : i32 to vector<16xi32>
        %broadcast_in_dim3A_765 = vector.broadcast %add3A_758 : i32 to vector<16xi32>
        %add3A_766 = arith.constant 0 : i32
        %add3A_767 = vector.broadcast %add3A_766 : i32 to vector<16xi32>
        %add3A_768 = arith.addi %iota3A, %add3A_767 : vector<16xi32>
        %gather3A_769 = tpu.vector_load_idx %arg8[%broadcast_in_dim3A_763, %add3A_768, %broadcast_in_dim3A_761] : memref<4x64x128xf32, #tpu.memory_space<vmem>>[vector<16xi32>, vector<16xi32>, vector<16xi32>], vector<16xf32>,
        %gather3A_770 = tpu.vector_load_idx %arg9[%broadcast_in_dim3A_763, %add3A_768, %broadcast_in_dim3A_761] : memref<4x64x128xf32, #tpu.memory_space<vmem>>[vector<16xi32>, vector<16xi32>, vector<16xi32>], vector<16xf32>,
        tpu.vector_store_idx %arg10[%broadcast_in_dim3A_764, %add3A_768, %broadcast_in_dim3A_765], %gather3A_769 : memref<2x64x128xf32, #tpu.memory_space<vmem>>[vector<16xi32>, vector<16xi32>, vector<16xi32>], vector<16xf32>,
        tpu.vector_store_idx %arg11[%broadcast_in_dim3A_764, %add3A_768, %broadcast_in_dim3A_765], %gather3A_770 : memref<2x64x128xf32, #tpu.memory_space<vmem>>[vector<16xi32>, vector<16xi32>, vector<16xi32>], vector<16xf32>,
        %add3A_771 = arith.constant 16 : i32
        %add3A_772 = vector.broadcast %add3A_771 : i32 to vector<16xi32>
        %add3A_773 = arith.addi %iota3A, %add3A_772 : vector<16xi32>
        %gather3A_774 = tpu.vector_load_idx %arg8[%broadcast_in_dim3A_763, %add3A_773, %broadcast_in_dim3A_761] : memref<4x64x128xf32, #tpu.memory_space<vmem>>[vector<16xi32>, vector<16xi32>, vector<16xi32>], vector<16xf32>,
        %gather3A_775 = tpu.vector_load_idx %arg9[%broadcast_in_dim3A_763, %add3A_773, %broadcast_in_dim3A_761] : memref<4x64x128xf32, #tpu.memory_space<vmem>>[vector<16xi32>, vector<16xi32>, vector<16xi32>], vector<16xf32>,
        tpu.vector_store_idx %arg10[%broadcast_in_dim3A_764, %add3A_773, %broadcast_in_dim3A_765], %gather3A_774 : memref<2x64x128xf32, #tpu.memory_space<vmem>>[vector<16xi32>, vector<16xi32>, vector<16xi32>], vector<16xf32>,
        tpu.vector_store_idx %arg11[%broadcast_in_dim3A_764, %add3A_773, %broadcast_in_dim3A_765], %gather3A_775 : memref<2x64x128xf32, #tpu.memory_space<vmem>>[vector<16xi32>, vector<16xi32>, vector<16xi32>], vector<16xf32>,
        %add3A_776 = arith.constant 32 : i32
        %add3A_777 = vector.broadcast %add3A_776 : i32 to vector<16xi32>
        %add3A_778 = arith.addi %iota3A, %add3A_777 : vector<16xi32>
        %gather3A_779 = tpu.vector_load_idx %arg8[%broadcast_in_dim3A_763, %add3A_778, %broadcast_in_dim3A_761] : memref<4x64x128xf32, #tpu.memory_space<vmem>>[vector<16xi32>, vector<16xi32>, vector<16xi32>], vector<16xf32>,
        %gather3A_780 = tpu.vector_load_idx %arg9[%broadcast_in_dim3A_763, %add3A_778, %broadcast_in_dim3A_761] : memref<4x64x128xf32, #tpu.memory_space<vmem>>[vector<16xi32>, vector<16xi32>, vector<16xi32>], vector<16xf32>,
        tpu.vector_store_idx %arg10[%broadcast_in_dim3A_764, %add3A_778, %broadcast_in_dim3A_765], %gather3A_779 : memref<2x64x128xf32, #tpu.memory_space<vmem>>[vector<16xi32>, vector<16xi32>, vector<16xi32>], vector<16xf32>,
        tpu.vector_store_idx %arg11[%broadcast_in_dim3A_764, %add3A_778, %broadcast_in_dim3A_765], %gather3A_780 : memref<2x64x128xf32, #tpu.memory_space<vmem>>[vector<16xi32>, vector<16xi32>, vector<16xi32>], vector<16xf32>,
        %add3A_781 = arith.constant 48 : i32
        %add3A_782 = vector.broadcast %add3A_781 : i32 to vector<16xi32>
        %add3A_783 = arith.addi %iota3A, %add3A_782 : vector<16xi32>
        %gather3A_784 = tpu.vector_load_idx %arg8[%broadcast_in_dim3A_763, %add3A_783, %broadcast_in_dim3A_761] : memref<4x64x128xf32, #tpu.memory_space<vmem>>[vector<16xi32>, vector<16xi32>, vector<16xi32>], vector<16xf32>,
        %gather3A_785 = tpu.vector_load_idx %arg9[%broadcast_in_dim3A_763, %add3A_783, %broadcast_in_dim3A_761] : memref<4x64x128xf32, #tpu.memory_space<vmem>>[vector<16xi32>, vector<16xi32>, vector<16xi32>], vector<16xf32>,
        tpu.vector_store_idx %arg10[%broadcast_in_dim3A_764, %add3A_783, %broadcast_in_dim3A_765], %gather3A_784 : memref<2x64x128xf32, #tpu.memory_space<vmem>>[vector<16xi32>, vector<16xi32>, vector<16xi32>], vector<16xf32>,
        tpu.vector_store_idx %arg11[%broadcast_in_dim3A_764, %add3A_783, %broadcast_in_dim3A_765], %gather3A_785 : memref<2x64x128xf32, #tpu.memory_space<vmem>>[vector<16xi32>, vector<16xi32>, vector<16xi32>], vector<16xf32>,
        %dma_wait3A_786 = arith.constant 1 : i32
        %dma_wait3A_787 = arith.constant 0 : i32
        %dma_wait3A_788 = arith.constant 0 : i32
        %dma_wait3A_789 = tpu.memref_slice %arg8[%dma_wait3A_786, %dma_wait3A_787, %dma_wait3A_788] : memref<4x64x128xf32, #tpu.memory_space<vmem>> -> memref<1x64x128xf32, #tpu.memory_space<vmem>>
        %dma_wait3A_790 = tpu.memref_squeeze %dma_wait3A_789 : memref<1x64x128xf32, #tpu.memory_space<vmem>> -> memref<64x128xf32, #tpu.memory_space<vmem>>
        %dma_wait3A_791 = arith.constant 0 : i32
        %dma_wait3A_792 = arith.constant 0 : i32
        %dma_wait3A_793 = tpu.memref_slice %arg3[%dma_wait3A_791, %dma_wait3A_792] : memref<64x1000000xf32, #tpu.memory_space<hbm>> -> memref<64x128xf32, #tpu.memory_space<hbm>>
        %dma_wait3A_794 = arith.constant 0 : i32
        %dma_wait3A_795 = arith.constant 0 : i32
        %dma_wait3A_796 = tpu.memref_slice %arg8[%dma_wait3A_786, %dma_wait3A_794, %dma_wait3A_795] : memref<4x64x128xf32, #tpu.memory_space<vmem>> -> memref<1x64x128xf32, #tpu.memory_space<vmem>>
        %dma_wait3A_797 = tpu.memref_squeeze %dma_wait3A_796 : memref<1x64x128xf32, #tpu.memory_space<vmem>> -> memref<64x128xf32, #tpu.memory_space<vmem>>
        %dma_wait3A_798 = arith.constant 0 : i32
        %dma_wait3A_799 = arith.constant 0 : i32
        %dma_wait3A_800 = tpu.memref_slice %arg3[%dma_wait3A_798, %dma_wait3A_799] : memref<64x1000000xf32, #tpu.memory_space<hbm>> -> memref<64x128xf32, #tpu.memory_space<hbm>>
        tpu.wait_dma2 semaphore(%arg13 : memref<!tpu.dma_semaphore, #tpu.memory_space<semaphore_mem>>) src(%dma_wait3A_800 : memref<64x128xf32, #tpu.memory_space<hbm>>) dst(%dma_wait3A_797 : memref<64x128xf32, #tpu.memory_space<vmem>>)
        %dma_wait3A_801 = arith.constant 1 : i32
        %dma_wait3A_802 = arith.constant 0 : i32
        %dma_wait3A_803 = arith.constant 0 : i32
        %dma_wait3A_804 = tpu.memref_slice %arg9[%dma_wait3A_801, %dma_wait3A_802, %dma_wait3A_803] : memref<4x64x128xf32, #tpu.memory_space<vmem>> -> memref<1x64x128xf32, #tpu.memory_space<vmem>>
        %dma_wait3A_805 = tpu.memref_squeeze %dma_wait3A_804 : memref<1x64x128xf32, #tpu.memory_space<vmem>> -> memref<64x128xf32, #tpu.memory_space<vmem>>
        %dma_wait3A_806 = arith.constant 0 : i32
        %dma_wait3A_807 = arith.constant 0 : i32
        %dma_wait3A_808 = tpu.memref_slice %arg4[%dma_wait3A_806, %dma_wait3A_807] : memref<64x1000000xf32, #tpu.memory_space<hbm>> -> memref<64x128xf32, #tpu.memory_space<hbm>>
        %dma_wait3A_809 = arith.constant 0 : i32
        %dma_wait3A_810 = arith.constant 0 : i32
        %dma_wait3A_811 = tpu.memref_slice %arg9[%dma_wait3A_801, %dma_wait3A_809, %dma_wait3A_810] : memref<4x64x128xf32, #tpu.memory_space<vmem>> -> memref<1x64x128xf32, #tpu.memory_space<vmem>>
        %dma_wait3A_812 = tpu.memref_squeeze %dma_wait3A_811 : memref<1x64x128xf32, #tpu.memory_space<vmem>> -> memref<64x128xf32, #tpu.memory_space<vmem>>
        %dma_wait3A_813 = arith.constant 0 : i32
        %dma_wait3A_814 = arith.constant 0 : i32
        %dma_wait3A_815 = tpu.memref_slice %arg4[%dma_wait3A_813, %dma_wait3A_814] : memref<64x1000000xf32, #tpu.memory_space<hbm>> -> memref<64x128xf32, #tpu.memory_space<hbm>>
        tpu.wait_dma2 semaphore(%arg17 : memref<!tpu.dma_semaphore, #tpu.memory_space<semaphore_mem>>) src(%dma_wait3A_815 : memref<64x128xf32, #tpu.memory_space<hbm>>) dst(%dma_wait3A_812 : memref<64x128xf32, #tpu.memory_space<vmem>>)
        %slice3A_816 = vector.extract_strided_slice %get3A_300 {offsets = [8], sizes = [1], strides = [1]} : vector<16xi32> to vector<1xi32>
        %squeeze3A_817 = vector.extract %slice3A_816[0] : i32 from vector<1xi32>
        %shift_right_arithmetic3A_818 = arith.constant 7 : i32
        %shift_right_arithmetic3A_819 = arith.shrsi %squeeze3A_817, %shift_right_arithmetic3A_818 : i32
        %shift_left3A_820 = arith.constant 7 : i32
        %shift_left3A_821 = arith.shli %shift_right_arithmetic3A_819, %shift_left3A_820 : i32
        %multiple_of3A_822 = tpu.assume_multiple %shift_left3A_821, 128 : i32
        %dma_start3A_823 = arith.constant 0 : i32
        %dma_start3A_824 = arith.constant 0 : i32
        %dma_start3A_825 = arith.constant 0 : i32
        %dma_start3A_826 = tpu.memref_slice %arg8[%dma_start3A_823, %dma_start3A_824, %dma_start3A_825] : memref<4x64x128xf32, #tpu.memory_space<vmem>> -> memref<1x64x128xf32, #tpu.memory_space<vmem>>
        %dma_start3A_827 = tpu.memref_squeeze %dma_start3A_826 : memref<1x64x128xf32, #tpu.memory_space<vmem>> -> memref<64x128xf32, #tpu.memory_space<vmem>>
        %dma_start3A_828 = arith.constant 0 : i32
        %dma_start3A_829 = tpu.memref_slice %arg3[%dma_start3A_828, %multiple_of3A_822] : memref<64x1000000xf32, #tpu.memory_space<hbm>> -> memref<64x128xf32, #tpu.memory_space<hbm>>
        %dma_start3A_830 = arith.constant 0 : i32
        %dma_start3A_831 = arith.constant 0 : i32
        %dma_start3A_832 = tpu.memref_slice %arg8[%dma_start3A_823, %dma_start3A_830, %dma_start3A_831] : memref<4x64x128xf32, #tpu.memory_space<vmem>> -> memref<1x64x128xf32, #tpu.memory_space<vmem>>
        %dma_start3A_833 = tpu.memref_squeeze %dma_start3A_832 : memref<1x64x128xf32, #tpu.memory_space<vmem>> -> memref<64x128xf32, #tpu.memory_space<vmem>>
        %dma_start3A_834 = arith.constant 0 : i32
        %dma_start3A_835 = tpu.memref_slice %arg3[%dma_start3A_834, %multiple_of3A_822] : memref<64x1000000xf32, #tpu.memory_space<hbm>> -> memref<64x128xf32, #tpu.memory_space<hbm>>
        tpu.enqueue_dma source(%dma_start3A_835 : memref<64x128xf32, #tpu.memory_space<hbm>>) target(%dma_start3A_833 : memref<64x128xf32, #tpu.memory_space<vmem>>) target_semaphore(%arg12 : memref<!tpu.dma_semaphore, #tpu.memory_space<semaphore_mem>>)
        %dma_start3A_836 = arith.constant 0 : i32
        %dma_start3A_837 = arith.constant 0 : i32
        %dma_start3A_838 = arith.constant 0 : i32
        %dma_start3A_839 = tpu.memref_slice %arg9[%dma_start3A_836, %dma_start3A_837, %dma_start3A_838] : memref<4x64x128xf32, #tpu.memory_space<vmem>> -> memref<1x64x128xf32, #tpu.memory_space<vmem>>
        %dma_start3A_840 = tpu.memref_squeeze %dma_start3A_839 : memref<1x64x128xf32, #tpu.memory_space<vmem>> -> memref<64x128xf32, #tpu.memory_space<vmem>>
        %dma_start3A_841 = arith.constant 0 : i32
        %dma_start3A_842 = tpu.memref_slice %arg4[%dma_start3A_841, %multiple_of3A_822] : memref<64x1000000xf32, #tpu.memory_space<hbm>> -> memref<64x128xf32, #tpu.memory_space<hbm>>
        %dma_start3A_843 = arith.constant 0 : i32
        %dma_start3A_844 = arith.constant 0 : i32
        %dma_start3A_845 = tpu.memref_slice %arg9[%dma_start3A_836, %dma_start3A_843, %dma_start3A_844] : memref<4x64x128xf32, #tpu.memory_space<vmem>> -> memref<1x64x128xf32, #tpu.memory_space<vmem>>
        %dma_start3A_846 = tpu.memref_squeeze %dma_start3A_845 : memref<1x64x128xf32, #tpu.memory_space<vmem>> -> memref<64x128xf32, #tpu.memory_space<vmem>>
        %dma_start3A_847 = arith.constant 0 : i32
        %dma_start3A_848 = tpu.memref_slice %arg4[%dma_start3A_847, %multiple_of3A_822] : memref<64x1000000xf32, #tpu.memory_space<hbm>> -> memref<64x128xf32, #tpu.memory_space<hbm>>
        tpu.enqueue_dma source(%dma_start3A_848 : memref<64x128xf32, #tpu.memory_space<hbm>>) target(%dma_start3A_846 : memref<64x128xf32, #tpu.memory_space<vmem>>) target_semaphore(%arg16 : memref<!tpu.dma_semaphore, #tpu.memory_space<semaphore_mem>>)
        %slice3A_849 = vector.extract_strided_slice %get3A_300 {offsets = [5], sizes = [1], strides = [1]} : vector<16xi32> to vector<1xi32>
        %squeeze3A_850 = vector.extract %slice3A_849[0] : i32 from vector<1xi32>
        %mul3A_851 = arith.constant 16 : i32
        %mul3A_852 = arith.muli %scan3A_292, %mul3A_851 : i32
        %add3A_853 = arith.constant 5 : i32
        %add3A_854 = arith.addi %mul3A_852, %add3A_853 : i32
        %and3A_855 = arith.constant 127 : i32
        %and3A_856 = arith.andi %squeeze3A_850, %and3A_855 : i32
        %broadcast_in_dim3A_857 = vector.broadcast %and3A_856 : i32 to vector<16xi32>
        %broadcast_in_dim3A_858 = arith.constant 1 : i32
        %broadcast_in_dim3A_859 = vector.broadcast %broadcast_in_dim3A_858 : i32 to vector<16xi32>
        %broadcast_in_dim3A_860 = vector.broadcast %select_n3A_254 : i32 to vector<16xi32>
        %broadcast_in_dim3A_861 = vector.broadcast %add3A_854 : i32 to vector<16xi32>
        %add3A_862 = arith.constant 0 : i32
        %add3A_863 = vector.broadcast %add3A_862 : i32 to vector<16xi32>
        %add3A_864 = arith.addi %iota3A, %add3A_863 : vector<16xi32>
        %gather3A_865 = tpu.vector_load_idx %arg8[%broadcast_in_dim3A_859, %add3A_864, %broadcast_in_dim3A_857] : memref<4x64x128xf32, #tpu.memory_space<vmem>>[vector<16xi32>, vector<16xi32>, vector<16xi32>], vector<16xf32>,
        %gather3A_866 = tpu.vector_load_idx %arg9[%broadcast_in_dim3A_859, %add3A_864, %broadcast_in_dim3A_857] : memref<4x64x128xf32, #tpu.memory_space<vmem>>[vector<16xi32>, vector<16xi32>, vector<16xi32>], vector<16xf32>,
        tpu.vector_store_idx %arg10[%broadcast_in_dim3A_860, %add3A_864, %broadcast_in_dim3A_861], %gather3A_865 : memref<2x64x128xf32, #tpu.memory_space<vmem>>[vector<16xi32>, vector<16xi32>, vector<16xi32>], vector<16xf32>,
        tpu.vector_store_idx %arg11[%broadcast_in_dim3A_860, %add3A_864, %broadcast_in_dim3A_861], %gather3A_866 : memref<2x64x128xf32, #tpu.memory_space<vmem>>[vector<16xi32>, vector<16xi32>, vector<16xi32>], vector<16xf32>,
        %add3A_867 = arith.constant 16 : i32
        %add3A_868 = vector.broadcast %add3A_867 : i32 to vector<16xi32>
        %add3A_869 = arith.addi %iota3A, %add3A_868 : vector<16xi32>
        %gather3A_870 = tpu.vector_load_idx %arg8[%broadcast_in_dim3A_859, %add3A_869, %broadcast_in_dim3A_857] : memref<4x64x128xf32, #tpu.memory_space<vmem>>[vector<16xi32>, vector<16xi32>, vector<16xi32>], vector<16xf32>,
        %gather3A_871 = tpu.vector_load_idx %arg9[%broadcast_in_dim3A_859, %add3A_869, %broadcast_in_dim3A_857] : memref<4x64x128xf32, #tpu.memory_space<vmem>>[vector<16xi32>, vector<16xi32>, vector<16xi32>], vector<16xf32>,
        tpu.vector_store_idx %arg10[%broadcast_in_dim3A_860, %add3A_869, %broadcast_in_dim3A_861], %gather3A_870 : memref<2x64x128xf32, #tpu.memory_space<vmem>>[vector<16xi32>, vector<16xi32>, vector<16xi32>], vector<16xf32>,
        tpu.vector_store_idx %arg11[%broadcast_in_dim3A_860, %add3A_869, %broadcast_in_dim3A_861], %gather3A_871 : memref<2x64x128xf32, #tpu.memory_space<vmem>>[vector<16xi32>, vector<16xi32>, vector<16xi32>], vector<16xf32>,
        %add3A_872 = arith.constant 32 : i32
        %add3A_873 = vector.broadcast %add3A_872 : i32 to vector<16xi32>
        %add3A_874 = arith.addi %iota3A, %add3A_873 : vector<16xi32>
        %gather3A_875 = tpu.vector_load_idx %arg8[%broadcast_in_dim3A_859, %add3A_874, %broadcast_in_dim3A_857] : memref<4x64x128xf32, #tpu.memory_space<vmem>>[vector<16xi32>, vector<16xi32>, vector<16xi32>], vector<16xf32>,
        %gather3A_876 = tpu.vector_load_idx %arg9[%broadcast_in_dim3A_859, %add3A_874, %broadcast_in_dim3A_857] : memref<4x64x128xf32, #tpu.memory_space<vmem>>[vector<16xi32>, vector<16xi32>, vector<16xi32>], vector<16xf32>,
        tpu.vector_store_idx %arg10[%broadcast_in_dim3A_860, %add3A_874, %broadcast_in_dim3A_861], %gather3A_875 : memref<2x64x128xf32, #tpu.memory_space<vmem>>[vector<16xi32>, vector<16xi32>, vector<16xi32>], vector<16xf32>,
        tpu.vector_store_idx %arg11[%broadcast_in_dim3A_860, %add3A_874, %broadcast_in_dim3A_861], %gather3A_876 : memref<2x64x128xf32, #tpu.memory_space<vmem>>[vector<16xi32>, vector<16xi32>, vector<16xi32>], vector<16xf32>,
        %add3A_877 = arith.constant 48 : i32
        %add3A_878 = vector.broadcast %add3A_877 : i32 to vector<16xi32>
        %add3A_879 = arith.addi %iota3A, %add3A_878 : vector<16xi32>
        %gather3A_880 = tpu.vector_load_idx %arg8[%broadcast_in_dim3A_859, %add3A_879, %broadcast_in_dim3A_857] : memref<4x64x128xf32, #tpu.memory_space<vmem>>[vector<16xi32>, vector<16xi32>, vector<16xi32>], vector<16xf32>,
        %gather3A_881 = tpu.vector_load_idx %arg9[%broadcast_in_dim3A_859, %add3A_879, %broadcast_in_dim3A_857] : memref<4x64x128xf32, #tpu.memory_space<vmem>>[vector<16xi32>, vector<16xi32>, vector<16xi32>], vector<16xf32>,
        tpu.vector_store_idx %arg10[%broadcast_in_dim3A_860, %add3A_879, %broadcast_in_dim3A_861], %gather3A_880 : memref<2x64x128xf32, #tpu.memory_space<vmem>>[vector<16xi32>, vector<16xi32>, vector<16xi32>], vector<16xf32>,
        tpu.vector_store_idx %arg11[%broadcast_in_dim3A_860, %add3A_879, %broadcast_in_dim3A_861], %gather3A_881 : memref<2x64x128xf32, #tpu.memory_space<vmem>>[vector<16xi32>, vector<16xi32>, vector<16xi32>], vector<16xf32>,
        %dma_wait3A_882 = arith.constant 2 : i32
        %dma_wait3A_883 = arith.constant 0 : i32
        %dma_wait3A_884 = arith.constant 0 : i32
        %dma_wait3A_885 = tpu.memref_slice %arg8[%dma_wait3A_882, %dma_wait3A_883, %dma_wait3A_884] : memref<4x64x128xf32, #tpu.memory_space<vmem>> -> memref<1x64x128xf32, #tpu.memory_space<vmem>>
        %dma_wait3A_886 = tpu.memref_squeeze %dma_wait3A_885 : memref<1x64x128xf32, #tpu.memory_space<vmem>> -> memref<64x128xf32, #tpu.memory_space<vmem>>
        %dma_wait3A_887 = arith.constant 0 : i32
        %dma_wait3A_888 = arith.constant 0 : i32
        %dma_wait3A_889 = tpu.memref_slice %arg3[%dma_wait3A_887, %dma_wait3A_888] : memref<64x1000000xf32, #tpu.memory_space<hbm>> -> memref<64x128xf32, #tpu.memory_space<hbm>>
        %dma_wait3A_890 = arith.constant 0 : i32
        %dma_wait3A_891 = arith.constant 0 : i32
        %dma_wait3A_892 = tpu.memref_slice %arg8[%dma_wait3A_882, %dma_wait3A_890, %dma_wait3A_891] : memref<4x64x128xf32, #tpu.memory_space<vmem>> -> memref<1x64x128xf32, #tpu.memory_space<vmem>>
        %dma_wait3A_893 = tpu.memref_squeeze %dma_wait3A_892 : memref<1x64x128xf32, #tpu.memory_space<vmem>> -> memref<64x128xf32, #tpu.memory_space<vmem>>
        %dma_wait3A_894 = arith.constant 0 : i32
        %dma_wait3A_895 = arith.constant 0 : i32
        %dma_wait3A_896 = tpu.memref_slice %arg3[%dma_wait3A_894, %dma_wait3A_895] : memref<64x1000000xf32, #tpu.memory_space<hbm>> -> memref<64x128xf32, #tpu.memory_space<hbm>>
        tpu.wait_dma2 semaphore(%arg14 : memref<!tpu.dma_semaphore, #tpu.memory_space<semaphore_mem>>) src(%dma_wait3A_896 : memref<64x128xf32, #tpu.memory_space<hbm>>) dst(%dma_wait3A_893 : memref<64x128xf32, #tpu.memory_space<vmem>>)
        %dma_wait3A_897 = arith.constant 2 : i32
        %dma_wait3A_898 = arith.constant 0 : i32
        %dma_wait3A_899 = arith.constant 0 : i32
        %dma_wait3A_900 = tpu.memref_slice %arg9[%dma_wait3A_897, %dma_wait3A_898, %dma_wait3A_899] : memref<4x64x128xf32, #tpu.memory_space<vmem>> -> memref<1x64x128xf32, #tpu.memory_space<vmem>>
        %dma_wait3A_901 = tpu.memref_squeeze %dma_wait3A_900 : memref<1x64x128xf32, #tpu.memory_space<vmem>> -> memref<64x128xf32, #tpu.memory_space<vmem>>
        %dma_wait3A_902 = arith.constant 0 : i32
        %dma_wait3A_903 = arith.constant 0 : i32
        %dma_wait3A_904 = tpu.memref_slice %arg4[%dma_wait3A_902, %dma_wait3A_903] : memref<64x1000000xf32, #tpu.memory_space<hbm>> -> memref<64x128xf32, #tpu.memory_space<hbm>>
        %dma_wait3A_905 = arith.constant 0 : i32
        %dma_wait3A_906 = arith.constant 0 : i32
        %dma_wait3A_907 = tpu.memref_slice %arg9[%dma_wait3A_897, %dma_wait3A_905, %dma_wait3A_906] : memref<4x64x128xf32, #tpu.memory_space<vmem>> -> memref<1x64x128xf32, #tpu.memory_space<vmem>>
        %dma_wait3A_908 = tpu.memref_squeeze %dma_wait3A_907 : memref<1x64x128xf32, #tpu.memory_space<vmem>> -> memref<64x128xf32, #tpu.memory_space<vmem>>
        %dma_wait3A_909 = arith.constant 0 : i32
        %dma_wait3A_910 = arith.constant 0 : i32
        %dma_wait3A_911 = tpu.memref_slice %arg4[%dma_wait3A_909, %dma_wait3A_910] : memref<64x1000000xf32, #tpu.memory_space<hbm>> -> memref<64x128xf32, #tpu.memory_space<hbm>>
        tpu.wait_dma2 semaphore(%arg18 : memref<!tpu.dma_semaphore, #tpu.memory_space<semaphore_mem>>) src(%dma_wait3A_911 : memref<64x128xf32, #tpu.memory_space<hbm>>) dst(%dma_wait3A_908 : memref<64x128xf32, #tpu.memory_space<vmem>>)
        %slice3A_912 = vector.extract_strided_slice %get3A_300 {offsets = [9], sizes = [1], strides = [1]} : vector<16xi32> to vector<1xi32>
        %squeeze3A_913 = vector.extract %slice3A_912[0] : i32 from vector<1xi32>
        %shift_right_arithmetic3A_914 = arith.constant 7 : i32
        %shift_right_arithmetic3A_915 = arith.shrsi %squeeze3A_913, %shift_right_arithmetic3A_914 : i32
        %shift_left3A_916 = arith.constant 7 : i32
        %shift_left3A_917 = arith.shli %shift_right_arithmetic3A_915, %shift_left3A_916 : i32
        %multiple_of3A_918 = tpu.assume_multiple %shift_left3A_917, 128 : i32
        %dma_start3A_919 = arith.constant 1 : i32
        %dma_start3A_920 = arith.constant 0 : i32
        %dma_start3A_921 = arith.constant 0 : i32
        %dma_start3A_922 = tpu.memref_slice %arg8[%dma_start3A_919, %dma_start3A_920, %dma_start3A_921] : memref<4x64x128xf32, #tpu.memory_space<vmem>> -> memref<1x64x128xf32, #tpu.memory_space<vmem>>
        %dma_start3A_923 = tpu.memref_squeeze %dma_start3A_922 : memref<1x64x128xf32, #tpu.memory_space<vmem>> -> memref<64x128xf32, #tpu.memory_space<vmem>>
        %dma_start3A_924 = arith.constant 0 : i32
        %dma_start3A_925 = tpu.memref_slice %arg3[%dma_start3A_924, %multiple_of3A_918] : memref<64x1000000xf32, #tpu.memory_space<hbm>> -> memref<64x128xf32, #tpu.memory_space<hbm>>
        %dma_start3A_926 = arith.constant 0 : i32
        %dma_start3A_927 = arith.constant 0 : i32
        %dma_start3A_928 = tpu.memref_slice %arg8[%dma_start3A_919, %dma_start3A_926, %dma_start3A_927] : memref<4x64x128xf32, #tpu.memory_space<vmem>> -> memref<1x64x128xf32, #tpu.memory_space<vmem>>
        %dma_start3A_929 = tpu.memref_squeeze %dma_start3A_928 : memref<1x64x128xf32, #tpu.memory_space<vmem>> -> memref<64x128xf32, #tpu.memory_space<vmem>>
        %dma_start3A_930 = arith.constant 0 : i32
        %dma_start3A_931 = tpu.memref_slice %arg3[%dma_start3A_930, %multiple_of3A_918] : memref<64x1000000xf32, #tpu.memory_space<hbm>> -> memref<64x128xf32, #tpu.memory_space<hbm>>
        tpu.enqueue_dma source(%dma_start3A_931 : memref<64x128xf32, #tpu.memory_space<hbm>>) target(%dma_start3A_929 : memref<64x128xf32, #tpu.memory_space<vmem>>) target_semaphore(%arg13 : memref<!tpu.dma_semaphore, #tpu.memory_space<semaphore_mem>>)
        %dma_start3A_932 = arith.constant 1 : i32
        %dma_start3A_933 = arith.constant 0 : i32
        %dma_start3A_934 = arith.constant 0 : i32
        %dma_start3A_935 = tpu.memref_slice %arg9[%dma_start3A_932, %dma_start3A_933, %dma_start3A_934] : memref<4x64x128xf32, #tpu.memory_space<vmem>> -> memref<1x64x128xf32, #tpu.memory_space<vmem>>
        %dma_start3A_936 = tpu.memref_squeeze %dma_start3A_935 : memref<1x64x128xf32, #tpu.memory_space<vmem>> -> memref<64x128xf32, #tpu.memory_space<vmem>>
        %dma_start3A_937 = arith.constant 0 : i32
        %dma_start3A_938 = tpu.memref_slice %arg4[%dma_start3A_937, %multiple_of3A_918] : memref<64x1000000xf32, #tpu.memory_space<hbm>> -> memref<64x128xf32, #tpu.memory_space<hbm>>
        %dma_start3A_939 = arith.constant 0 : i32
        %dma_start3A_940 = arith.constant 0 : i32
        %dma_start3A_941 = tpu.memref_slice %arg9[%dma_start3A_932, %dma_start3A_939, %dma_start3A_940] : memref<4x64x128xf32, #tpu.memory_space<vmem>> -> memref<1x64x128xf32, #tpu.memory_space<vmem>>
        %dma_start3A_942 = tpu.memref_squeeze %dma_start3A_941 : memref<1x64x128xf32, #tpu.memory_space<vmem>> -> memref<64x128xf32, #tpu.memory_space<vmem>>
        %dma_start3A_943 = arith.constant 0 : i32
        %dma_start3A_944 = tpu.memref_slice %arg4[%dma_start3A_943, %multiple_of3A_918] : memref<64x1000000xf32, #tpu.memory_space<hbm>> -> memref<64x128xf32, #tpu.memory_space<hbm>>
        tpu.enqueue_dma source(%dma_start3A_944 : memref<64x128xf32, #tpu.memory_space<hbm>>) target(%dma_start3A_942 : memref<64x128xf32, #tpu.memory_space<vmem>>) target_semaphore(%arg17 : memref<!tpu.dma_semaphore, #tpu.memory_space<semaphore_mem>>)
        %slice3A_945 = vector.extract_strided_slice %get3A_300 {offsets = [6], sizes = [1], strides = [1]} : vector<16xi32> to vector<1xi32>
        %squeeze3A_946 = vector.extract %slice3A_945[0] : i32 from vector<1xi32>
        %mul3A_947 = arith.constant 16 : i32
        %mul3A_948 = arith.muli %scan3A_292, %mul3A_947 : i32
        %add3A_949 = arith.constant 6 : i32
        %add3A_950 = arith.addi %mul3A_948, %add3A_949 : i32
        %and3A_951 = arith.constant 127 : i32
        %and3A_952 = arith.andi %squeeze3A_946, %and3A_951 : i32
        %broadcast_in_dim3A_953 = vector.broadcast %and3A_952 : i32 to vector<16xi32>
        %broadcast_in_dim3A_954 = arith.constant 2 : i32
        %broadcast_in_dim3A_955 = vector.broadcast %broadcast_in_dim3A_954 : i32 to vector<16xi32>
        %broadcast_in_dim3A_956 = vector.broadcast %select_n3A_254 : i32 to vector<16xi32>
        %broadcast_in_dim3A_957 = vector.broadcast %add3A_950 : i32 to vector<16xi32>
        %add3A_958 = arith.constant 0 : i32
        %add3A_959 = vector.broadcast %add3A_958 : i32 to vector<16xi32>
        %add3A_960 = arith.addi %iota3A, %add3A_959 : vector<16xi32>
        %gather3A_961 = tpu.vector_load_idx %arg8[%broadcast_in_dim3A_955, %add3A_960, %broadcast_in_dim3A_953] : memref<4x64x128xf32, #tpu.memory_space<vmem>>[vector<16xi32>, vector<16xi32>, vector<16xi32>], vector<16xf32>,
        %gather3A_962 = tpu.vector_load_idx %arg9[%broadcast_in_dim3A_955, %add3A_960, %broadcast_in_dim3A_953] : memref<4x64x128xf32, #tpu.memory_space<vmem>>[vector<16xi32>, vector<16xi32>, vector<16xi32>], vector<16xf32>,
        tpu.vector_store_idx %arg10[%broadcast_in_dim3A_956, %add3A_960, %broadcast_in_dim3A_957], %gather3A_961 : memref<2x64x128xf32, #tpu.memory_space<vmem>>[vector<16xi32>, vector<16xi32>, vector<16xi32>], vector<16xf32>,
        tpu.vector_store_idx %arg11[%broadcast_in_dim3A_956, %add3A_960, %broadcast_in_dim3A_957], %gather3A_962 : memref<2x64x128xf32, #tpu.memory_space<vmem>>[vector<16xi32>, vector<16xi32>, vector<16xi32>], vector<16xf32>,
        %add3A_963 = arith.constant 16 : i32
        %add3A_964 = vector.broadcast %add3A_963 : i32 to vector<16xi32>
        %add3A_965 = arith.addi %iota3A, %add3A_964 : vector<16xi32>
        %gather3A_966 = tpu.vector_load_idx %arg8[%broadcast_in_dim3A_955, %add3A_965, %broadcast_in_dim3A_953] : memref<4x64x128xf32, #tpu.memory_space<vmem>>[vector<16xi32>, vector<16xi32>, vector<16xi32>], vector<16xf32>,
        %gather3A_967 = tpu.vector_load_idx %arg9[%broadcast_in_dim3A_955, %add3A_965, %broadcast_in_dim3A_953] : memref<4x64x128xf32, #tpu.memory_space<vmem>>[vector<16xi32>, vector<16xi32>, vector<16xi32>], vector<16xf32>,
        tpu.vector_store_idx %arg10[%broadcast_in_dim3A_956, %add3A_965, %broadcast_in_dim3A_957], %gather3A_966 : memref<2x64x128xf32, #tpu.memory_space<vmem>>[vector<16xi32>, vector<16xi32>, vector<16xi32>], vector<16xf32>,
        tpu.vector_store_idx %arg11[%broadcast_in_dim3A_956, %add3A_965, %broadcast_in_dim3A_957], %gather3A_967 : memref<2x64x128xf32, #tpu.memory_space<vmem>>[vector<16xi32>, vector<16xi32>, vector<16xi32>], vector<16xf32>,
        %add3A_968 = arith.constant 32 : i32
        %add3A_969 = vector.broadcast %add3A_968 : i32 to vector<16xi32>
        %add3A_970 = arith.addi %iota3A, %add3A_969 : vector<16xi32>
        %gather3A_971 = tpu.vector_load_idx %arg8[%broadcast_in_dim3A_955, %add3A_970, %broadcast_in_dim3A_953] : memref<4x64x128xf32, #tpu.memory_space<vmem>>[vector<16xi32>, vector<16xi32>, vector<16xi32>], vector<16xf32>,
        %gather3A_972 = tpu.vector_load_idx %arg9[%broadcast_in_dim3A_955, %add3A_970, %broadcast_in_dim3A_953] : memref<4x64x128xf32, #tpu.memory_space<vmem>>[vector<16xi32>, vector<16xi32>, vector<16xi32>], vector<16xf32>,
        tpu.vector_store_idx %arg10[%broadcast_in_dim3A_956, %add3A_970, %broadcast_in_dim3A_957], %gather3A_971 : memref<2x64x128xf32, #tpu.memory_space<vmem>>[vector<16xi32>, vector<16xi32>, vector<16xi32>], vector<16xf32>,
        tpu.vector_store_idx %arg11[%broadcast_in_dim3A_956, %add3A_970, %broadcast_in_dim3A_957], %gather3A_972 : memref<2x64x128xf32, #tpu.memory_space<vmem>>[vector<16xi32>, vector<16xi32>, vector<16xi32>], vector<16xf32>,
        %add3A_973 = arith.constant 48 : i32
        %add3A_974 = vector.broadcast %add3A_973 : i32 to vector<16xi32>
        %add3A_975 = arith.addi %iota3A, %add3A_974 : vector<16xi32>
        %gather3A_976 = tpu.vector_load_idx %arg8[%broadcast_in_dim3A_955, %add3A_975, %broadcast_in_dim3A_953] : memref<4x64x128xf32, #tpu.memory_space<vmem>>[vector<16xi32>, vector<16xi32>, vector<16xi32>], vector<16xf32>,
        %gather3A_977 = tpu.vector_load_idx %arg9[%broadcast_in_dim3A_955, %add3A_975, %broadcast_in_dim3A_953] : memref<4x64x128xf32, #tpu.memory_space<vmem>>[vector<16xi32>, vector<16xi32>, vector<16xi32>], vector<16xf32>,
        tpu.vector_store_idx %arg10[%broadcast_in_dim3A_956, %add3A_975, %broadcast_in_dim3A_957], %gather3A_976 : memref<2x64x128xf32, #tpu.memory_space<vmem>>[vector<16xi32>, vector<16xi32>, vector<16xi32>], vector<16xf32>,
        tpu.vector_store_idx %arg11[%broadcast_in_dim3A_956, %add3A_975, %broadcast_in_dim3A_957], %gather3A_977 : memref<2x64x128xf32, #tpu.memory_space<vmem>>[vector<16xi32>, vector<16xi32>, vector<16xi32>], vector<16xf32>,
        %dma_wait3A_978 = arith.constant 3 : i32
        %dma_wait3A_979 = arith.constant 0 : i32
        %dma_wait3A_980 = arith.constant 0 : i32
        %dma_wait3A_981 = tpu.memref_slice %arg8[%dma_wait3A_978, %dma_wait3A_979, %dma_wait3A_980] : memref<4x64x128xf32, #tpu.memory_space<vmem>> -> memref<1x64x128xf32, #tpu.memory_space<vmem>>
        %dma_wait3A_982 = tpu.memref_squeeze %dma_wait3A_981 : memref<1x64x128xf32, #tpu.memory_space<vmem>> -> memref<64x128xf32, #tpu.memory_space<vmem>>
        %dma_wait3A_983 = arith.constant 0 : i32
        %dma_wait3A_984 = arith.constant 0 : i32
        %dma_wait3A_985 = tpu.memref_slice %arg3[%dma_wait3A_983, %dma_wait3A_984] : memref<64x1000000xf32, #tpu.memory_space<hbm>> -> memref<64x128xf32, #tpu.memory_space<hbm>>
        %dma_wait3A_986 = arith.constant 0 : i32
        %dma_wait3A_987 = arith.constant 0 : i32
        %dma_wait3A_988 = tpu.memref_slice %arg8[%dma_wait3A_978, %dma_wait3A_986, %dma_wait3A_987] : memref<4x64x128xf32, #tpu.memory_space<vmem>> -> memref<1x64x128xf32, #tpu.memory_space<vmem>>
        %dma_wait3A_989 = tpu.memref_squeeze %dma_wait3A_988 : memref<1x64x128xf32, #tpu.memory_space<vmem>> -> memref<64x128xf32, #tpu.memory_space<vmem>>
        %dma_wait3A_990 = arith.constant 0 : i32
        %dma_wait3A_991 = arith.constant 0 : i32
        %dma_wait3A_992 = tpu.memref_slice %arg3[%dma_wait3A_990, %dma_wait3A_991] : memref<64x1000000xf32, #tpu.memory_space<hbm>> -> memref<64x128xf32, #tpu.memory_space<hbm>>
        tpu.wait_dma2 semaphore(%arg15 : memref<!tpu.dma_semaphore, #tpu.memory_space<semaphore_mem>>) src(%dma_wait3A_992 : memref<64x128xf32, #tpu.memory_space<hbm>>) dst(%dma_wait3A_989 : memref<64x128xf32, #tpu.memory_space<vmem>>)
        %dma_wait3A_993 = arith.constant 3 : i32
        %dma_wait3A_994 = arith.constant 0 : i32
        %dma_wait3A_995 = arith.constant 0 : i32
        %dma_wait3A_996 = tpu.memref_slice %arg9[%dma_wait3A_993, %dma_wait3A_994, %dma_wait3A_995] : memref<4x64x128xf32, #tpu.memory_space<vmem>> -> memref<1x64x128xf32, #tpu.memory_space<vmem>>
        %dma_wait3A_997 = tpu.memref_squeeze %dma_wait3A_996 : memref<1x64x128xf32, #tpu.memory_space<vmem>> -> memref<64x128xf32, #tpu.memory_space<vmem>>
        %dma_wait3A_998 = arith.constant 0 : i32
        %dma_wait3A_999 = arith.constant 0 : i32
        %dma_wait3A_1000 = tpu.memref_slice %arg4[%dma_wait3A_998, %dma_wait3A_999] : memref<64x1000000xf32, #tpu.memory_space<hbm>> -> memref<64x128xf32, #tpu.memory_space<hbm>>
        %dma_wait3A_1001 = arith.constant 0 : i32
        %dma_wait3A_1002 = arith.constant 0 : i32
        %dma_wait3A_1003 = tpu.memref_slice %arg9[%dma_wait3A_993, %dma_wait3A_1001, %dma_wait3A_1002] : memref<4x64x128xf32, #tpu.memory_space<vmem>> -> memref<1x64x128xf32, #tpu.memory_space<vmem>>
        %dma_wait3A_1004 = tpu.memref_squeeze %dma_wait3A_1003 : memref<1x64x128xf32, #tpu.memory_space<vmem>> -> memref<64x128xf32, #tpu.memory_space<vmem>>
        %dma_wait3A_1005 = arith.constant 0 : i32
        %dma_wait3A_1006 = arith.constant 0 : i32
        %dma_wait3A_1007 = tpu.memref_slice %arg4[%dma_wait3A_1005, %dma_wait3A_1006] : memref<64x1000000xf32, #tpu.memory_space<hbm>> -> memref<64x128xf32, #tpu.memory_space<hbm>>
        tpu.wait_dma2 semaphore(%arg19 : memref<!tpu.dma_semaphore, #tpu.memory_space<semaphore_mem>>) src(%dma_wait3A_1007 : memref<64x128xf32, #tpu.memory_space<hbm>>) dst(%dma_wait3A_1004 : memref<64x128xf32, #tpu.memory_space<vmem>>)
        %slice3A_1008 = vector.extract_strided_slice %get3A_300 {offsets = [10], sizes = [1], strides = [1]} : vector<16xi32> to vector<1xi32>
        %squeeze3A_1009 = vector.extract %slice3A_1008[0] : i32 from vector<1xi32>
        %shift_right_arithmetic3A_1010 = arith.constant 7 : i32
        %shift_right_arithmetic3A_1011 = arith.shrsi %squeeze3A_1009, %shift_right_arithmetic3A_1010 : i32
        %shift_left3A_1012 = arith.constant 7 : i32
        %shift_left3A_1013 = arith.shli %shift_right_arithmetic3A_1011, %shift_left3A_1012 : i32
        %multiple_of3A_1014 = tpu.assume_multiple %shift_left3A_1013, 128 : i32
        %dma_start3A_1015 = arith.constant 2 : i32
        %dma_start3A_1016 = arith.constant 0 : i32
        %dma_start3A_1017 = arith.constant 0 : i32
        %dma_start3A_1018 = tpu.memref_slice %arg8[%dma_start3A_1015, %dma_start3A_1016, %dma_start3A_1017] : memref<4x64x128xf32, #tpu.memory_space<vmem>> -> memref<1x64x128xf32, #tpu.memory_space<vmem>>
        %dma_start3A_1019 = tpu.memref_squeeze %dma_start3A_1018 : memref<1x64x128xf32, #tpu.memory_space<vmem>> -> memref<64x128xf32, #tpu.memory_space<vmem>>
        %dma_start3A_1020 = arith.constant 0 : i32
        %dma_start3A_1021 = tpu.memref_slice %arg3[%dma_start3A_1020, %multiple_of3A_1014] : memref<64x1000000xf32, #tpu.memory_space<hbm>> -> memref<64x128xf32, #tpu.memory_space<hbm>>
        %dma_start3A_1022 = arith.constant 0 : i32
        %dma_start3A_1023 = arith.constant 0 : i32
        %dma_start3A_1024 = tpu.memref_slice %arg8[%dma_start3A_1015, %dma_start3A_1022, %dma_start3A_1023] : memref<4x64x128xf32, #tpu.memory_space<vmem>> -> memref<1x64x128xf32, #tpu.memory_space<vmem>>
        %dma_start3A_1025 = tpu.memref_squeeze %dma_start3A_1024 : memref<1x64x128xf32, #tpu.memory_space<vmem>> -> memref<64x128xf32, #tpu.memory_space<vmem>>
        %dma_start3A_1026 = arith.constant 0 : i32
        %dma_start3A_1027 = tpu.memref_slice %arg3[%dma_start3A_1026, %multiple_of3A_1014] : memref<64x1000000xf32, #tpu.memory_space<hbm>> -> memref<64x128xf32, #tpu.memory_space<hbm>>
        tpu.enqueue_dma source(%dma_start3A_1027 : memref<64x128xf32, #tpu.memory_space<hbm>>) target(%dma_start3A_1025 : memref<64x128xf32, #tpu.memory_space<vmem>>) target_semaphore(%arg14 : memref<!tpu.dma_semaphore, #tpu.memory_space<semaphore_mem>>)
        %dma_start3A_1028 = arith.constant 2 : i32
        %dma_start3A_1029 = arith.constant 0 : i32
        %dma_start3A_1030 = arith.constant 0 : i32
        %dma_start3A_1031 = tpu.memref_slice %arg9[%dma_start3A_1028, %dma_start3A_1029, %dma_start3A_1030] : memref<4x64x128xf32, #tpu.memory_space<vmem>> -> memref<1x64x128xf32, #tpu.memory_space<vmem>>
        %dma_start3A_1032 = tpu.memref_squeeze %dma_start3A_1031 : memref<1x64x128xf32, #tpu.memory_space<vmem>> -> memref<64x128xf32, #tpu.memory_space<vmem>>
        %dma_start3A_1033 = arith.constant 0 : i32
        %dma_start3A_1034 = tpu.memref_slice %arg4[%dma_start3A_1033, %multiple_of3A_1014] : memref<64x1000000xf32, #tpu.memory_space<hbm>> -> memref<64x128xf32, #tpu.memory_space<hbm>>
        %dma_start3A_1035 = arith.constant 0 : i32
        %dma_start3A_1036 = arith.constant 0 : i32
        %dma_start3A_1037 = tpu.memref_slice %arg9[%dma_start3A_1028, %dma_start3A_1035, %dma_start3A_1036] : memref<4x64x128xf32, #tpu.memory_space<vmem>> -> memref<1x64x128xf32, #tpu.memory_space<vmem>>
        %dma_start3A_1038 = tpu.memref_squeeze %dma_start3A_1037 : memref<1x64x128xf32, #tpu.memory_space<vmem>> -> memref<64x128xf32, #tpu.memory_space<vmem>>
        %dma_start3A_1039 = arith.constant 0 : i32
        %dma_start3A_1040 = tpu.memref_slice %arg4[%dma_start3A_1039, %multiple_of3A_1014] : memref<64x1000000xf32, #tpu.memory_space<hbm>> -> memref<64x128xf32, #tpu.memory_space<hbm>>
        tpu.enqueue_dma source(%dma_start3A_1040 : memref<64x128xf32, #tpu.memory_space<hbm>>) target(%dma_start3A_1038 : memref<64x128xf32, #tpu.memory_space<vmem>>) target_semaphore(%arg18 : memref<!tpu.dma_semaphore, #tpu.memory_space<semaphore_mem>>)
        %slice3A_1041 = vector.extract_strided_slice %get3A_300 {offsets = [7], sizes = [1], strides = [1]} : vector<16xi32> to vector<1xi32>
        %squeeze3A_1042 = vector.extract %slice3A_1041[0] : i32 from vector<1xi32>
        %mul3A_1043 = arith.constant 16 : i32
        %mul3A_1044 = arith.muli %scan3A_292, %mul3A_1043 : i32
        %add3A_1045 = arith.constant 7 : i32
        %add3A_1046 = arith.addi %mul3A_1044, %add3A_1045 : i32
        %and3A_1047 = arith.constant 127 : i32
        %and3A_1048 = arith.andi %squeeze3A_1042, %and3A_1047 : i32
        %broadcast_in_dim3A_1049 = vector.broadcast %and3A_1048 : i32 to vector<16xi32>
        %broadcast_in_dim3A_1050 = arith.constant 3 : i32
        %broadcast_in_dim3A_1051 = vector.broadcast %broadcast_in_dim3A_1050 : i32 to vector<16xi32>
        %broadcast_in_dim3A_1052 = vector.broadcast %select_n3A_254 : i32 to vector<16xi32>
        %broadcast_in_dim3A_1053 = vector.broadcast %add3A_1046 : i32 to vector<16xi32>
        %add3A_1054 = arith.constant 0 : i32
        %add3A_1055 = vector.broadcast %add3A_1054 : i32 to vector<16xi32>
        %add3A_1056 = arith.addi %iota3A, %add3A_1055 : vector<16xi32>
        %gather3A_1057 = tpu.vector_load_idx %arg8[%broadcast_in_dim3A_1051, %add3A_1056, %broadcast_in_dim3A_1049] : memref<4x64x128xf32, #tpu.memory_space<vmem>>[vector<16xi32>, vector<16xi32>, vector<16xi32>], vector<16xf32>,
        %gather3A_1058 = tpu.vector_load_idx %arg9[%broadcast_in_dim3A_1051, %add3A_1056, %broadcast_in_dim3A_1049] : memref<4x64x128xf32, #tpu.memory_space<vmem>>[vector<16xi32>, vector<16xi32>, vector<16xi32>], vector<16xf32>,
        tpu.vector_store_idx %arg10[%broadcast_in_dim3A_1052, %add3A_1056, %broadcast_in_dim3A_1053], %gather3A_1057 : memref<2x64x128xf32, #tpu.memory_space<vmem>>[vector<16xi32>, vector<16xi32>, vector<16xi32>], vector<16xf32>,
        tpu.vector_store_idx %arg11[%broadcast_in_dim3A_1052, %add3A_1056, %broadcast_in_dim3A_1053], %gather3A_1058 : memref<2x64x128xf32, #tpu.memory_space<vmem>>[vector<16xi32>, vector<16xi32>, vector<16xi32>], vector<16xf32>,
        %add3A_1059 = arith.constant 16 : i32
        %add3A_1060 = vector.broadcast %add3A_1059 : i32 to vector<16xi32>
        %add3A_1061 = arith.addi %iota3A, %add3A_1060 : vector<16xi32>
        %gather3A_1062 = tpu.vector_load_idx %arg8[%broadcast_in_dim3A_1051, %add3A_1061, %broadcast_in_dim3A_1049] : memref<4x64x128xf32, #tpu.memory_space<vmem>>[vector<16xi32>, vector<16xi32>, vector<16xi32>], vector<16xf32>,
        %gather3A_1063 = tpu.vector_load_idx %arg9[%broadcast_in_dim3A_1051, %add3A_1061, %broadcast_in_dim3A_1049] : memref<4x64x128xf32, #tpu.memory_space<vmem>>[vector<16xi32>, vector<16xi32>, vector<16xi32>], vector<16xf32>,
        tpu.vector_store_idx %arg10[%broadcast_in_dim3A_1052, %add3A_1061, %broadcast_in_dim3A_1053], %gather3A_1062 : memref<2x64x128xf32, #tpu.memory_space<vmem>>[vector<16xi32>, vector<16xi32>, vector<16xi32>], vector<16xf32>,
        tpu.vector_store_idx %arg11[%broadcast_in_dim3A_1052, %add3A_1061, %broadcast_in_dim3A_1053], %gather3A_1063 : memref<2x64x128xf32, #tpu.memory_space<vmem>>[vector<16xi32>, vector<16xi32>, vector<16xi32>], vector<16xf32>,
        %add3A_1064 = arith.constant 32 : i32
        %add3A_1065 = vector.broadcast %add3A_1064 : i32 to vector<16xi32>
        %add3A_1066 = arith.addi %iota3A, %add3A_1065 : vector<16xi32>
        %gather3A_1067 = tpu.vector_load_idx %arg8[%broadcast_in_dim3A_1051, %add3A_1066, %broadcast_in_dim3A_1049] : memref<4x64x128xf32, #tpu.memory_space<vmem>>[vector<16xi32>, vector<16xi32>, vector<16xi32>], vector<16xf32>,
        %gather3A_1068 = tpu.vector_load_idx %arg9[%broadcast_in_dim3A_1051, %add3A_1066, %broadcast_in_dim3A_1049] : memref<4x64x128xf32, #tpu.memory_space<vmem>>[vector<16xi32>, vector<16xi32>, vector<16xi32>], vector<16xf32>,
        tpu.vector_store_idx %arg10[%broadcast_in_dim3A_1052, %add3A_1066, %broadcast_in_dim3A_1053], %gather3A_1067 : memref<2x64x128xf32, #tpu.memory_space<vmem>>[vector<16xi32>, vector<16xi32>, vector<16xi32>], vector<16xf32>,
        tpu.vector_store_idx %arg11[%broadcast_in_dim3A_1052, %add3A_1066, %broadcast_in_dim3A_1053], %gather3A_1068 : memref<2x64x128xf32, #tpu.memory_space<vmem>>[vector<16xi32>, vector<16xi32>, vector<16xi32>], vector<16xf32>,
        %add3A_1069 = arith.constant 48 : i32
        %add3A_1070 = vector.broadcast %add3A_1069 : i32 to vector<16xi32>
        %add3A_1071 = arith.addi %iota3A, %add3A_1070 : vector<16xi32>
        %gather3A_1072 = tpu.vector_load_idx %arg8[%broadcast_in_dim3A_1051, %add3A_1071, %broadcast_in_dim3A_1049] : memref<4x64x128xf32, #tpu.memory_space<vmem>>[vector<16xi32>, vector<16xi32>, vector<16xi32>], vector<16xf32>,
        %gather3A_1073 = tpu.vector_load_idx %arg9[%broadcast_in_dim3A_1051, %add3A_1071, %broadcast_in_dim3A_1049] : memref<4x64x128xf32, #tpu.memory_space<vmem>>[vector<16xi32>, vector<16xi32>, vector<16xi32>], vector<16xf32>,
        tpu.vector_store_idx %arg10[%broadcast_in_dim3A_1052, %add3A_1071, %broadcast_in_dim3A_1053], %gather3A_1072 : memref<2x64x128xf32, #tpu.memory_space<vmem>>[vector<16xi32>, vector<16xi32>, vector<16xi32>], vector<16xf32>,
        tpu.vector_store_idx %arg11[%broadcast_in_dim3A_1052, %add3A_1071, %broadcast_in_dim3A_1053], %gather3A_1073 : memref<2x64x128xf32, #tpu.memory_space<vmem>>[vector<16xi32>, vector<16xi32>, vector<16xi32>], vector<16xf32>,
        %dma_wait3A_1074 = arith.constant 0 : i32
        %dma_wait3A_1075 = arith.constant 0 : i32
        %dma_wait3A_1076 = arith.constant 0 : i32
        %dma_wait3A_1077 = tpu.memref_slice %arg8[%dma_wait3A_1074, %dma_wait3A_1075, %dma_wait3A_1076] : memref<4x64x128xf32, #tpu.memory_space<vmem>> -> memref<1x64x128xf32, #tpu.memory_space<vmem>>
        %dma_wait3A_1078 = tpu.memref_squeeze %dma_wait3A_1077 : memref<1x64x128xf32, #tpu.memory_space<vmem>> -> memref<64x128xf32, #tpu.memory_space<vmem>>
        %dma_wait3A_1079 = arith.constant 0 : i32
        %dma_wait3A_1080 = arith.constant 0 : i32
        %dma_wait3A_1081 = tpu.memref_slice %arg3[%dma_wait3A_1079, %dma_wait3A_1080] : memref<64x1000000xf32, #tpu.memory_space<hbm>> -> memref<64x128xf32, #tpu.memory_space<hbm>>
        %dma_wait3A_1082 = arith.constant 0 : i32
        %dma_wait3A_1083 = arith.constant 0 : i32
        %dma_wait3A_1084 = tpu.memref_slice %arg8[%dma_wait3A_1074, %dma_wait3A_1082, %dma_wait3A_1083] : memref<4x64x128xf32, #tpu.memory_space<vmem>> -> memref<1x64x128xf32, #tpu.memory_space<vmem>>
        %dma_wait3A_1085 = tpu.memref_squeeze %dma_wait3A_1084 : memref<1x64x128xf32, #tpu.memory_space<vmem>> -> memref<64x128xf32, #tpu.memory_space<vmem>>
        %dma_wait3A_1086 = arith.constant 0 : i32
        %dma_wait3A_1087 = arith.constant 0 : i32
        %dma_wait3A_1088 = tpu.memref_slice %arg3[%dma_wait3A_1086, %dma_wait3A_1087] : memref<64x1000000xf32, #tpu.memory_space<hbm>> -> memref<64x128xf32, #tpu.memory_space<hbm>>
        tpu.wait_dma2 semaphore(%arg12 : memref<!tpu.dma_semaphore, #tpu.memory_space<semaphore_mem>>) src(%dma_wait3A_1088 : memref<64x128xf32, #tpu.memory_space<hbm>>) dst(%dma_wait3A_1085 : memref<64x128xf32, #tpu.memory_space<vmem>>)
        %dma_wait3A_1089 = arith.constant 0 : i32
        %dma_wait3A_1090 = arith.constant 0 : i32
        %dma_wait3A_1091 = arith.constant 0 : i32
        %dma_wait3A_1092 = tpu.memref_slice %arg9[%dma_wait3A_1089, %dma_wait3A_1090, %dma_wait3A_1091] : memref<4x64x128xf32, #tpu.memory_space<vmem>> -> memref<1x64x128xf32, #tpu.memory_space<vmem>>
        %dma_wait3A_1093 = tpu.memref_squeeze %dma_wait3A_1092 : memref<1x64x128xf32, #tpu.memory_space<vmem>> -> memref<64x128xf32, #tpu.memory_space<vmem>>
        %dma_wait3A_1094 = arith.constant 0 : i32
        %dma_wait3A_1095 = arith.constant 0 : i32
        %dma_wait3A_1096 = tpu.memref_slice %arg4[%dma_wait3A_1094, %dma_wait3A_1095] : memref<64x1000000xf32, #tpu.memory_space<hbm>> -> memref<64x128xf32, #tpu.memory_space<hbm>>
        %dma_wait3A_1097 = arith.constant 0 : i32
        %dma_wait3A_1098 = arith.constant 0 : i32
        %dma_wait3A_1099 = tpu.memref_slice %arg9[%dma_wait3A_1089, %dma_wait3A_1097, %dma_wait3A_1098] : memref<4x64x128xf32, #tpu.memory_space<vmem>> -> memref<1x64x128xf32, #tpu.memory_space<vmem>>
        %dma_wait3A_1100 = tpu.memref_squeeze %dma_wait3A_1099 : memref<1x64x128xf32, #tpu.memory_space<vmem>> -> memref<64x128xf32, #tpu.memory_space<vmem>>
        %dma_wait3A_1101 = arith.constant 0 : i32
        %dma_wait3A_1102 = arith.constant 0 : i32
        %dma_wait3A_1103 = tpu.memref_slice %arg4[%dma_wait3A_1101, %dma_wait3A_1102] : memref<64x1000000xf32, #tpu.memory_space<hbm>> -> memref<64x128xf32, #tpu.memory_space<hbm>>
        tpu.wait_dma2 semaphore(%arg16 : memref<!tpu.dma_semaphore, #tpu.memory_space<semaphore_mem>>) src(%dma_wait3A_1103 : memref<64x128xf32, #tpu.memory_space<hbm>>) dst(%dma_wait3A_1100 : memref<64x128xf32, #tpu.memory_space<vmem>>)
        %slice3A_1104 = vector.extract_strided_slice %get3A_300 {offsets = [11], sizes = [1], strides = [1]} : vector<16xi32> to vector<1xi32>
        %squeeze3A_1105 = vector.extract %slice3A_1104[0] : i32 from vector<1xi32>
        %shift_right_arithmetic3A_1106 = arith.constant 7 : i32
        %shift_right_arithmetic3A_1107 = arith.shrsi %squeeze3A_1105, %shift_right_arithmetic3A_1106 : i32
        %shift_left3A_1108 = arith.constant 7 : i32
        %shift_left3A_1109 = arith.shli %shift_right_arithmetic3A_1107, %shift_left3A_1108 : i32
        %multiple_of3A_1110 = tpu.assume_multiple %shift_left3A_1109, 128 : i32
        %dma_start3A_1111 = arith.constant 3 : i32
        %dma_start3A_1112 = arith.constant 0 : i32
        %dma_start3A_1113 = arith.constant 0 : i32
        %dma_start3A_1114 = tpu.memref_slice %arg8[%dma_start3A_1111, %dma_start3A_1112, %dma_start3A_1113] : memref<4x64x128xf32, #tpu.memory_space<vmem>> -> memref<1x64x128xf32, #tpu.memory_space<vmem>>
        %dma_start3A_1115 = tpu.memref_squeeze %dma_start3A_1114 : memref<1x64x128xf32, #tpu.memory_space<vmem>> -> memref<64x128xf32, #tpu.memory_space<vmem>>
        %dma_start3A_1116 = arith.constant 0 : i32
        %dma_start3A_1117 = tpu.memref_slice %arg3[%dma_start3A_1116, %multiple_of3A_1110] : memref<64x1000000xf32, #tpu.memory_space<hbm>> -> memref<64x128xf32, #tpu.memory_space<hbm>>
        %dma_start3A_1118 = arith.constant 0 : i32
        %dma_start3A_1119 = arith.constant 0 : i32
        %dma_start3A_1120 = tpu.memref_slice %arg8[%dma_start3A_1111, %dma_start3A_1118, %dma_start3A_1119] : memref<4x64x128xf32, #tpu.memory_space<vmem>> -> memref<1x64x128xf32, #tpu.memory_space<vmem>>
        %dma_start3A_1121 = tpu.memref_squeeze %dma_start3A_1120 : memref<1x64x128xf32, #tpu.memory_space<vmem>> -> memref<64x128xf32, #tpu.memory_space<vmem>>
        %dma_start3A_1122 = arith.constant 0 : i32
        %dma_start3A_1123 = tpu.memref_slice %arg3[%dma_start3A_1122, %multiple_of3A_1110] : memref<64x1000000xf32, #tpu.memory_space<hbm>> -> memref<64x128xf32, #tpu.memory_space<hbm>>
        tpu.enqueue_dma source(%dma_start3A_1123 : memref<64x128xf32, #tpu.memory_space<hbm>>) target(%dma_start3A_1121 : memref<64x128xf32, #tpu.memory_space<vmem>>) target_semaphore(%arg15 : memref<!tpu.dma_semaphore, #tpu.memory_space<semaphore_mem>>)
        %dma_start3A_1124 = arith.constant 3 : i32
        %dma_start3A_1125 = arith.constant 0 : i32
        %dma_start3A_1126 = arith.constant 0 : i32
        %dma_start3A_1127 = tpu.memref_slice %arg9[%dma_start3A_1124, %dma_start3A_1125, %dma_start3A_1126] : memref<4x64x128xf32, #tpu.memory_space<vmem>> -> memref<1x64x128xf32, #tpu.memory_space<vmem>>
        %dma_start3A_1128 = tpu.memref_squeeze %dma_start3A_1127 : memref<1x64x128xf32, #tpu.memory_space<vmem>> -> memref<64x128xf32, #tpu.memory_space<vmem>>
        %dma_start3A_1129 = arith.constant 0 : i32
        %dma_start3A_1130 = tpu.memref_slice %arg4[%dma_start3A_1129, %multiple_of3A_1110] : memref<64x1000000xf32, #tpu.memory_space<hbm>> -> memref<64x128xf32, #tpu.memory_space<hbm>>
        %dma_start3A_1131 = arith.constant 0 : i32
        %dma_start3A_1132 = arith.constant 0 : i32
        %dma_start3A_1133 = tpu.memref_slice %arg9[%dma_start3A_1124, %dma_start3A_1131, %dma_start3A_1132] : memref<4x64x128xf32, #tpu.memory_space<vmem>> -> memref<1x64x128xf32, #tpu.memory_space<vmem>>
        %dma_start3A_1134 = tpu.memref_squeeze %dma_start3A_1133 : memref<1x64x128xf32, #tpu.memory_space<vmem>> -> memref<64x128xf32, #tpu.memory_space<vmem>>
        %dma_start3A_1135 = arith.constant 0 : i32
        %dma_start3A_1136 = tpu.memref_slice %arg4[%dma_start3A_1135, %multiple_of3A_1110] : memref<64x1000000xf32, #tpu.memory_space<hbm>> -> memref<64x128xf32, #tpu.memory_space<hbm>>
        tpu.enqueue_dma source(%dma_start3A_1136 : memref<64x128xf32, #tpu.memory_space<hbm>>) target(%dma_start3A_1134 : memref<64x128xf32, #tpu.memory_space<vmem>>) target_semaphore(%arg19 : memref<!tpu.dma_semaphore, #tpu.memory_space<semaphore_mem>>)
        %slice3A_1137 = vector.extract_strided_slice %get3A_300 {offsets = [8], sizes = [1], strides = [1]} : vector<16xi32> to vector<1xi32>
        %squeeze3A_1138 = vector.extract %slice3A_1137[0] : i32 from vector<1xi32>
        %mul3A_1139 = arith.constant 16 : i32
        %mul3A_1140 = arith.muli %scan3A_292, %mul3A_1139 : i32
        %add3A_1141 = arith.constant 8 : i32
        %add3A_1142 = arith.addi %mul3A_1140, %add3A_1141 : i32
        %and3A_1143 = arith.constant 127 : i32
        %and3A_1144 = arith.andi %squeeze3A_1138, %and3A_1143 : i32
        %broadcast_in_dim3A_1145 = vector.broadcast %and3A_1144 : i32 to vector<16xi32>
        %broadcast_in_dim3A_1146 = arith.constant 0 : i32
        %broadcast_in_dim3A_1147 = vector.broadcast %broadcast_in_dim3A_1146 : i32 to vector<16xi32>
        %broadcast_in_dim3A_1148 = vector.broadcast %select_n3A_254 : i32 to vector<16xi32>
        %broadcast_in_dim3A_1149 = vector.broadcast %add3A_1142 : i32 to vector<16xi32>
        %add3A_1150 = arith.constant 0 : i32
        %add3A_1151 = vector.broadcast %add3A_1150 : i32 to vector<16xi32>
        %add3A_1152 = arith.addi %iota3A, %add3A_1151 : vector<16xi32>
        %gather3A_1153 = tpu.vector_load_idx %arg8[%broadcast_in_dim3A_1147, %add3A_1152, %broadcast_in_dim3A_1145] : memref<4x64x128xf32, #tpu.memory_space<vmem>>[vector<16xi32>, vector<16xi32>, vector<16xi32>], vector<16xf32>,
        %gather3A_1154 = tpu.vector_load_idx %arg9[%broadcast_in_dim3A_1147, %add3A_1152, %broadcast_in_dim3A_1145] : memref<4x64x128xf32, #tpu.memory_space<vmem>>[vector<16xi32>, vector<16xi32>, vector<16xi32>], vector<16xf32>,
        tpu.vector_store_idx %arg10[%broadcast_in_dim3A_1148, %add3A_1152, %broadcast_in_dim3A_1149], %gather3A_1153 : memref<2x64x128xf32, #tpu.memory_space<vmem>>[vector<16xi32>, vector<16xi32>, vector<16xi32>], vector<16xf32>,
        tpu.vector_store_idx %arg11[%broadcast_in_dim3A_1148, %add3A_1152, %broadcast_in_dim3A_1149], %gather3A_1154 : memref<2x64x128xf32, #tpu.memory_space<vmem>>[vector<16xi32>, vector<16xi32>, vector<16xi32>], vector<16xf32>,
        %add3A_1155 = arith.constant 16 : i32
        %add3A_1156 = vector.broadcast %add3A_1155 : i32 to vector<16xi32>
        %add3A_1157 = arith.addi %iota3A, %add3A_1156 : vector<16xi32>
        %gather3A_1158 = tpu.vector_load_idx %arg8[%broadcast_in_dim3A_1147, %add3A_1157, %broadcast_in_dim3A_1145] : memref<4x64x128xf32, #tpu.memory_space<vmem>>[vector<16xi32>, vector<16xi32>, vector<16xi32>], vector<16xf32>,
        %gather3A_1159 = tpu.vector_load_idx %arg9[%broadcast_in_dim3A_1147, %add3A_1157, %broadcast_in_dim3A_1145] : memref<4x64x128xf32, #tpu.memory_space<vmem>>[vector<16xi32>, vector<16xi32>, vector<16xi32>], vector<16xf32>,
        tpu.vector_store_idx %arg10[%broadcast_in_dim3A_1148, %add3A_1157, %broadcast_in_dim3A_1149], %gather3A_1158 : memref<2x64x128xf32, #tpu.memory_space<vmem>>[vector<16xi32>, vector<16xi32>, vector<16xi32>], vector<16xf32>,
        tpu.vector_store_idx %arg11[%broadcast_in_dim3A_1148, %add3A_1157, %broadcast_in_dim3A_1149], %gather3A_1159 : memref<2x64x128xf32, #tpu.memory_space<vmem>>[vector<16xi32>, vector<16xi32>, vector<16xi32>], vector<16xf32>,
        %add3A_1160 = arith.constant 32 : i32
        %add3A_1161 = vector.broadcast %add3A_1160 : i32 to vector<16xi32>
        %add3A_1162 = arith.addi %iota3A, %add3A_1161 : vector<16xi32>
        %gather3A_1163 = tpu.vector_load_idx %arg8[%broadcast_in_dim3A_1147, %add3A_1162, %broadcast_in_dim3A_1145] : memref<4x64x128xf32, #tpu.memory_space<vmem>>[vector<16xi32>, vector<16xi32>, vector<16xi32>], vector<16xf32>,
        %gather3A_1164 = tpu.vector_load_idx %arg9[%broadcast_in_dim3A_1147, %add3A_1162, %broadcast_in_dim3A_1145] : memref<4x64x128xf32, #tpu.memory_space<vmem>>[vector<16xi32>, vector<16xi32>, vector<16xi32>], vector<16xf32>,
        tpu.vector_store_idx %arg10[%broadcast_in_dim3A_1148, %add3A_1162, %broadcast_in_dim3A_1149], %gather3A_1163 : memref<2x64x128xf32, #tpu.memory_space<vmem>>[vector<16xi32>, vector<16xi32>, vector<16xi32>], vector<16xf32>,
        tpu.vector_store_idx %arg11[%broadcast_in_dim3A_1148, %add3A_1162, %broadcast_in_dim3A_1149], %gather3A_1164 : memref<2x64x128xf32, #tpu.memory_space<vmem>>[vector<16xi32>, vector<16xi32>, vector<16xi32>], vector<16xf32>,
        %add3A_1165 = arith.constant 48 : i32
        %add3A_1166 = vector.broadcast %add3A_1165 : i32 to vector<16xi32>
        %add3A_1167 = arith.addi %iota3A, %add3A_1166 : vector<16xi32>
        %gather3A_1168 = tpu.vector_load_idx %arg8[%broadcast_in_dim3A_1147, %add3A_1167, %broadcast_in_dim3A_1145] : memref<4x64x128xf32, #tpu.memory_space<vmem>>[vector<16xi32>, vector<16xi32>, vector<16xi32>], vector<16xf32>,
        %gather3A_1169 = tpu.vector_load_idx %arg9[%broadcast_in_dim3A_1147, %add3A_1167, %broadcast_in_dim3A_1145] : memref<4x64x128xf32, #tpu.memory_space<vmem>>[vector<16xi32>, vector<16xi32>, vector<16xi32>], vector<16xf32>,
        tpu.vector_store_idx %arg10[%broadcast_in_dim3A_1148, %add3A_1167, %broadcast_in_dim3A_1149], %gather3A_1168 : memref<2x64x128xf32, #tpu.memory_space<vmem>>[vector<16xi32>, vector<16xi32>, vector<16xi32>], vector<16xf32>,
        tpu.vector_store_idx %arg11[%broadcast_in_dim3A_1148, %add3A_1167, %broadcast_in_dim3A_1149], %gather3A_1169 : memref<2x64x128xf32, #tpu.memory_space<vmem>>[vector<16xi32>, vector<16xi32>, vector<16xi32>], vector<16xf32>,
        %dma_wait3A_1170 = arith.constant 1 : i32
        %dma_wait3A_1171 = arith.constant 0 : i32
        %dma_wait3A_1172 = arith.constant 0 : i32
        %dma_wait3A_1173 = tpu.memref_slice %arg8[%dma_wait3A_1170, %dma_wait3A_1171, %dma_wait3A_1172] : memref<4x64x128xf32, #tpu.memory_space<vmem>> -> memref<1x64x128xf32, #tpu.memory_space<vmem>>
        %dma_wait3A_1174 = tpu.memref_squeeze %dma_wait3A_1173 : memref<1x64x128xf32, #tpu.memory_space<vmem>> -> memref<64x128xf32, #tpu.memory_space<vmem>>
        %dma_wait3A_1175 = arith.constant 0 : i32
        %dma_wait3A_1176 = arith.constant 0 : i32
        %dma_wait3A_1177 = tpu.memref_slice %arg3[%dma_wait3A_1175, %dma_wait3A_1176] : memref<64x1000000xf32, #tpu.memory_space<hbm>> -> memref<64x128xf32, #tpu.memory_space<hbm>>
        %dma_wait3A_1178 = arith.constant 0 : i32
        %dma_wait3A_1179 = arith.constant 0 : i32
        %dma_wait3A_1180 = tpu.memref_slice %arg8[%dma_wait3A_1170, %dma_wait3A_1178, %dma_wait3A_1179] : memref<4x64x128xf32, #tpu.memory_space<vmem>> -> memref<1x64x128xf32, #tpu.memory_space<vmem>>
        %dma_wait3A_1181 = tpu.memref_squeeze %dma_wait3A_1180 : memref<1x64x128xf32, #tpu.memory_space<vmem>> -> memref<64x128xf32, #tpu.memory_space<vmem>>
        %dma_wait3A_1182 = arith.constant 0 : i32
        %dma_wait3A_1183 = arith.constant 0 : i32
        %dma_wait3A_1184 = tpu.memref_slice %arg3[%dma_wait3A_1182, %dma_wait3A_1183] : memref<64x1000000xf32, #tpu.memory_space<hbm>> -> memref<64x128xf32, #tpu.memory_space<hbm>>
        tpu.wait_dma2 semaphore(%arg13 : memref<!tpu.dma_semaphore, #tpu.memory_space<semaphore_mem>>) src(%dma_wait3A_1184 : memref<64x128xf32, #tpu.memory_space<hbm>>) dst(%dma_wait3A_1181 : memref<64x128xf32, #tpu.memory_space<vmem>>)
        %dma_wait3A_1185 = arith.constant 1 : i32
        %dma_wait3A_1186 = arith.constant 0 : i32
        %dma_wait3A_1187 = arith.constant 0 : i32
        %dma_wait3A_1188 = tpu.memref_slice %arg9[%dma_wait3A_1185, %dma_wait3A_1186, %dma_wait3A_1187] : memref<4x64x128xf32, #tpu.memory_space<vmem>> -> memref<1x64x128xf32, #tpu.memory_space<vmem>>
        %dma_wait3A_1189 = tpu.memref_squeeze %dma_wait3A_1188 : memref<1x64x128xf32, #tpu.memory_space<vmem>> -> memref<64x128xf32, #tpu.memory_space<vmem>>
        %dma_wait3A_1190 = arith.constant 0 : i32
        %dma_wait3A_1191 = arith.constant 0 : i32
        %dma_wait3A_1192 = tpu.memref_slice %arg4[%dma_wait3A_1190, %dma_wait3A_1191] : memref<64x1000000xf32, #tpu.memory_space<hbm>> -> memref<64x128xf32, #tpu.memory_space<hbm>>
        %dma_wait3A_1193 = arith.constant 0 : i32
        %dma_wait3A_1194 = arith.constant 0 : i32
        %dma_wait3A_1195 = tpu.memref_slice %arg9[%dma_wait3A_1185, %dma_wait3A_1193, %dma_wait3A_1194] : memref<4x64x128xf32, #tpu.memory_space<vmem>> -> memref<1x64x128xf32, #tpu.memory_space<vmem>>
        %dma_wait3A_1196 = tpu.memref_squeeze %dma_wait3A_1195 : memref<1x64x128xf32, #tpu.memory_space<vmem>> -> memref<64x128xf32, #tpu.memory_space<vmem>>
        %dma_wait3A_1197 = arith.constant 0 : i32
        %dma_wait3A_1198 = arith.constant 0 : i32
        %dma_wait3A_1199 = tpu.memref_slice %arg4[%dma_wait3A_1197, %dma_wait3A_1198] : memref<64x1000000xf32, #tpu.memory_space<hbm>> -> memref<64x128xf32, #tpu.memory_space<hbm>>
        tpu.wait_dma2 semaphore(%arg17 : memref<!tpu.dma_semaphore, #tpu.memory_space<semaphore_mem>>) src(%dma_wait3A_1199 : memref<64x128xf32, #tpu.memory_space<hbm>>) dst(%dma_wait3A_1196 : memref<64x128xf32, #tpu.memory_space<vmem>>)
        %slice3A_1200 = vector.extract_strided_slice %get3A_300 {offsets = [12], sizes = [1], strides = [1]} : vector<16xi32> to vector<1xi32>
        %squeeze3A_1201 = vector.extract %slice3A_1200[0] : i32 from vector<1xi32>
        %shift_right_arithmetic3A_1202 = arith.constant 7 : i32
        %shift_right_arithmetic3A_1203 = arith.shrsi %squeeze3A_1201, %shift_right_arithmetic3A_1202 : i32
        %shift_left3A_1204 = arith.constant 7 : i32
        %shift_left3A_1205 = arith.shli %shift_right_arithmetic3A_1203, %shift_left3A_1204 : i32
        %multiple_of3A_1206 = tpu.assume_multiple %shift_left3A_1205, 128 : i32
        %dma_start3A_1207 = arith.constant 0 : i32
        %dma_start3A_1208 = arith.constant 0 : i32
        %dma_start3A_1209 = arith.constant 0 : i32
        %dma_start3A_1210 = tpu.memref_slice %arg8[%dma_start3A_1207, %dma_start3A_1208, %dma_start3A_1209] : memref<4x64x128xf32, #tpu.memory_space<vmem>> -> memref<1x64x128xf32, #tpu.memory_space<vmem>>
        %dma_start3A_1211 = tpu.memref_squeeze %dma_start3A_1210 : memref<1x64x128xf32, #tpu.memory_space<vmem>> -> memref<64x128xf32, #tpu.memory_space<vmem>>
        %dma_start3A_1212 = arith.constant 0 : i32
        %dma_start3A_1213 = tpu.memref_slice %arg3[%dma_start3A_1212, %multiple_of3A_1206] : memref<64x1000000xf32, #tpu.memory_space<hbm>> -> memref<64x128xf32, #tpu.memory_space<hbm>>
        %dma_start3A_1214 = arith.constant 0 : i32
        %dma_start3A_1215 = arith.constant 0 : i32
        %dma_start3A_1216 = tpu.memref_slice %arg8[%dma_start3A_1207, %dma_start3A_1214, %dma_start3A_1215] : memref<4x64x128xf32, #tpu.memory_space<vmem>> -> memref<1x64x128xf32, #tpu.memory_space<vmem>>
        %dma_start3A_1217 = tpu.memref_squeeze %dma_start3A_1216 : memref<1x64x128xf32, #tpu.memory_space<vmem>> -> memref<64x128xf32, #tpu.memory_space<vmem>>
        %dma_start3A_1218 = arith.constant 0 : i32
        %dma_start3A_1219 = tpu.memref_slice %arg3[%dma_start3A_1218, %multiple_of3A_1206] : memref<64x1000000xf32, #tpu.memory_space<hbm>> -> memref<64x128xf32, #tpu.memory_space<hbm>>
        tpu.enqueue_dma source(%dma_start3A_1219 : memref<64x128xf32, #tpu.memory_space<hbm>>) target(%dma_start3A_1217 : memref<64x128xf32, #tpu.memory_space<vmem>>) target_semaphore(%arg12 : memref<!tpu.dma_semaphore, #tpu.memory_space<semaphore_mem>>)
        %dma_start3A_1220 = arith.constant 0 : i32
        %dma_start3A_1221 = arith.constant 0 : i32
        %dma_start3A_1222 = arith.constant 0 : i32
        %dma_start3A_1223 = tpu.memref_slice %arg9[%dma_start3A_1220, %dma_start3A_1221, %dma_start3A_1222] : memref<4x64x128xf32, #tpu.memory_space<vmem>> -> memref<1x64x128xf32, #tpu.memory_space<vmem>>
        %dma_start3A_1224 = tpu.memref_squeeze %dma_start3A_1223 : memref<1x64x128xf32, #tpu.memory_space<vmem>> -> memref<64x128xf32, #tpu.memory_space<vmem>>
        %dma_start3A_1225 = arith.constant 0 : i32
        %dma_start3A_1226 = tpu.memref_slice %arg4[%dma_start3A_1225, %multiple_of3A_1206] : memref<64x1000000xf32, #tpu.memory_space<hbm>> -> memref<64x128xf32, #tpu.memory_space<hbm>>
        %dma_start3A_1227 = arith.constant 0 : i32
        %dma_start3A_1228 = arith.constant 0 : i32
        %dma_start3A_1229 = tpu.memref_slice %arg9[%dma_start3A_1220, %dma_start3A_1227, %dma_start3A_1228] : memref<4x64x128xf32, #tpu.memory_space<vmem>> -> memref<1x64x128xf32, #tpu.memory_space<vmem>>
        %dma_start3A_1230 = tpu.memref_squeeze %dma_start3A_1229 : memref<1x64x128xf32, #tpu.memory_space<vmem>> -> memref<64x128xf32, #tpu.memory_space<vmem>>
        %dma_start3A_1231 = arith.constant 0 : i32
        %dma_start3A_1232 = tpu.memref_slice %arg4[%dma_start3A_1231, %multiple_of3A_1206] : memref<64x1000000xf32, #tpu.memory_space<hbm>> -> memref<64x128xf32, #tpu.memory_space<hbm>>
        tpu.enqueue_dma source(%dma_start3A_1232 : memref<64x128xf32, #tpu.memory_space<hbm>>) target(%dma_start3A_1230 : memref<64x128xf32, #tpu.memory_space<vmem>>) target_semaphore(%arg16 : memref<!tpu.dma_semaphore, #tpu.memory_space<semaphore_mem>>)
        %slice3A_1233 = vector.extract_strided_slice %get3A_300 {offsets = [9], sizes = [1], strides = [1]} : vector<16xi32> to vector<1xi32>
        %squeeze3A_1234 = vector.extract %slice3A_1233[0] : i32 from vector<1xi32>
        %mul3A_1235 = arith.constant 16 : i32
        %mul3A_1236 = arith.muli %scan3A_292, %mul3A_1235 : i32
        %add3A_1237 = arith.constant 9 : i32
        %add3A_1238 = arith.addi %mul3A_1236, %add3A_1237 : i32
        %and3A_1239 = arith.constant 127 : i32
        %and3A_1240 = arith.andi %squeeze3A_1234, %and3A_1239 : i32
        %broadcast_in_dim3A_1241 = vector.broadcast %and3A_1240 : i32 to vector<16xi32>
        %broadcast_in_dim3A_1242 = arith.constant 1 : i32
        %broadcast_in_dim3A_1243 = vector.broadcast %broadcast_in_dim3A_1242 : i32 to vector<16xi32>
        %broadcast_in_dim3A_1244 = vector.broadcast %select_n3A_254 : i32 to vector<16xi32>
        %broadcast_in_dim3A_1245 = vector.broadcast %add3A_1238 : i32 to vector<16xi32>
        %add3A_1246 = arith.constant 0 : i32
        %add3A_1247 = vector.broadcast %add3A_1246 : i32 to vector<16xi32>
        %add3A_1248 = arith.addi %iota3A, %add3A_1247 : vector<16xi32>
        %gather3A_1249 = tpu.vector_load_idx %arg8[%broadcast_in_dim3A_1243, %add3A_1248, %broadcast_in_dim3A_1241] : memref<4x64x128xf32, #tpu.memory_space<vmem>>[vector<16xi32>, vector<16xi32>, vector<16xi32>], vector<16xf32>,
        %gather3A_1250 = tpu.vector_load_idx %arg9[%broadcast_in_dim3A_1243, %add3A_1248, %broadcast_in_dim3A_1241] : memref<4x64x128xf32, #tpu.memory_space<vmem>>[vector<16xi32>, vector<16xi32>, vector<16xi32>], vector<16xf32>,
        tpu.vector_store_idx %arg10[%broadcast_in_dim3A_1244, %add3A_1248, %broadcast_in_dim3A_1245], %gather3A_1249 : memref<2x64x128xf32, #tpu.memory_space<vmem>>[vector<16xi32>, vector<16xi32>, vector<16xi32>], vector<16xf32>,
        tpu.vector_store_idx %arg11[%broadcast_in_dim3A_1244, %add3A_1248, %broadcast_in_dim3A_1245], %gather3A_1250 : memref<2x64x128xf32, #tpu.memory_space<vmem>>[vector<16xi32>, vector<16xi32>, vector<16xi32>], vector<16xf32>,
        %add3A_1251 = arith.constant 16 : i32
        %add3A_1252 = vector.broadcast %add3A_1251 : i32 to vector<16xi32>
        %add3A_1253 = arith.addi %iota3A, %add3A_1252 : vector<16xi32>
        %gather3A_1254 = tpu.vector_load_idx %arg8[%broadcast_in_dim3A_1243, %add3A_1253, %broadcast_in_dim3A_1241] : memref<4x64x128xf32, #tpu.memory_space<vmem>>[vector<16xi32>, vector<16xi32>, vector<16xi32>], vector<16xf32>,
        %gather3A_1255 = tpu.vector_load_idx %arg9[%broadcast_in_dim3A_1243, %add3A_1253, %broadcast_in_dim3A_1241] : memref<4x64x128xf32, #tpu.memory_space<vmem>>[vector<16xi32>, vector<16xi32>, vector<16xi32>], vector<16xf32>,
        tpu.vector_store_idx %arg10[%broadcast_in_dim3A_1244, %add3A_1253, %broadcast_in_dim3A_1245], %gather3A_1254 : memref<2x64x128xf32, #tpu.memory_space<vmem>>[vector<16xi32>, vector<16xi32>, vector<16xi32>], vector<16xf32>,
        tpu.vector_store_idx %arg11[%broadcast_in_dim3A_1244, %add3A_1253, %broadcast_in_dim3A_1245], %gather3A_1255 : memref<2x64x128xf32, #tpu.memory_space<vmem>>[vector<16xi32>, vector<16xi32>, vector<16xi32>], vector<16xf32>,
        %add3A_1256 = arith.constant 32 : i32
        %add3A_1257 = vector.broadcast %add3A_1256 : i32 to vector<16xi32>
        %add3A_1258 = arith.addi %iota3A, %add3A_1257 : vector<16xi32>
        %gather3A_1259 = tpu.vector_load_idx %arg8[%broadcast_in_dim3A_1243, %add3A_1258, %broadcast_in_dim3A_1241] : memref<4x64x128xf32, #tpu.memory_space<vmem>>[vector<16xi32>, vector<16xi32>, vector<16xi32>], vector<16xf32>,
        %gather3A_1260 = tpu.vector_load_idx %arg9[%broadcast_in_dim3A_1243, %add3A_1258, %broadcast_in_dim3A_1241] : memref<4x64x128xf32, #tpu.memory_space<vmem>>[vector<16xi32>, vector<16xi32>, vector<16xi32>], vector<16xf32>,
        tpu.vector_store_idx %arg10[%broadcast_in_dim3A_1244, %add3A_1258, %broadcast_in_dim3A_1245], %gather3A_1259 : memref<2x64x128xf32, #tpu.memory_space<vmem>>[vector<16xi32>, vector<16xi32>, vector<16xi32>], vector<16xf32>,
        tpu.vector_store_idx %arg11[%broadcast_in_dim3A_1244, %add3A_1258, %broadcast_in_dim3A_1245], %gather3A_1260 : memref<2x64x128xf32, #tpu.memory_space<vmem>>[vector<16xi32>, vector<16xi32>, vector<16xi32>], vector<16xf32>,
        %add3A_1261 = arith.constant 48 : i32
        %add3A_1262 = vector.broadcast %add3A_1261 : i32 to vector<16xi32>
        %add3A_1263 = arith.addi %iota3A, %add3A_1262 : vector<16xi32>
        %gather3A_1264 = tpu.vector_load_idx %arg8[%broadcast_in_dim3A_1243, %add3A_1263, %broadcast_in_dim3A_1241] : memref<4x64x128xf32, #tpu.memory_space<vmem>>[vector<16xi32>, vector<16xi32>, vector<16xi32>], vector<16xf32>,
        %gather3A_1265 = tpu.vector_load_idx %arg9[%broadcast_in_dim3A_1243, %add3A_1263, %broadcast_in_dim3A_1241] : memref<4x64x128xf32, #tpu.memory_space<vmem>>[vector<16xi32>, vector<16xi32>, vector<16xi32>], vector<16xf32>,
        tpu.vector_store_idx %arg10[%broadcast_in_dim3A_1244, %add3A_1263, %broadcast_in_dim3A_1245], %gather3A_1264 : memref<2x64x128xf32, #tpu.memory_space<vmem>>[vector<16xi32>, vector<16xi32>, vector<16xi32>], vector<16xf32>,
        tpu.vector_store_idx %arg11[%broadcast_in_dim3A_1244, %add3A_1263, %broadcast_in_dim3A_1245], %gather3A_1265 : memref<2x64x128xf32, #tpu.memory_space<vmem>>[vector<16xi32>, vector<16xi32>, vector<16xi32>], vector<16xf32>,
        %dma_wait3A_1266 = arith.constant 2 : i32
        %dma_wait3A_1267 = arith.constant 0 : i32
        %dma_wait3A_1268 = arith.constant 0 : i32
        %dma_wait3A_1269 = tpu.memref_slice %arg8[%dma_wait3A_1266, %dma_wait3A_1267, %dma_wait3A_1268] : memref<4x64x128xf32, #tpu.memory_space<vmem>> -> memref<1x64x128xf32, #tpu.memory_space<vmem>>
        %dma_wait3A_1270 = tpu.memref_squeeze %dma_wait3A_1269 : memref<1x64x128xf32, #tpu.memory_space<vmem>> -> memref<64x128xf32, #tpu.memory_space<vmem>>
        %dma_wait3A_1271 = arith.constant 0 : i32
        %dma_wait3A_1272 = arith.constant 0 : i32
        %dma_wait3A_1273 = tpu.memref_slice %arg3[%dma_wait3A_1271, %dma_wait3A_1272] : memref<64x1000000xf32, #tpu.memory_space<hbm>> -> memref<64x128xf32, #tpu.memory_space<hbm>>
        %dma_wait3A_1274 = arith.constant 0 : i32
        %dma_wait3A_1275 = arith.constant 0 : i32
        %dma_wait3A_1276 = tpu.memref_slice %arg8[%dma_wait3A_1266, %dma_wait3A_1274, %dma_wait3A_1275] : memref<4x64x128xf32, #tpu.memory_space<vmem>> -> memref<1x64x128xf32, #tpu.memory_space<vmem>>
        %dma_wait3A_1277 = tpu.memref_squeeze %dma_wait3A_1276 : memref<1x64x128xf32, #tpu.memory_space<vmem>> -> memref<64x128xf32, #tpu.memory_space<vmem>>
        %dma_wait3A_1278 = arith.constant 0 : i32
        %dma_wait3A_1279 = arith.constant 0 : i32
        %dma_wait3A_1280 = tpu.memref_slice %arg3[%dma_wait3A_1278, %dma_wait3A_1279] : memref<64x1000000xf32, #tpu.memory_space<hbm>> -> memref<64x128xf32, #tpu.memory_space<hbm>>
        tpu.wait_dma2 semaphore(%arg14 : memref<!tpu.dma_semaphore, #tpu.memory_space<semaphore_mem>>) src(%dma_wait3A_1280 : memref<64x128xf32, #tpu.memory_space<hbm>>) dst(%dma_wait3A_1277 : memref<64x128xf32, #tpu.memory_space<vmem>>)
        %dma_wait3A_1281 = arith.constant 2 : i32
        %dma_wait3A_1282 = arith.constant 0 : i32
        %dma_wait3A_1283 = arith.constant 0 : i32
        %dma_wait3A_1284 = tpu.memref_slice %arg9[%dma_wait3A_1281, %dma_wait3A_1282, %dma_wait3A_1283] : memref<4x64x128xf32, #tpu.memory_space<vmem>> -> memref<1x64x128xf32, #tpu.memory_space<vmem>>
        %dma_wait3A_1285 = tpu.memref_squeeze %dma_wait3A_1284 : memref<1x64x128xf32, #tpu.memory_space<vmem>> -> memref<64x128xf32, #tpu.memory_space<vmem>>
        %dma_wait3A_1286 = arith.constant 0 : i32
        %dma_wait3A_1287 = arith.constant 0 : i32
        %dma_wait3A_1288 = tpu.memref_slice %arg4[%dma_wait3A_1286, %dma_wait3A_1287] : memref<64x1000000xf32, #tpu.memory_space<hbm>> -> memref<64x128xf32, #tpu.memory_space<hbm>>
        %dma_wait3A_1289 = arith.constant 0 : i32
        %dma_wait3A_1290 = arith.constant 0 : i32
        %dma_wait3A_1291 = tpu.memref_slice %arg9[%dma_wait3A_1281, %dma_wait3A_1289, %dma_wait3A_1290] : memref<4x64x128xf32, #tpu.memory_space<vmem>> -> memref<1x64x128xf32, #tpu.memory_space<vmem>>
        %dma_wait3A_1292 = tpu.memref_squeeze %dma_wait3A_1291 : memref<1x64x128xf32, #tpu.memory_space<vmem>> -> memref<64x128xf32, #tpu.memory_space<vmem>>
        %dma_wait3A_1293 = arith.constant 0 : i32
        %dma_wait3A_1294 = arith.constant 0 : i32
        %dma_wait3A_1295 = tpu.memref_slice %arg4[%dma_wait3A_1293, %dma_wait3A_1294] : memref<64x1000000xf32, #tpu.memory_space<hbm>> -> memref<64x128xf32, #tpu.memory_space<hbm>>
        tpu.wait_dma2 semaphore(%arg18 : memref<!tpu.dma_semaphore, #tpu.memory_space<semaphore_mem>>) src(%dma_wait3A_1295 : memref<64x128xf32, #tpu.memory_space<hbm>>) dst(%dma_wait3A_1292 : memref<64x128xf32, #tpu.memory_space<vmem>>)
        %slice3A_1296 = vector.extract_strided_slice %get3A_300 {offsets = [13], sizes = [1], strides = [1]} : vector<16xi32> to vector<1xi32>
        %squeeze3A_1297 = vector.extract %slice3A_1296[0] : i32 from vector<1xi32>
        %shift_right_arithmetic3A_1298 = arith.constant 7 : i32
        %shift_right_arithmetic3A_1299 = arith.shrsi %squeeze3A_1297, %shift_right_arithmetic3A_1298 : i32
        %shift_left3A_1300 = arith.constant 7 : i32
        %shift_left3A_1301 = arith.shli %shift_right_arithmetic3A_1299, %shift_left3A_1300 : i32
        %multiple_of3A_1302 = tpu.assume_multiple %shift_left3A_1301, 128 : i32
        %dma_start3A_1303 = arith.constant 1 : i32
        %dma_start3A_1304 = arith.constant 0 : i32
        %dma_start3A_1305 = arith.constant 0 : i32
        %dma_start3A_1306 = tpu.memref_slice %arg8[%dma_start3A_1303, %dma_start3A_1304, %dma_start3A_1305] : memref<4x64x128xf32, #tpu.memory_space<vmem>> -> memref<1x64x128xf32, #tpu.memory_space<vmem>>
        %dma_start3A_1307 = tpu.memref_squeeze %dma_start3A_1306 : memref<1x64x128xf32, #tpu.memory_space<vmem>> -> memref<64x128xf32, #tpu.memory_space<vmem>>
        %dma_start3A_1308 = arith.constant 0 : i32
        %dma_start3A_1309 = tpu.memref_slice %arg3[%dma_start3A_1308, %multiple_of3A_1302] : memref<64x1000000xf32, #tpu.memory_space<hbm>> -> memref<64x128xf32, #tpu.memory_space<hbm>>
        %dma_start3A_1310 = arith.constant 0 : i32
        %dma_start3A_1311 = arith.constant 0 : i32
        %dma_start3A_1312 = tpu.memref_slice %arg8[%dma_start3A_1303, %dma_start3A_1310, %dma_start3A_1311] : memref<4x64x128xf32, #tpu.memory_space<vmem>> -> memref<1x64x128xf32, #tpu.memory_space<vmem>>
        %dma_start3A_1313 = tpu.memref_squeeze %dma_start3A_1312 : memref<1x64x128xf32, #tpu.memory_space<vmem>> -> memref<64x128xf32, #tpu.memory_space<vmem>>
        %dma_start3A_1314 = arith.constant 0 : i32
        %dma_start3A_1315 = tpu.memref_slice %arg3[%dma_start3A_1314, %multiple_of3A_1302] : memref<64x1000000xf32, #tpu.memory_space<hbm>> -> memref<64x128xf32, #tpu.memory_space<hbm>>
        tpu.enqueue_dma source(%dma_start3A_1315 : memref<64x128xf32, #tpu.memory_space<hbm>>) target(%dma_start3A_1313 : memref<64x128xf32, #tpu.memory_space<vmem>>) target_semaphore(%arg13 : memref<!tpu.dma_semaphore, #tpu.memory_space<semaphore_mem>>)
        %dma_start3A_1316 = arith.constant 1 : i32
        %dma_start3A_1317 = arith.constant 0 : i32
        %dma_start3A_1318 = arith.constant 0 : i32
        %dma_start3A_1319 = tpu.memref_slice %arg9[%dma_start3A_1316, %dma_start3A_1317, %dma_start3A_1318] : memref<4x64x128xf32, #tpu.memory_space<vmem>> -> memref<1x64x128xf32, #tpu.memory_space<vmem>>
        %dma_start3A_1320 = tpu.memref_squeeze %dma_start3A_1319 : memref<1x64x128xf32, #tpu.memory_space<vmem>> -> memref<64x128xf32, #tpu.memory_space<vmem>>
        %dma_start3A_1321 = arith.constant 0 : i32
        %dma_start3A_1322 = tpu.memref_slice %arg4[%dma_start3A_1321, %multiple_of3A_1302] : memref<64x1000000xf32, #tpu.memory_space<hbm>> -> memref<64x128xf32, #tpu.memory_space<hbm>>
        %dma_start3A_1323 = arith.constant 0 : i32
        %dma_start3A_1324 = arith.constant 0 : i32
        %dma_start3A_1325 = tpu.memref_slice %arg9[%dma_start3A_1316, %dma_start3A_1323, %dma_start3A_1324] : memref<4x64x128xf32, #tpu.memory_space<vmem>> -> memref<1x64x128xf32, #tpu.memory_space<vmem>>
        %dma_start3A_1326 = tpu.memref_squeeze %dma_start3A_1325 : memref<1x64x128xf32, #tpu.memory_space<vmem>> -> memref<64x128xf32, #tpu.memory_space<vmem>>
        %dma_start3A_1327 = arith.constant 0 : i32
        %dma_start3A_1328 = tpu.memref_slice %arg4[%dma_start3A_1327, %multiple_of3A_1302] : memref<64x1000000xf32, #tpu.memory_space<hbm>> -> memref<64x128xf32, #tpu.memory_space<hbm>>
        tpu.enqueue_dma source(%dma_start3A_1328 : memref<64x128xf32, #tpu.memory_space<hbm>>) target(%dma_start3A_1326 : memref<64x128xf32, #tpu.memory_space<vmem>>) target_semaphore(%arg17 : memref<!tpu.dma_semaphore, #tpu.memory_space<semaphore_mem>>)
        %slice3A_1329 = vector.extract_strided_slice %get3A_300 {offsets = [10], sizes = [1], strides = [1]} : vector<16xi32> to vector<1xi32>
        %squeeze3A_1330 = vector.extract %slice3A_1329[0] : i32 from vector<1xi32>
        %mul3A_1331 = arith.constant 16 : i32
        %mul3A_1332 = arith.muli %scan3A_292, %mul3A_1331 : i32
        %add3A_1333 = arith.constant 10 : i32
        %add3A_1334 = arith.addi %mul3A_1332, %add3A_1333 : i32
        %and3A_1335 = arith.constant 127 : i32
        %and3A_1336 = arith.andi %squeeze3A_1330, %and3A_1335 : i32
        %broadcast_in_dim3A_1337 = vector.broadcast %and3A_1336 : i32 to vector<16xi32>
        %broadcast_in_dim3A_1338 = arith.constant 2 : i32
        %broadcast_in_dim3A_1339 = vector.broadcast %broadcast_in_dim3A_1338 : i32 to vector<16xi32>
        %broadcast_in_dim3A_1340 = vector.broadcast %select_n3A_254 : i32 to vector<16xi32>
        %broadcast_in_dim3A_1341 = vector.broadcast %add3A_1334 : i32 to vector<16xi32>
        %add3A_1342 = arith.constant 0 : i32
        %add3A_1343 = vector.broadcast %add3A_1342 : i32 to vector<16xi32>
        %add3A_1344 = arith.addi %iota3A, %add3A_1343 : vector<16xi32>
        %gather3A_1345 = tpu.vector_load_idx %arg8[%broadcast_in_dim3A_1339, %add3A_1344, %broadcast_in_dim3A_1337] : memref<4x64x128xf32, #tpu.memory_space<vmem>>[vector<16xi32>, vector<16xi32>, vector<16xi32>], vector<16xf32>,
        %gather3A_1346 = tpu.vector_load_idx %arg9[%broadcast_in_dim3A_1339, %add3A_1344, %broadcast_in_dim3A_1337] : memref<4x64x128xf32, #tpu.memory_space<vmem>>[vector<16xi32>, vector<16xi32>, vector<16xi32>], vector<16xf32>,
        tpu.vector_store_idx %arg10[%broadcast_in_dim3A_1340, %add3A_1344, %broadcast_in_dim3A_1341], %gather3A_1345 : memref<2x64x128xf32, #tpu.memory_space<vmem>>[vector<16xi32>, vector<16xi32>, vector<16xi32>], vector<16xf32>,
        tpu.vector_store_idx %arg11[%broadcast_in_dim3A_1340, %add3A_1344, %broadcast_in_dim3A_1341], %gather3A_1346 : memref<2x64x128xf32, #tpu.memory_space<vmem>>[vector<16xi32>, vector<16xi32>, vector<16xi32>], vector<16xf32>,
        %add3A_1347 = arith.constant 16 : i32
        %add3A_1348 = vector.broadcast %add3A_1347 : i32 to vector<16xi32>
        %add3A_1349 = arith.addi %iota3A, %add3A_1348 : vector<16xi32>
        %gather3A_1350 = tpu.vector_load_idx %arg8[%broadcast_in_dim3A_1339, %add3A_1349, %broadcast_in_dim3A_1337] : memref<4x64x128xf32, #tpu.memory_space<vmem>>[vector<16xi32>, vector<16xi32>, vector<16xi32>], vector<16xf32>,
        %gather3A_1351 = tpu.vector_load_idx %arg9[%broadcast_in_dim3A_1339, %add3A_1349, %broadcast_in_dim3A_1337] : memref<4x64x128xf32, #tpu.memory_space<vmem>>[vector<16xi32>, vector<16xi32>, vector<16xi32>], vector<16xf32>,
        tpu.vector_store_idx %arg10[%broadcast_in_dim3A_1340, %add3A_1349, %broadcast_in_dim3A_1341], %gather3A_1350 : memref<2x64x128xf32, #tpu.memory_space<vmem>>[vector<16xi32>, vector<16xi32>, vector<16xi32>], vector<16xf32>,
        tpu.vector_store_idx %arg11[%broadcast_in_dim3A_1340, %add3A_1349, %broadcast_in_dim3A_1341], %gather3A_1351 : memref<2x64x128xf32, #tpu.memory_space<vmem>>[vector<16xi32>, vector<16xi32>, vector<16xi32>], vector<16xf32>,
        %add3A_1352 = arith.constant 32 : i32
        %add3A_1353 = vector.broadcast %add3A_1352 : i32 to vector<16xi32>
        %add3A_1354 = arith.addi %iota3A, %add3A_1353 : vector<16xi32>
        %gather3A_1355 = tpu.vector_load_idx %arg8[%broadcast_in_dim3A_1339, %add3A_1354, %broadcast_in_dim3A_1337] : memref<4x64x128xf32, #tpu.memory_space<vmem>>[vector<16xi32>, vector<16xi32>, vector<16xi32>], vector<16xf32>,
        %gather3A_1356 = tpu.vector_load_idx %arg9[%broadcast_in_dim3A_1339, %add3A_1354, %broadcast_in_dim3A_1337] : memref<4x64x128xf32, #tpu.memory_space<vmem>>[vector<16xi32>, vector<16xi32>, vector<16xi32>], vector<16xf32>,
        tpu.vector_store_idx %arg10[%broadcast_in_dim3A_1340, %add3A_1354, %broadcast_in_dim3A_1341], %gather3A_1355 : memref<2x64x128xf32, #tpu.memory_space<vmem>>[vector<16xi32>, vector<16xi32>, vector<16xi32>], vector<16xf32>,
        tpu.vector_store_idx %arg11[%broadcast_in_dim3A_1340, %add3A_1354, %broadcast_in_dim3A_1341], %gather3A_1356 : memref<2x64x128xf32, #tpu.memory_space<vmem>>[vector<16xi32>, vector<16xi32>, vector<16xi32>], vector<16xf32>,
        %add3A_1357 = arith.constant 48 : i32
        %add3A_1358 = vector.broadcast %add3A_1357 : i32 to vector<16xi32>
        %add3A_1359 = arith.addi %iota3A, %add3A_1358 : vector<16xi32>
        %gather3A_1360 = tpu.vector_load_idx %arg8[%broadcast_in_dim3A_1339, %add3A_1359, %broadcast_in_dim3A_1337] : memref<4x64x128xf32, #tpu.memory_space<vmem>>[vector<16xi32>, vector<16xi32>, vector<16xi32>], vector<16xf32>,
        %gather3A_1361 = tpu.vector_load_idx %arg9[%broadcast_in_dim3A_1339, %add3A_1359, %broadcast_in_dim3A_1337] : memref<4x64x128xf32, #tpu.memory_space<vmem>>[vector<16xi32>, vector<16xi32>, vector<16xi32>], vector<16xf32>,
        tpu.vector_store_idx %arg10[%broadcast_in_dim3A_1340, %add3A_1359, %broadcast_in_dim3A_1341], %gather3A_1360 : memref<2x64x128xf32, #tpu.memory_space<vmem>>[vector<16xi32>, vector<16xi32>, vector<16xi32>], vector<16xf32>,
        tpu.vector_store_idx %arg11[%broadcast_in_dim3A_1340, %add3A_1359, %broadcast_in_dim3A_1341], %gather3A_1361 : memref<2x64x128xf32, #tpu.memory_space<vmem>>[vector<16xi32>, vector<16xi32>, vector<16xi32>], vector<16xf32>,
        %dma_wait3A_1362 = arith.constant 3 : i32
        %dma_wait3A_1363 = arith.constant 0 : i32
        %dma_wait3A_1364 = arith.constant 0 : i32
        %dma_wait3A_1365 = tpu.memref_slice %arg8[%dma_wait3A_1362, %dma_wait3A_1363, %dma_wait3A_1364] : memref<4x64x128xf32, #tpu.memory_space<vmem>> -> memref<1x64x128xf32, #tpu.memory_space<vmem>>
        %dma_wait3A_1366 = tpu.memref_squeeze %dma_wait3A_1365 : memref<1x64x128xf32, #tpu.memory_space<vmem>> -> memref<64x128xf32, #tpu.memory_space<vmem>>
        %dma_wait3A_1367 = arith.constant 0 : i32
        %dma_wait3A_1368 = arith.constant 0 : i32
        %dma_wait3A_1369 = tpu.memref_slice %arg3[%dma_wait3A_1367, %dma_wait3A_1368] : memref<64x1000000xf32, #tpu.memory_space<hbm>> -> memref<64x128xf32, #tpu.memory_space<hbm>>
        %dma_wait3A_1370 = arith.constant 0 : i32
        %dma_wait3A_1371 = arith.constant 0 : i32
        %dma_wait3A_1372 = tpu.memref_slice %arg8[%dma_wait3A_1362, %dma_wait3A_1370, %dma_wait3A_1371] : memref<4x64x128xf32, #tpu.memory_space<vmem>> -> memref<1x64x128xf32, #tpu.memory_space<vmem>>
        %dma_wait3A_1373 = tpu.memref_squeeze %dma_wait3A_1372 : memref<1x64x128xf32, #tpu.memory_space<vmem>> -> memref<64x128xf32, #tpu.memory_space<vmem>>
        %dma_wait3A_1374 = arith.constant 0 : i32
        %dma_wait3A_1375 = arith.constant 0 : i32
        %dma_wait3A_1376 = tpu.memref_slice %arg3[%dma_wait3A_1374, %dma_wait3A_1375] : memref<64x1000000xf32, #tpu.memory_space<hbm>> -> memref<64x128xf32, #tpu.memory_space<hbm>>
        tpu.wait_dma2 semaphore(%arg15 : memref<!tpu.dma_semaphore, #tpu.memory_space<semaphore_mem>>) src(%dma_wait3A_1376 : memref<64x128xf32, #tpu.memory_space<hbm>>) dst(%dma_wait3A_1373 : memref<64x128xf32, #tpu.memory_space<vmem>>)
        %dma_wait3A_1377 = arith.constant 3 : i32
        %dma_wait3A_1378 = arith.constant 0 : i32
        %dma_wait3A_1379 = arith.constant 0 : i32
        %dma_wait3A_1380 = tpu.memref_slice %arg9[%dma_wait3A_1377, %dma_wait3A_1378, %dma_wait3A_1379] : memref<4x64x128xf32, #tpu.memory_space<vmem>> -> memref<1x64x128xf32, #tpu.memory_space<vmem>>
        %dma_wait3A_1381 = tpu.memref_squeeze %dma_wait3A_1380 : memref<1x64x128xf32, #tpu.memory_space<vmem>> -> memref<64x128xf32, #tpu.memory_space<vmem>>
        %dma_wait3A_1382 = arith.constant 0 : i32
        %dma_wait3A_1383 = arith.constant 0 : i32
        %dma_wait3A_1384 = tpu.memref_slice %arg4[%dma_wait3A_1382, %dma_wait3A_1383] : memref<64x1000000xf32, #tpu.memory_space<hbm>> -> memref<64x128xf32, #tpu.memory_space<hbm>>
        %dma_wait3A_1385 = arith.constant 0 : i32
        %dma_wait3A_1386 = arith.constant 0 : i32
        %dma_wait3A_1387 = tpu.memref_slice %arg9[%dma_wait3A_1377, %dma_wait3A_1385, %dma_wait3A_1386] : memref<4x64x128xf32, #tpu.memory_space<vmem>> -> memref<1x64x128xf32, #tpu.memory_space<vmem>>
        %dma_wait3A_1388 = tpu.memref_squeeze %dma_wait3A_1387 : memref<1x64x128xf32, #tpu.memory_space<vmem>> -> memref<64x128xf32, #tpu.memory_space<vmem>>
        %dma_wait3A_1389 = arith.constant 0 : i32
        %dma_wait3A_1390 = arith.constant 0 : i32
        %dma_wait3A_1391 = tpu.memref_slice %arg4[%dma_wait3A_1389, %dma_wait3A_1390] : memref<64x1000000xf32, #tpu.memory_space<hbm>> -> memref<64x128xf32, #tpu.memory_space<hbm>>
        tpu.wait_dma2 semaphore(%arg19 : memref<!tpu.dma_semaphore, #tpu.memory_space<semaphore_mem>>) src(%dma_wait3A_1391 : memref<64x128xf32, #tpu.memory_space<hbm>>) dst(%dma_wait3A_1388 : memref<64x128xf32, #tpu.memory_space<vmem>>)
        %slice3A_1392 = vector.extract_strided_slice %get3A_300 {offsets = [14], sizes = [1], strides = [1]} : vector<16xi32> to vector<1xi32>
        %squeeze3A_1393 = vector.extract %slice3A_1392[0] : i32 from vector<1xi32>
        %shift_right_arithmetic3A_1394 = arith.constant 7 : i32
        %shift_right_arithmetic3A_1395 = arith.shrsi %squeeze3A_1393, %shift_right_arithmetic3A_1394 : i32
        %shift_left3A_1396 = arith.constant 7 : i32
        %shift_left3A_1397 = arith.shli %shift_right_arithmetic3A_1395, %shift_left3A_1396 : i32
        %multiple_of3A_1398 = tpu.assume_multiple %shift_left3A_1397, 128 : i32
        %dma_start3A_1399 = arith.constant 2 : i32
        %dma_start3A_1400 = arith.constant 0 : i32
        %dma_start3A_1401 = arith.constant 0 : i32
        %dma_start3A_1402 = tpu.memref_slice %arg8[%dma_start3A_1399, %dma_start3A_1400, %dma_start3A_1401] : memref<4x64x128xf32, #tpu.memory_space<vmem>> -> memref<1x64x128xf32, #tpu.memory_space<vmem>>
        %dma_start3A_1403 = tpu.memref_squeeze %dma_start3A_1402 : memref<1x64x128xf32, #tpu.memory_space<vmem>> -> memref<64x128xf32, #tpu.memory_space<vmem>>
        %dma_start3A_1404 = arith.constant 0 : i32
        %dma_start3A_1405 = tpu.memref_slice %arg3[%dma_start3A_1404, %multiple_of3A_1398] : memref<64x1000000xf32, #tpu.memory_space<hbm>> -> memref<64x128xf32, #tpu.memory_space<hbm>>
        %dma_start3A_1406 = arith.constant 0 : i32
        %dma_start3A_1407 = arith.constant 0 : i32
        %dma_start3A_1408 = tpu.memref_slice %arg8[%dma_start3A_1399, %dma_start3A_1406, %dma_start3A_1407] : memref<4x64x128xf32, #tpu.memory_space<vmem>> -> memref<1x64x128xf32, #tpu.memory_space<vmem>>
        %dma_start3A_1409 = tpu.memref_squeeze %dma_start3A_1408 : memref<1x64x128xf32, #tpu.memory_space<vmem>> -> memref<64x128xf32, #tpu.memory_space<vmem>>
        %dma_start3A_1410 = arith.constant 0 : i32
        %dma_start3A_1411 = tpu.memref_slice %arg3[%dma_start3A_1410, %multiple_of3A_1398] : memref<64x1000000xf32, #tpu.memory_space<hbm>> -> memref<64x128xf32, #tpu.memory_space<hbm>>
        tpu.enqueue_dma source(%dma_start3A_1411 : memref<64x128xf32, #tpu.memory_space<hbm>>) target(%dma_start3A_1409 : memref<64x128xf32, #tpu.memory_space<vmem>>) target_semaphore(%arg14 : memref<!tpu.dma_semaphore, #tpu.memory_space<semaphore_mem>>)
        %dma_start3A_1412 = arith.constant 2 : i32
        %dma_start3A_1413 = arith.constant 0 : i32
        %dma_start3A_1414 = arith.constant 0 : i32
        %dma_start3A_1415 = tpu.memref_slice %arg9[%dma_start3A_1412, %dma_start3A_1413, %dma_start3A_1414] : memref<4x64x128xf32, #tpu.memory_space<vmem>> -> memref<1x64x128xf32, #tpu.memory_space<vmem>>
        %dma_start3A_1416 = tpu.memref_squeeze %dma_start3A_1415 : memref<1x64x128xf32, #tpu.memory_space<vmem>> -> memref<64x128xf32, #tpu.memory_space<vmem>>
        %dma_start3A_1417 = arith.constant 0 : i32
        %dma_start3A_1418 = tpu.memref_slice %arg4[%dma_start3A_1417, %multiple_of3A_1398] : memref<64x1000000xf32, #tpu.memory_space<hbm>> -> memref<64x128xf32, #tpu.memory_space<hbm>>
        %dma_start3A_1419 = arith.constant 0 : i32
        %dma_start3A_1420 = arith.constant 0 : i32
        %dma_start3A_1421 = tpu.memref_slice %arg9[%dma_start3A_1412, %dma_start3A_1419, %dma_start3A_1420] : memref<4x64x128xf32, #tpu.memory_space<vmem>> -> memref<1x64x128xf32, #tpu.memory_space<vmem>>
        %dma_start3A_1422 = tpu.memref_squeeze %dma_start3A_1421 : memref<1x64x128xf32, #tpu.memory_space<vmem>> -> memref<64x128xf32, #tpu.memory_space<vmem>>
        %dma_start3A_1423 = arith.constant 0 : i32
        %dma_start3A_1424 = tpu.memref_slice %arg4[%dma_start3A_1423, %multiple_of3A_1398] : memref<64x1000000xf32, #tpu.memory_space<hbm>> -> memref<64x128xf32, #tpu.memory_space<hbm>>
        tpu.enqueue_dma source(%dma_start3A_1424 : memref<64x128xf32, #tpu.memory_space<hbm>>) target(%dma_start3A_1422 : memref<64x128xf32, #tpu.memory_space<vmem>>) target_semaphore(%arg18 : memref<!tpu.dma_semaphore, #tpu.memory_space<semaphore_mem>>)
        %slice3A_1425 = vector.extract_strided_slice %get3A_300 {offsets = [11], sizes = [1], strides = [1]} : vector<16xi32> to vector<1xi32>
        %squeeze3A_1426 = vector.extract %slice3A_1425[0] : i32 from vector<1xi32>
        %mul3A_1427 = arith.constant 16 : i32
        %mul3A_1428 = arith.muli %scan3A_292, %mul3A_1427 : i32
        %add3A_1429 = arith.constant 11 : i32
        %add3A_1430 = arith.addi %mul3A_1428, %add3A_1429 : i32
        %and3A_1431 = arith.constant 127 : i32
        %and3A_1432 = arith.andi %squeeze3A_1426, %and3A_1431 : i32
        %broadcast_in_dim3A_1433 = vector.broadcast %and3A_1432 : i32 to vector<16xi32>
        %broadcast_in_dim3A_1434 = arith.constant 3 : i32
        %broadcast_in_dim3A_1435 = vector.broadcast %broadcast_in_dim3A_1434 : i32 to vector<16xi32>
        %broadcast_in_dim3A_1436 = vector.broadcast %select_n3A_254 : i32 to vector<16xi32>
        %broadcast_in_dim3A_1437 = vector.broadcast %add3A_1430 : i32 to vector<16xi32>
        %add3A_1438 = arith.constant 0 : i32
        %add3A_1439 = vector.broadcast %add3A_1438 : i32 to vector<16xi32>
        %add3A_1440 = arith.addi %iota3A, %add3A_1439 : vector<16xi32>
        %gather3A_1441 = tpu.vector_load_idx %arg8[%broadcast_in_dim3A_1435, %add3A_1440, %broadcast_in_dim3A_1433] : memref<4x64x128xf32, #tpu.memory_space<vmem>>[vector<16xi32>, vector<16xi32>, vector<16xi32>], vector<16xf32>,
        %gather3A_1442 = tpu.vector_load_idx %arg9[%broadcast_in_dim3A_1435, %add3A_1440, %broadcast_in_dim3A_1433] : memref<4x64x128xf32, #tpu.memory_space<vmem>>[vector<16xi32>, vector<16xi32>, vector<16xi32>], vector<16xf32>,
        tpu.vector_store_idx %arg10[%broadcast_in_dim3A_1436, %add3A_1440, %broadcast_in_dim3A_1437], %gather3A_1441 : memref<2x64x128xf32, #tpu.memory_space<vmem>>[vector<16xi32>, vector<16xi32>, vector<16xi32>], vector<16xf32>,
        tpu.vector_store_idx %arg11[%broadcast_in_dim3A_1436, %add3A_1440, %broadcast_in_dim3A_1437], %gather3A_1442 : memref<2x64x128xf32, #tpu.memory_space<vmem>>[vector<16xi32>, vector<16xi32>, vector<16xi32>], vector<16xf32>,
        %add3A_1443 = arith.constant 16 : i32
        %add3A_1444 = vector.broadcast %add3A_1443 : i32 to vector<16xi32>
        %add3A_1445 = arith.addi %iota3A, %add3A_1444 : vector<16xi32>
        %gather3A_1446 = tpu.vector_load_idx %arg8[%broadcast_in_dim3A_1435, %add3A_1445, %broadcast_in_dim3A_1433] : memref<4x64x128xf32, #tpu.memory_space<vmem>>[vector<16xi32>, vector<16xi32>, vector<16xi32>], vector<16xf32>,
        %gather3A_1447 = tpu.vector_load_idx %arg9[%broadcast_in_dim3A_1435, %add3A_1445, %broadcast_in_dim3A_1433] : memref<4x64x128xf32, #tpu.memory_space<vmem>>[vector<16xi32>, vector<16xi32>, vector<16xi32>], vector<16xf32>,
        tpu.vector_store_idx %arg10[%broadcast_in_dim3A_1436, %add3A_1445, %broadcast_in_dim3A_1437], %gather3A_1446 : memref<2x64x128xf32, #tpu.memory_space<vmem>>[vector<16xi32>, vector<16xi32>, vector<16xi32>], vector<16xf32>,
        tpu.vector_store_idx %arg11[%broadcast_in_dim3A_1436, %add3A_1445, %broadcast_in_dim3A_1437], %gather3A_1447 : memref<2x64x128xf32, #tpu.memory_space<vmem>>[vector<16xi32>, vector<16xi32>, vector<16xi32>], vector<16xf32>,
        %add3A_1448 = arith.constant 32 : i32
        %add3A_1449 = vector.broadcast %add3A_1448 : i32 to vector<16xi32>
        %add3A_1450 = arith.addi %iota3A, %add3A_1449 : vector<16xi32>
        %gather3A_1451 = tpu.vector_load_idx %arg8[%broadcast_in_dim3A_1435, %add3A_1450, %broadcast_in_dim3A_1433] : memref<4x64x128xf32, #tpu.memory_space<vmem>>[vector<16xi32>, vector<16xi32>, vector<16xi32>], vector<16xf32>,
        %gather3A_1452 = tpu.vector_load_idx %arg9[%broadcast_in_dim3A_1435, %add3A_1450, %broadcast_in_dim3A_1433] : memref<4x64x128xf32, #tpu.memory_space<vmem>>[vector<16xi32>, vector<16xi32>, vector<16xi32>], vector<16xf32>,
        tpu.vector_store_idx %arg10[%broadcast_in_dim3A_1436, %add3A_1450, %broadcast_in_dim3A_1437], %gather3A_1451 : memref<2x64x128xf32, #tpu.memory_space<vmem>>[vector<16xi32>, vector<16xi32>, vector<16xi32>], vector<16xf32>,
        tpu.vector_store_idx %arg11[%broadcast_in_dim3A_1436, %add3A_1450, %broadcast_in_dim3A_1437], %gather3A_1452 : memref<2x64x128xf32, #tpu.memory_space<vmem>>[vector<16xi32>, vector<16xi32>, vector<16xi32>], vector<16xf32>,
        %add3A_1453 = arith.constant 48 : i32
        %add3A_1454 = vector.broadcast %add3A_1453 : i32 to vector<16xi32>
        %add3A_1455 = arith.addi %iota3A, %add3A_1454 : vector<16xi32>
        %gather3A_1456 = tpu.vector_load_idx %arg8[%broadcast_in_dim3A_1435, %add3A_1455, %broadcast_in_dim3A_1433] : memref<4x64x128xf32, #tpu.memory_space<vmem>>[vector<16xi32>, vector<16xi32>, vector<16xi32>], vector<16xf32>,
        %gather3A_1457 = tpu.vector_load_idx %arg9[%broadcast_in_dim3A_1435, %add3A_1455, %broadcast_in_dim3A_1433] : memref<4x64x128xf32, #tpu.memory_space<vmem>>[vector<16xi32>, vector<16xi32>, vector<16xi32>], vector<16xf32>,
        tpu.vector_store_idx %arg10[%broadcast_in_dim3A_1436, %add3A_1455, %broadcast_in_dim3A_1437], %gather3A_1456 : memref<2x64x128xf32, #tpu.memory_space<vmem>>[vector<16xi32>, vector<16xi32>, vector<16xi32>], vector<16xf32>,
        tpu.vector_store_idx %arg11[%broadcast_in_dim3A_1436, %add3A_1455, %broadcast_in_dim3A_1437], %gather3A_1457 : memref<2x64x128xf32, #tpu.memory_space<vmem>>[vector<16xi32>, vector<16xi32>, vector<16xi32>], vector<16xf32>,
        %dma_wait3A_1458 = arith.constant 0 : i32
        %dma_wait3A_1459 = arith.constant 0 : i32
        %dma_wait3A_1460 = arith.constant 0 : i32
        %dma_wait3A_1461 = tpu.memref_slice %arg8[%dma_wait3A_1458, %dma_wait3A_1459, %dma_wait3A_1460] : memref<4x64x128xf32, #tpu.memory_space<vmem>> -> memref<1x64x128xf32, #tpu.memory_space<vmem>>
        %dma_wait3A_1462 = tpu.memref_squeeze %dma_wait3A_1461 : memref<1x64x128xf32, #tpu.memory_space<vmem>> -> memref<64x128xf32, #tpu.memory_space<vmem>>
        %dma_wait3A_1463 = arith.constant 0 : i32
        %dma_wait3A_1464 = arith.constant 0 : i32
        %dma_wait3A_1465 = tpu.memref_slice %arg3[%dma_wait3A_1463, %dma_wait3A_1464] : memref<64x1000000xf32, #tpu.memory_space<hbm>> -> memref<64x128xf32, #tpu.memory_space<hbm>>
        %dma_wait3A_1466 = arith.constant 0 : i32
        %dma_wait3A_1467 = arith.constant 0 : i32
        %dma_wait3A_1468 = tpu.memref_slice %arg8[%dma_wait3A_1458, %dma_wait3A_1466, %dma_wait3A_1467] : memref<4x64x128xf32, #tpu.memory_space<vmem>> -> memref<1x64x128xf32, #tpu.memory_space<vmem>>
        %dma_wait3A_1469 = tpu.memref_squeeze %dma_wait3A_1468 : memref<1x64x128xf32, #tpu.memory_space<vmem>> -> memref<64x128xf32, #tpu.memory_space<vmem>>
        %dma_wait3A_1470 = arith.constant 0 : i32
        %dma_wait3A_1471 = arith.constant 0 : i32
        %dma_wait3A_1472 = tpu.memref_slice %arg3[%dma_wait3A_1470, %dma_wait3A_1471] : memref<64x1000000xf32, #tpu.memory_space<hbm>> -> memref<64x128xf32, #tpu.memory_space<hbm>>
        tpu.wait_dma2 semaphore(%arg12 : memref<!tpu.dma_semaphore, #tpu.memory_space<semaphore_mem>>) src(%dma_wait3A_1472 : memref<64x128xf32, #tpu.memory_space<hbm>>) dst(%dma_wait3A_1469 : memref<64x128xf32, #tpu.memory_space<vmem>>)
        %dma_wait3A_1473 = arith.constant 0 : i32
        %dma_wait3A_1474 = arith.constant 0 : i32
        %dma_wait3A_1475 = arith.constant 0 : i32
        %dma_wait3A_1476 = tpu.memref_slice %arg9[%dma_wait3A_1473, %dma_wait3A_1474, %dma_wait3A_1475] : memref<4x64x128xf32, #tpu.memory_space<vmem>> -> memref<1x64x128xf32, #tpu.memory_space<vmem>>
        %dma_wait3A_1477 = tpu.memref_squeeze %dma_wait3A_1476 : memref<1x64x128xf32, #tpu.memory_space<vmem>> -> memref<64x128xf32, #tpu.memory_space<vmem>>
        %dma_wait3A_1478 = arith.constant 0 : i32
        %dma_wait3A_1479 = arith.constant 0 : i32
        %dma_wait3A_1480 = tpu.memref_slice %arg4[%dma_wait3A_1478, %dma_wait3A_1479] : memref<64x1000000xf32, #tpu.memory_space<hbm>> -> memref<64x128xf32, #tpu.memory_space<hbm>>
        %dma_wait3A_1481 = arith.constant 0 : i32
        %dma_wait3A_1482 = arith.constant 0 : i32
        %dma_wait3A_1483 = tpu.memref_slice %arg9[%dma_wait3A_1473, %dma_wait3A_1481, %dma_wait3A_1482] : memref<4x64x128xf32, #tpu.memory_space<vmem>> -> memref<1x64x128xf32, #tpu.memory_space<vmem>>
        %dma_wait3A_1484 = tpu.memref_squeeze %dma_wait3A_1483 : memref<1x64x128xf32, #tpu.memory_space<vmem>> -> memref<64x128xf32, #tpu.memory_space<vmem>>
        %dma_wait3A_1485 = arith.constant 0 : i32
        %dma_wait3A_1486 = arith.constant 0 : i32
        %dma_wait3A_1487 = tpu.memref_slice %arg4[%dma_wait3A_1485, %dma_wait3A_1486] : memref<64x1000000xf32, #tpu.memory_space<hbm>> -> memref<64x128xf32, #tpu.memory_space<hbm>>
        tpu.wait_dma2 semaphore(%arg16 : memref<!tpu.dma_semaphore, #tpu.memory_space<semaphore_mem>>) src(%dma_wait3A_1487 : memref<64x128xf32, #tpu.memory_space<hbm>>) dst(%dma_wait3A_1484 : memref<64x128xf32, #tpu.memory_space<vmem>>)
        %slice3A_1488 = vector.extract_strided_slice %get3A_300 {offsets = [15], sizes = [1], strides = [1]} : vector<16xi32> to vector<1xi32>
        %squeeze3A_1489 = vector.extract %slice3A_1488[0] : i32 from vector<1xi32>
        %shift_right_arithmetic3A_1490 = arith.constant 7 : i32
        %shift_right_arithmetic3A_1491 = arith.shrsi %squeeze3A_1489, %shift_right_arithmetic3A_1490 : i32
        %shift_left3A_1492 = arith.constant 7 : i32
        %shift_left3A_1493 = arith.shli %shift_right_arithmetic3A_1491, %shift_left3A_1492 : i32
        %multiple_of3A_1494 = tpu.assume_multiple %shift_left3A_1493, 128 : i32
        %dma_start3A_1495 = arith.constant 3 : i32
        %dma_start3A_1496 = arith.constant 0 : i32
        %dma_start3A_1497 = arith.constant 0 : i32
        %dma_start3A_1498 = tpu.memref_slice %arg8[%dma_start3A_1495, %dma_start3A_1496, %dma_start3A_1497] : memref<4x64x128xf32, #tpu.memory_space<vmem>> -> memref<1x64x128xf32, #tpu.memory_space<vmem>>
        %dma_start3A_1499 = tpu.memref_squeeze %dma_start3A_1498 : memref<1x64x128xf32, #tpu.memory_space<vmem>> -> memref<64x128xf32, #tpu.memory_space<vmem>>
        %dma_start3A_1500 = arith.constant 0 : i32
        %dma_start3A_1501 = tpu.memref_slice %arg3[%dma_start3A_1500, %multiple_of3A_1494] : memref<64x1000000xf32, #tpu.memory_space<hbm>> -> memref<64x128xf32, #tpu.memory_space<hbm>>
        %dma_start3A_1502 = arith.constant 0 : i32
        %dma_start3A_1503 = arith.constant 0 : i32
        %dma_start3A_1504 = tpu.memref_slice %arg8[%dma_start3A_1495, %dma_start3A_1502, %dma_start3A_1503] : memref<4x64x128xf32, #tpu.memory_space<vmem>> -> memref<1x64x128xf32, #tpu.memory_space<vmem>>
        %dma_start3A_1505 = tpu.memref_squeeze %dma_start3A_1504 : memref<1x64x128xf32, #tpu.memory_space<vmem>> -> memref<64x128xf32, #tpu.memory_space<vmem>>
        %dma_start3A_1506 = arith.constant 0 : i32
        %dma_start3A_1507 = tpu.memref_slice %arg3[%dma_start3A_1506, %multiple_of3A_1494] : memref<64x1000000xf32, #tpu.memory_space<hbm>> -> memref<64x128xf32, #tpu.memory_space<hbm>>
        tpu.enqueue_dma source(%dma_start3A_1507 : memref<64x128xf32, #tpu.memory_space<hbm>>) target(%dma_start3A_1505 : memref<64x128xf32, #tpu.memory_space<vmem>>) target_semaphore(%arg15 : memref<!tpu.dma_semaphore, #tpu.memory_space<semaphore_mem>>)
        %dma_start3A_1508 = arith.constant 3 : i32
        %dma_start3A_1509 = arith.constant 0 : i32
        %dma_start3A_1510 = arith.constant 0 : i32
        %dma_start3A_1511 = tpu.memref_slice %arg9[%dma_start3A_1508, %dma_start3A_1509, %dma_start3A_1510] : memref<4x64x128xf32, #tpu.memory_space<vmem>> -> memref<1x64x128xf32, #tpu.memory_space<vmem>>
        %dma_start3A_1512 = tpu.memref_squeeze %dma_start3A_1511 : memref<1x64x128xf32, #tpu.memory_space<vmem>> -> memref<64x128xf32, #tpu.memory_space<vmem>>
        %dma_start3A_1513 = arith.constant 0 : i32
        %dma_start3A_1514 = tpu.memref_slice %arg4[%dma_start3A_1513, %multiple_of3A_1494] : memref<64x1000000xf32, #tpu.memory_space<hbm>> -> memref<64x128xf32, #tpu.memory_space<hbm>>
        %dma_start3A_1515 = arith.constant 0 : i32
        %dma_start3A_1516 = arith.constant 0 : i32
        %dma_start3A_1517 = tpu.memref_slice %arg9[%dma_start3A_1508, %dma_start3A_1515, %dma_start3A_1516] : memref<4x64x128xf32, #tpu.memory_space<vmem>> -> memref<1x64x128xf32, #tpu.memory_space<vmem>>
        %dma_start3A_1518 = tpu.memref_squeeze %dma_start3A_1517 : memref<1x64x128xf32, #tpu.memory_space<vmem>> -> memref<64x128xf32, #tpu.memory_space<vmem>>
        %dma_start3A_1519 = arith.constant 0 : i32
        %dma_start3A_1520 = tpu.memref_slice %arg4[%dma_start3A_1519, %multiple_of3A_1494] : memref<64x1000000xf32, #tpu.memory_space<hbm>> -> memref<64x128xf32, #tpu.memory_space<hbm>>
        tpu.enqueue_dma source(%dma_start3A_1520 : memref<64x128xf32, #tpu.memory_space<hbm>>) target(%dma_start3A_1518 : memref<64x128xf32, #tpu.memory_space<vmem>>) target_semaphore(%arg19 : memref<!tpu.dma_semaphore, #tpu.memory_space<semaphore_mem>>)
        %slice3A_1521 = vector.extract_strided_slice %get3A_300 {offsets = [12], sizes = [1], strides = [1]} : vector<16xi32> to vector<1xi32>
        %squeeze3A_1522 = vector.extract %slice3A_1521[0] : i32 from vector<1xi32>
        %mul3A_1523 = arith.constant 16 : i32
        %mul3A_1524 = arith.muli %scan3A_292, %mul3A_1523 : i32
        %add3A_1525 = arith.constant 12 : i32
        %add3A_1526 = arith.addi %mul3A_1524, %add3A_1525 : i32
        %and3A_1527 = arith.constant 127 : i32
        %and3A_1528 = arith.andi %squeeze3A_1522, %and3A_1527 : i32
        %broadcast_in_dim3A_1529 = vector.broadcast %and3A_1528 : i32 to vector<16xi32>
        %broadcast_in_dim3A_1530 = arith.constant 0 : i32
        %broadcast_in_dim3A_1531 = vector.broadcast %broadcast_in_dim3A_1530 : i32 to vector<16xi32>
        %broadcast_in_dim3A_1532 = vector.broadcast %select_n3A_254 : i32 to vector<16xi32>
        %broadcast_in_dim3A_1533 = vector.broadcast %add3A_1526 : i32 to vector<16xi32>
        %add3A_1534 = arith.constant 0 : i32
        %add3A_1535 = vector.broadcast %add3A_1534 : i32 to vector<16xi32>
        %add3A_1536 = arith.addi %iota3A, %add3A_1535 : vector<16xi32>
        %gather3A_1537 = tpu.vector_load_idx %arg8[%broadcast_in_dim3A_1531, %add3A_1536, %broadcast_in_dim3A_1529] : memref<4x64x128xf32, #tpu.memory_space<vmem>>[vector<16xi32>, vector<16xi32>, vector<16xi32>], vector<16xf32>,
        %gather3A_1538 = tpu.vector_load_idx %arg9[%broadcast_in_dim3A_1531, %add3A_1536, %broadcast_in_dim3A_1529] : memref<4x64x128xf32, #tpu.memory_space<vmem>>[vector<16xi32>, vector<16xi32>, vector<16xi32>], vector<16xf32>,
        tpu.vector_store_idx %arg10[%broadcast_in_dim3A_1532, %add3A_1536, %broadcast_in_dim3A_1533], %gather3A_1537 : memref<2x64x128xf32, #tpu.memory_space<vmem>>[vector<16xi32>, vector<16xi32>, vector<16xi32>], vector<16xf32>,
        tpu.vector_store_idx %arg11[%broadcast_in_dim3A_1532, %add3A_1536, %broadcast_in_dim3A_1533], %gather3A_1538 : memref<2x64x128xf32, #tpu.memory_space<vmem>>[vector<16xi32>, vector<16xi32>, vector<16xi32>], vector<16xf32>,
        %add3A_1539 = arith.constant 16 : i32
        %add3A_1540 = vector.broadcast %add3A_1539 : i32 to vector<16xi32>
        %add3A_1541 = arith.addi %iota3A, %add3A_1540 : vector<16xi32>
        %gather3A_1542 = tpu.vector_load_idx %arg8[%broadcast_in_dim3A_1531, %add3A_1541, %broadcast_in_dim3A_1529] : memref<4x64x128xf32, #tpu.memory_space<vmem>>[vector<16xi32>, vector<16xi32>, vector<16xi32>], vector<16xf32>,
        %gather3A_1543 = tpu.vector_load_idx %arg9[%broadcast_in_dim3A_1531, %add3A_1541, %broadcast_in_dim3A_1529] : memref<4x64x128xf32, #tpu.memory_space<vmem>>[vector<16xi32>, vector<16xi32>, vector<16xi32>], vector<16xf32>,
        tpu.vector_store_idx %arg10[%broadcast_in_dim3A_1532, %add3A_1541, %broadcast_in_dim3A_1533], %gather3A_1542 : memref<2x64x128xf32, #tpu.memory_space<vmem>>[vector<16xi32>, vector<16xi32>, vector<16xi32>], vector<16xf32>,
        tpu.vector_store_idx %arg11[%broadcast_in_dim3A_1532, %add3A_1541, %broadcast_in_dim3A_1533], %gather3A_1543 : memref<2x64x128xf32, #tpu.memory_space<vmem>>[vector<16xi32>, vector<16xi32>, vector<16xi32>], vector<16xf32>,
        %add3A_1544 = arith.constant 32 : i32
        %add3A_1545 = vector.broadcast %add3A_1544 : i32 to vector<16xi32>
        %add3A_1546 = arith.addi %iota3A, %add3A_1545 : vector<16xi32>
        %gather3A_1547 = tpu.vector_load_idx %arg8[%broadcast_in_dim3A_1531, %add3A_1546, %broadcast_in_dim3A_1529] : memref<4x64x128xf32, #tpu.memory_space<vmem>>[vector<16xi32>, vector<16xi32>, vector<16xi32>], vector<16xf32>,
        %gather3A_1548 = tpu.vector_load_idx %arg9[%broadcast_in_dim3A_1531, %add3A_1546, %broadcast_in_dim3A_1529] : memref<4x64x128xf32, #tpu.memory_space<vmem>>[vector<16xi32>, vector<16xi32>, vector<16xi32>], vector<16xf32>,
        tpu.vector_store_idx %arg10[%broadcast_in_dim3A_1532, %add3A_1546, %broadcast_in_dim3A_1533], %gather3A_1547 : memref<2x64x128xf32, #tpu.memory_space<vmem>>[vector<16xi32>, vector<16xi32>, vector<16xi32>], vector<16xf32>,
        tpu.vector_store_idx %arg11[%broadcast_in_dim3A_1532, %add3A_1546, %broadcast_in_dim3A_1533], %gather3A_1548 : memref<2x64x128xf32, #tpu.memory_space<vmem>>[vector<16xi32>, vector<16xi32>, vector<16xi32>], vector<16xf32>,
        %add3A_1549 = arith.constant 48 : i32
        %add3A_1550 = vector.broadcast %add3A_1549 : i32 to vector<16xi32>
        %add3A_1551 = arith.addi %iota3A, %add3A_1550 : vector<16xi32>
        %gather3A_1552 = tpu.vector_load_idx %arg8[%broadcast_in_dim3A_1531, %add3A_1551, %broadcast_in_dim3A_1529] : memref<4x64x128xf32, #tpu.memory_space<vmem>>[vector<16xi32>, vector<16xi32>, vector<16xi32>], vector<16xf32>,
        %gather3A_1553 = tpu.vector_load_idx %arg9[%broadcast_in_dim3A_1531, %add3A_1551, %broadcast_in_dim3A_1529] : memref<4x64x128xf32, #tpu.memory_space<vmem>>[vector<16xi32>, vector<16xi32>, vector<16xi32>], vector<16xf32>,
        tpu.vector_store_idx %arg10[%broadcast_in_dim3A_1532, %add3A_1551, %broadcast_in_dim3A_1533], %gather3A_1552 : memref<2x64x128xf32, #tpu.memory_space<vmem>>[vector<16xi32>, vector<16xi32>, vector<16xi32>], vector<16xf32>,
        tpu.vector_store_idx %arg11[%broadcast_in_dim3A_1532, %add3A_1551, %broadcast_in_dim3A_1533], %gather3A_1553 : memref<2x64x128xf32, #tpu.memory_space<vmem>>[vector<16xi32>, vector<16xi32>, vector<16xi32>], vector<16xf32>,
        %dma_wait3A_1554 = arith.constant 1 : i32
        %dma_wait3A_1555 = arith.constant 0 : i32
        %dma_wait3A_1556 = arith.constant 0 : i32
        %dma_wait3A_1557 = tpu.memref_slice %arg8[%dma_wait3A_1554, %dma_wait3A_1555, %dma_wait3A_1556] : memref<4x64x128xf32, #tpu.memory_space<vmem>> -> memref<1x64x128xf32, #tpu.memory_space<vmem>>
        %dma_wait3A_1558 = tpu.memref_squeeze %dma_wait3A_1557 : memref<1x64x128xf32, #tpu.memory_space<vmem>> -> memref<64x128xf32, #tpu.memory_space<vmem>>
        %dma_wait3A_1559 = arith.constant 0 : i32
        %dma_wait3A_1560 = arith.constant 0 : i32
        %dma_wait3A_1561 = tpu.memref_slice %arg3[%dma_wait3A_1559, %dma_wait3A_1560] : memref<64x1000000xf32, #tpu.memory_space<hbm>> -> memref<64x128xf32, #tpu.memory_space<hbm>>
        %dma_wait3A_1562 = arith.constant 0 : i32
        %dma_wait3A_1563 = arith.constant 0 : i32
        %dma_wait3A_1564 = tpu.memref_slice %arg8[%dma_wait3A_1554, %dma_wait3A_1562, %dma_wait3A_1563] : memref<4x64x128xf32, #tpu.memory_space<vmem>> -> memref<1x64x128xf32, #tpu.memory_space<vmem>>
        %dma_wait3A_1565 = tpu.memref_squeeze %dma_wait3A_1564 : memref<1x64x128xf32, #tpu.memory_space<vmem>> -> memref<64x128xf32, #tpu.memory_space<vmem>>
        %dma_wait3A_1566 = arith.constant 0 : i32
        %dma_wait3A_1567 = arith.constant 0 : i32
        %dma_wait3A_1568 = tpu.memref_slice %arg3[%dma_wait3A_1566, %dma_wait3A_1567] : memref<64x1000000xf32, #tpu.memory_space<hbm>> -> memref<64x128xf32, #tpu.memory_space<hbm>>
        tpu.wait_dma2 semaphore(%arg13 : memref<!tpu.dma_semaphore, #tpu.memory_space<semaphore_mem>>) src(%dma_wait3A_1568 : memref<64x128xf32, #tpu.memory_space<hbm>>) dst(%dma_wait3A_1565 : memref<64x128xf32, #tpu.memory_space<vmem>>)
        %dma_wait3A_1569 = arith.constant 1 : i32
        %dma_wait3A_1570 = arith.constant 0 : i32
        %dma_wait3A_1571 = arith.constant 0 : i32
        %dma_wait3A_1572 = tpu.memref_slice %arg9[%dma_wait3A_1569, %dma_wait3A_1570, %dma_wait3A_1571] : memref<4x64x128xf32, #tpu.memory_space<vmem>> -> memref<1x64x128xf32, #tpu.memory_space<vmem>>
        %dma_wait3A_1573 = tpu.memref_squeeze %dma_wait3A_1572 : memref<1x64x128xf32, #tpu.memory_space<vmem>> -> memref<64x128xf32, #tpu.memory_space<vmem>>
        %dma_wait3A_1574 = arith.constant 0 : i32
        %dma_wait3A_1575 = arith.constant 0 : i32
        %dma_wait3A_1576 = tpu.memref_slice %arg4[%dma_wait3A_1574, %dma_wait3A_1575] : memref<64x1000000xf32, #tpu.memory_space<hbm>> -> memref<64x128xf32, #tpu.memory_space<hbm>>
        %dma_wait3A_1577 = arith.constant 0 : i32
        %dma_wait3A_1578 = arith.constant 0 : i32
        %dma_wait3A_1579 = tpu.memref_slice %arg9[%dma_wait3A_1569, %dma_wait3A_1577, %dma_wait3A_1578] : memref<4x64x128xf32, #tpu.memory_space<vmem>> -> memref<1x64x128xf32, #tpu.memory_space<vmem>>
        %dma_wait3A_1580 = tpu.memref_squeeze %dma_wait3A_1579 : memref<1x64x128xf32, #tpu.memory_space<vmem>> -> memref<64x128xf32, #tpu.memory_space<vmem>>
        %dma_wait3A_1581 = arith.constant 0 : i32
        %dma_wait3A_1582 = arith.constant 0 : i32
        %dma_wait3A_1583 = tpu.memref_slice %arg4[%dma_wait3A_1581, %dma_wait3A_1582] : memref<64x1000000xf32, #tpu.memory_space<hbm>> -> memref<64x128xf32, #tpu.memory_space<hbm>>
        tpu.wait_dma2 semaphore(%arg17 : memref<!tpu.dma_semaphore, #tpu.memory_space<semaphore_mem>>) src(%dma_wait3A_1583 : memref<64x128xf32, #tpu.memory_space<hbm>>) dst(%dma_wait3A_1580 : memref<64x128xf32, #tpu.memory_space<vmem>>)
        %slice3A_1584 = vector.extract_strided_slice %get3A_307 {offsets = [0], sizes = [1], strides = [1]} : vector<16xi32> to vector<1xi32>
        %squeeze3A_1585 = vector.extract %slice3A_1584[0] : i32 from vector<1xi32>
        %shift_right_arithmetic3A_1586 = arith.constant 7 : i32
        %shift_right_arithmetic3A_1587 = arith.shrsi %squeeze3A_1585, %shift_right_arithmetic3A_1586 : i32
        %shift_left3A_1588 = arith.constant 7 : i32
        %shift_left3A_1589 = arith.shli %shift_right_arithmetic3A_1587, %shift_left3A_1588 : i32
        %multiple_of3A_1590 = tpu.assume_multiple %shift_left3A_1589, 128 : i32
        %dma_start3A_1591 = arith.constant 0 : i32
        %dma_start3A_1592 = arith.constant 0 : i32
        %dma_start3A_1593 = arith.constant 0 : i32
        %dma_start3A_1594 = tpu.memref_slice %arg8[%dma_start3A_1591, %dma_start3A_1592, %dma_start3A_1593] : memref<4x64x128xf32, #tpu.memory_space<vmem>> -> memref<1x64x128xf32, #tpu.memory_space<vmem>>
        %dma_start3A_1595 = tpu.memref_squeeze %dma_start3A_1594 : memref<1x64x128xf32, #tpu.memory_space<vmem>> -> memref<64x128xf32, #tpu.memory_space<vmem>>
        %dma_start3A_1596 = arith.constant 0 : i32
        %dma_start3A_1597 = tpu.memref_slice %arg3[%dma_start3A_1596, %multiple_of3A_1590] : memref<64x1000000xf32, #tpu.memory_space<hbm>> -> memref<64x128xf32, #tpu.memory_space<hbm>>
        %dma_start3A_1598 = arith.constant 0 : i32
        %dma_start3A_1599 = arith.constant 0 : i32
        %dma_start3A_1600 = tpu.memref_slice %arg8[%dma_start3A_1591, %dma_start3A_1598, %dma_start3A_1599] : memref<4x64x128xf32, #tpu.memory_space<vmem>> -> memref<1x64x128xf32, #tpu.memory_space<vmem>>
        %dma_start3A_1601 = tpu.memref_squeeze %dma_start3A_1600 : memref<1x64x128xf32, #tpu.memory_space<vmem>> -> memref<64x128xf32, #tpu.memory_space<vmem>>
        %dma_start3A_1602 = arith.constant 0 : i32
        %dma_start3A_1603 = tpu.memref_slice %arg3[%dma_start3A_1602, %multiple_of3A_1590] : memref<64x1000000xf32, #tpu.memory_space<hbm>> -> memref<64x128xf32, #tpu.memory_space<hbm>>
        tpu.enqueue_dma source(%dma_start3A_1603 : memref<64x128xf32, #tpu.memory_space<hbm>>) target(%dma_start3A_1601 : memref<64x128xf32, #tpu.memory_space<vmem>>) target_semaphore(%arg12 : memref<!tpu.dma_semaphore, #tpu.memory_space<semaphore_mem>>)
        %dma_start3A_1604 = arith.constant 0 : i32
        %dma_start3A_1605 = arith.constant 0 : i32
        %dma_start3A_1606 = arith.constant 0 : i32
        %dma_start3A_1607 = tpu.memref_slice %arg9[%dma_start3A_1604, %dma_start3A_1605, %dma_start3A_1606] : memref<4x64x128xf32, #tpu.memory_space<vmem>> -> memref<1x64x128xf32, #tpu.memory_space<vmem>>
        %dma_start3A_1608 = tpu.memref_squeeze %dma_start3A_1607 : memref<1x64x128xf32, #tpu.memory_space<vmem>> -> memref<64x128xf32, #tpu.memory_space<vmem>>
        %dma_start3A_1609 = arith.constant 0 : i32
        %dma_start3A_1610 = tpu.memref_slice %arg4[%dma_start3A_1609, %multiple_of3A_1590] : memref<64x1000000xf32, #tpu.memory_space<hbm>> -> memref<64x128xf32, #tpu.memory_space<hbm>>
        %dma_start3A_1611 = arith.constant 0 : i32
        %dma_start3A_1612 = arith.constant 0 : i32
        %dma_start3A_1613 = tpu.memref_slice %arg9[%dma_start3A_1604, %dma_start3A_1611, %dma_start3A_1612] : memref<4x64x128xf32, #tpu.memory_space<vmem>> -> memref<1x64x128xf32, #tpu.memory_space<vmem>>
        %dma_start3A_1614 = tpu.memref_squeeze %dma_start3A_1613 : memref<1x64x128xf32, #tpu.memory_space<vmem>> -> memref<64x128xf32, #tpu.memory_space<vmem>>
        %dma_start3A_1615 = arith.constant 0 : i32
        %dma_start3A_1616 = tpu.memref_slice %arg4[%dma_start3A_1615, %multiple_of3A_1590] : memref<64x1000000xf32, #tpu.memory_space<hbm>> -> memref<64x128xf32, #tpu.memory_space<hbm>>
        tpu.enqueue_dma source(%dma_start3A_1616 : memref<64x128xf32, #tpu.memory_space<hbm>>) target(%dma_start3A_1614 : memref<64x128xf32, #tpu.memory_space<vmem>>) target_semaphore(%arg16 : memref<!tpu.dma_semaphore, #tpu.memory_space<semaphore_mem>>)
        %slice3A_1617 = vector.extract_strided_slice %get3A_300 {offsets = [13], sizes = [1], strides = [1]} : vector<16xi32> to vector<1xi32>
        %squeeze3A_1618 = vector.extract %slice3A_1617[0] : i32 from vector<1xi32>
        %mul3A_1619 = arith.constant 16 : i32
        %mul3A_1620 = arith.muli %scan3A_292, %mul3A_1619 : i32
        %add3A_1621 = arith.constant 13 : i32
        %add3A_1622 = arith.addi %mul3A_1620, %add3A_1621 : i32
        %and3A_1623 = arith.constant 127 : i32
        %and3A_1624 = arith.andi %squeeze3A_1618, %and3A_1623 : i32
        %broadcast_in_dim3A_1625 = vector.broadcast %and3A_1624 : i32 to vector<16xi32>
        %broadcast_in_dim3A_1626 = arith.constant 1 : i32
        %broadcast_in_dim3A_1627 = vector.broadcast %broadcast_in_dim3A_1626 : i32 to vector<16xi32>
        %broadcast_in_dim3A_1628 = vector.broadcast %select_n3A_254 : i32 to vector<16xi32>
        %broadcast_in_dim3A_1629 = vector.broadcast %add3A_1622 : i32 to vector<16xi32>
        %add3A_1630 = arith.constant 0 : i32
        %add3A_1631 = vector.broadcast %add3A_1630 : i32 to vector<16xi32>
        %add3A_1632 = arith.addi %iota3A, %add3A_1631 : vector<16xi32>
        %gather3A_1633 = tpu.vector_load_idx %arg8[%broadcast_in_dim3A_1627, %add3A_1632, %broadcast_in_dim3A_1625] : memref<4x64x128xf32, #tpu.memory_space<vmem>>[vector<16xi32>, vector<16xi32>, vector<16xi32>], vector<16xf32>,
        %gather3A_1634 = tpu.vector_load_idx %arg9[%broadcast_in_dim3A_1627, %add3A_1632, %broadcast_in_dim3A_1625] : memref<4x64x128xf32, #tpu.memory_space<vmem>>[vector<16xi32>, vector<16xi32>, vector<16xi32>], vector<16xf32>,
        tpu.vector_store_idx %arg10[%broadcast_in_dim3A_1628, %add3A_1632, %broadcast_in_dim3A_1629], %gather3A_1633 : memref<2x64x128xf32, #tpu.memory_space<vmem>>[vector<16xi32>, vector<16xi32>, vector<16xi32>], vector<16xf32>,
        tpu.vector_store_idx %arg11[%broadcast_in_dim3A_1628, %add3A_1632, %broadcast_in_dim3A_1629], %gather3A_1634 : memref<2x64x128xf32, #tpu.memory_space<vmem>>[vector<16xi32>, vector<16xi32>, vector<16xi32>], vector<16xf32>,
        %add3A_1635 = arith.constant 16 : i32
        %add3A_1636 = vector.broadcast %add3A_1635 : i32 to vector<16xi32>
        %add3A_1637 = arith.addi %iota3A, %add3A_1636 : vector<16xi32>
        %gather3A_1638 = tpu.vector_load_idx %arg8[%broadcast_in_dim3A_1627, %add3A_1637, %broadcast_in_dim3A_1625] : memref<4x64x128xf32, #tpu.memory_space<vmem>>[vector<16xi32>, vector<16xi32>, vector<16xi32>], vector<16xf32>,
        %gather3A_1639 = tpu.vector_load_idx %arg9[%broadcast_in_dim3A_1627, %add3A_1637, %broadcast_in_dim3A_1625] : memref<4x64x128xf32, #tpu.memory_space<vmem>>[vector<16xi32>, vector<16xi32>, vector<16xi32>], vector<16xf32>,
        tpu.vector_store_idx %arg10[%broadcast_in_dim3A_1628, %add3A_1637, %broadcast_in_dim3A_1629], %gather3A_1638 : memref<2x64x128xf32, #tpu.memory_space<vmem>>[vector<16xi32>, vector<16xi32>, vector<16xi32>], vector<16xf32>,
        tpu.vector_store_idx %arg11[%broadcast_in_dim3A_1628, %add3A_1637, %broadcast_in_dim3A_1629], %gather3A_1639 : memref<2x64x128xf32, #tpu.memory_space<vmem>>[vector<16xi32>, vector<16xi32>, vector<16xi32>], vector<16xf32>,
        %add3A_1640 = arith.constant 32 : i32
        %add3A_1641 = vector.broadcast %add3A_1640 : i32 to vector<16xi32>
        %add3A_1642 = arith.addi %iota3A, %add3A_1641 : vector<16xi32>
        %gather3A_1643 = tpu.vector_load_idx %arg8[%broadcast_in_dim3A_1627, %add3A_1642, %broadcast_in_dim3A_1625] : memref<4x64x128xf32, #tpu.memory_space<vmem>>[vector<16xi32>, vector<16xi32>, vector<16xi32>], vector<16xf32>,
        %gather3A_1644 = tpu.vector_load_idx %arg9[%broadcast_in_dim3A_1627, %add3A_1642, %broadcast_in_dim3A_1625] : memref<4x64x128xf32, #tpu.memory_space<vmem>>[vector<16xi32>, vector<16xi32>, vector<16xi32>], vector<16xf32>,
        tpu.vector_store_idx %arg10[%broadcast_in_dim3A_1628, %add3A_1642, %broadcast_in_dim3A_1629], %gather3A_1643 : memref<2x64x128xf32, #tpu.memory_space<vmem>>[vector<16xi32>, vector<16xi32>, vector<16xi32>], vector<16xf32>,
        tpu.vector_store_idx %arg11[%broadcast_in_dim3A_1628, %add3A_1642, %broadcast_in_dim3A_1629], %gather3A_1644 : memref<2x64x128xf32, #tpu.memory_space<vmem>>[vector<16xi32>, vector<16xi32>, vector<16xi32>], vector<16xf32>,
        %add3A_1645 = arith.constant 48 : i32
        %add3A_1646 = vector.broadcast %add3A_1645 : i32 to vector<16xi32>
        %add3A_1647 = arith.addi %iota3A, %add3A_1646 : vector<16xi32>
        %gather3A_1648 = tpu.vector_load_idx %arg8[%broadcast_in_dim3A_1627, %add3A_1647, %broadcast_in_dim3A_1625] : memref<4x64x128xf32, #tpu.memory_space<vmem>>[vector<16xi32>, vector<16xi32>, vector<16xi32>], vector<16xf32>,
        %gather3A_1649 = tpu.vector_load_idx %arg9[%broadcast_in_dim3A_1627, %add3A_1647, %broadcast_in_dim3A_1625] : memref<4x64x128xf32, #tpu.memory_space<vmem>>[vector<16xi32>, vector<16xi32>, vector<16xi32>], vector<16xf32>,
        tpu.vector_store_idx %arg10[%broadcast_in_dim3A_1628, %add3A_1647, %broadcast_in_dim3A_1629], %gather3A_1648 : memref<2x64x128xf32, #tpu.memory_space<vmem>>[vector<16xi32>, vector<16xi32>, vector<16xi32>], vector<16xf32>,
        tpu.vector_store_idx %arg11[%broadcast_in_dim3A_1628, %add3A_1647, %broadcast_in_dim3A_1629], %gather3A_1649 : memref<2x64x128xf32, #tpu.memory_space<vmem>>[vector<16xi32>, vector<16xi32>, vector<16xi32>], vector<16xf32>,
        %dma_wait3A_1650 = arith.constant 2 : i32
        %dma_wait3A_1651 = arith.constant 0 : i32
        %dma_wait3A_1652 = arith.constant 0 : i32
        %dma_wait3A_1653 = tpu.memref_slice %arg8[%dma_wait3A_1650, %dma_wait3A_1651, %dma_wait3A_1652] : memref<4x64x128xf32, #tpu.memory_space<vmem>> -> memref<1x64x128xf32, #tpu.memory_space<vmem>>
        %dma_wait3A_1654 = tpu.memref_squeeze %dma_wait3A_1653 : memref<1x64x128xf32, #tpu.memory_space<vmem>> -> memref<64x128xf32, #tpu.memory_space<vmem>>
        %dma_wait3A_1655 = arith.constant 0 : i32
        %dma_wait3A_1656 = arith.constant 0 : i32
        %dma_wait3A_1657 = tpu.memref_slice %arg3[%dma_wait3A_1655, %dma_wait3A_1656] : memref<64x1000000xf32, #tpu.memory_space<hbm>> -> memref<64x128xf32, #tpu.memory_space<hbm>>
        %dma_wait3A_1658 = arith.constant 0 : i32
        %dma_wait3A_1659 = arith.constant 0 : i32
        %dma_wait3A_1660 = tpu.memref_slice %arg8[%dma_wait3A_1650, %dma_wait3A_1658, %dma_wait3A_1659] : memref<4x64x128xf32, #tpu.memory_space<vmem>> -> memref<1x64x128xf32, #tpu.memory_space<vmem>>
        %dma_wait3A_1661 = tpu.memref_squeeze %dma_wait3A_1660 : memref<1x64x128xf32, #tpu.memory_space<vmem>> -> memref<64x128xf32, #tpu.memory_space<vmem>>
        %dma_wait3A_1662 = arith.constant 0 : i32
        %dma_wait3A_1663 = arith.constant 0 : i32
        %dma_wait3A_1664 = tpu.memref_slice %arg3[%dma_wait3A_1662, %dma_wait3A_1663] : memref<64x1000000xf32, #tpu.memory_space<hbm>> -> memref<64x128xf32, #tpu.memory_space<hbm>>
        tpu.wait_dma2 semaphore(%arg14 : memref<!tpu.dma_semaphore, #tpu.memory_space<semaphore_mem>>) src(%dma_wait3A_1664 : memref<64x128xf32, #tpu.memory_space<hbm>>) dst(%dma_wait3A_1661 : memref<64x128xf32, #tpu.memory_space<vmem>>)
        %dma_wait3A_1665 = arith.constant 2 : i32
        %dma_wait3A_1666 = arith.constant 0 : i32
        %dma_wait3A_1667 = arith.constant 0 : i32
        %dma_wait3A_1668 = tpu.memref_slice %arg9[%dma_wait3A_1665, %dma_wait3A_1666, %dma_wait3A_1667] : memref<4x64x128xf32, #tpu.memory_space<vmem>> -> memref<1x64x128xf32, #tpu.memory_space<vmem>>
        %dma_wait3A_1669 = tpu.memref_squeeze %dma_wait3A_1668 : memref<1x64x128xf32, #tpu.memory_space<vmem>> -> memref<64x128xf32, #tpu.memory_space<vmem>>
        %dma_wait3A_1670 = arith.constant 0 : i32
        %dma_wait3A_1671 = arith.constant 0 : i32
        %dma_wait3A_1672 = tpu.memref_slice %arg4[%dma_wait3A_1670, %dma_wait3A_1671] : memref<64x1000000xf32, #tpu.memory_space<hbm>> -> memref<64x128xf32, #tpu.memory_space<hbm>>
        %dma_wait3A_1673 = arith.constant 0 : i32
        %dma_wait3A_1674 = arith.constant 0 : i32
        %dma_wait3A_1675 = tpu.memref_slice %arg9[%dma_wait3A_1665, %dma_wait3A_1673, %dma_wait3A_1674] : memref<4x64x128xf32, #tpu.memory_space<vmem>> -> memref<1x64x128xf32, #tpu.memory_space<vmem>>
        %dma_wait3A_1676 = tpu.memref_squeeze %dma_wait3A_1675 : memref<1x64x128xf32, #tpu.memory_space<vmem>> -> memref<64x128xf32, #tpu.memory_space<vmem>>
        %dma_wait3A_1677 = arith.constant 0 : i32
        %dma_wait3A_1678 = arith.constant 0 : i32
        %dma_wait3A_1679 = tpu.memref_slice %arg4[%dma_wait3A_1677, %dma_wait3A_1678] : memref<64x1000000xf32, #tpu.memory_space<hbm>> -> memref<64x128xf32, #tpu.memory_space<hbm>>
        tpu.wait_dma2 semaphore(%arg18 : memref<!tpu.dma_semaphore, #tpu.memory_space<semaphore_mem>>) src(%dma_wait3A_1679 : memref<64x128xf32, #tpu.memory_space<hbm>>) dst(%dma_wait3A_1676 : memref<64x128xf32, #tpu.memory_space<vmem>>)
        %slice3A_1680 = vector.extract_strided_slice %get3A_307 {offsets = [1], sizes = [1], strides = [1]} : vector<16xi32> to vector<1xi32>
        %squeeze3A_1681 = vector.extract %slice3A_1680[0] : i32 from vector<1xi32>
        %shift_right_arithmetic3A_1682 = arith.constant 7 : i32
        %shift_right_arithmetic3A_1683 = arith.shrsi %squeeze3A_1681, %shift_right_arithmetic3A_1682 : i32
        %shift_left3A_1684 = arith.constant 7 : i32
        %shift_left3A_1685 = arith.shli %shift_right_arithmetic3A_1683, %shift_left3A_1684 : i32
        %multiple_of3A_1686 = tpu.assume_multiple %shift_left3A_1685, 128 : i32
        %dma_start3A_1687 = arith.constant 1 : i32
        %dma_start3A_1688 = arith.constant 0 : i32
        %dma_start3A_1689 = arith.constant 0 : i32
        %dma_start3A_1690 = tpu.memref_slice %arg8[%dma_start3A_1687, %dma_start3A_1688, %dma_start3A_1689] : memref<4x64x128xf32, #tpu.memory_space<vmem>> -> memref<1x64x128xf32, #tpu.memory_space<vmem>>
        %dma_start3A_1691 = tpu.memref_squeeze %dma_start3A_1690 : memref<1x64x128xf32, #tpu.memory_space<vmem>> -> memref<64x128xf32, #tpu.memory_space<vmem>>
        %dma_start3A_1692 = arith.constant 0 : i32
        %dma_start3A_1693 = tpu.memref_slice %arg3[%dma_start3A_1692, %multiple_of3A_1686] : memref<64x1000000xf32, #tpu.memory_space<hbm>> -> memref<64x128xf32, #tpu.memory_space<hbm>>
        %dma_start3A_1694 = arith.constant 0 : i32
        %dma_start3A_1695 = arith.constant 0 : i32
        %dma_start3A_1696 = tpu.memref_slice %arg8[%dma_start3A_1687, %dma_start3A_1694, %dma_start3A_1695] : memref<4x64x128xf32, #tpu.memory_space<vmem>> -> memref<1x64x128xf32, #tpu.memory_space<vmem>>
        %dma_start3A_1697 = tpu.memref_squeeze %dma_start3A_1696 : memref<1x64x128xf32, #tpu.memory_space<vmem>> -> memref<64x128xf32, #tpu.memory_space<vmem>>
        %dma_start3A_1698 = arith.constant 0 : i32
        %dma_start3A_1699 = tpu.memref_slice %arg3[%dma_start3A_1698, %multiple_of3A_1686] : memref<64x1000000xf32, #tpu.memory_space<hbm>> -> memref<64x128xf32, #tpu.memory_space<hbm>>
        tpu.enqueue_dma source(%dma_start3A_1699 : memref<64x128xf32, #tpu.memory_space<hbm>>) target(%dma_start3A_1697 : memref<64x128xf32, #tpu.memory_space<vmem>>) target_semaphore(%arg13 : memref<!tpu.dma_semaphore, #tpu.memory_space<semaphore_mem>>)
        %dma_start3A_1700 = arith.constant 1 : i32
        %dma_start3A_1701 = arith.constant 0 : i32
        %dma_start3A_1702 = arith.constant 0 : i32
        %dma_start3A_1703 = tpu.memref_slice %arg9[%dma_start3A_1700, %dma_start3A_1701, %dma_start3A_1702] : memref<4x64x128xf32, #tpu.memory_space<vmem>> -> memref<1x64x128xf32, #tpu.memory_space<vmem>>
        %dma_start3A_1704 = tpu.memref_squeeze %dma_start3A_1703 : memref<1x64x128xf32, #tpu.memory_space<vmem>> -> memref<64x128xf32, #tpu.memory_space<vmem>>
        %dma_start3A_1705 = arith.constant 0 : i32
        %dma_start3A_1706 = tpu.memref_slice %arg4[%dma_start3A_1705, %multiple_of3A_1686] : memref<64x1000000xf32, #tpu.memory_space<hbm>> -> memref<64x128xf32, #tpu.memory_space<hbm>>
        %dma_start3A_1707 = arith.constant 0 : i32
        %dma_start3A_1708 = arith.constant 0 : i32
        %dma_start3A_1709 = tpu.memref_slice %arg9[%dma_start3A_1700, %dma_start3A_1707, %dma_start3A_1708] : memref<4x64x128xf32, #tpu.memory_space<vmem>> -> memref<1x64x128xf32, #tpu.memory_space<vmem>>
        %dma_start3A_1710 = tpu.memref_squeeze %dma_start3A_1709 : memref<1x64x128xf32, #tpu.memory_space<vmem>> -> memref<64x128xf32, #tpu.memory_space<vmem>>
        %dma_start3A_1711 = arith.constant 0 : i32
        %dma_start3A_1712 = tpu.memref_slice %arg4[%dma_start3A_1711, %multiple_of3A_1686] : memref<64x1000000xf32, #tpu.memory_space<hbm>> -> memref<64x128xf32, #tpu.memory_space<hbm>>
        tpu.enqueue_dma source(%dma_start3A_1712 : memref<64x128xf32, #tpu.memory_space<hbm>>) target(%dma_start3A_1710 : memref<64x128xf32, #tpu.memory_space<vmem>>) target_semaphore(%arg17 : memref<!tpu.dma_semaphore, #tpu.memory_space<semaphore_mem>>)
        %slice3A_1713 = vector.extract_strided_slice %get3A_300 {offsets = [14], sizes = [1], strides = [1]} : vector<16xi32> to vector<1xi32>
        %squeeze3A_1714 = vector.extract %slice3A_1713[0] : i32 from vector<1xi32>
        %mul3A_1715 = arith.constant 16 : i32
        %mul3A_1716 = arith.muli %scan3A_292, %mul3A_1715 : i32
        %add3A_1717 = arith.constant 14 : i32
        %add3A_1718 = arith.addi %mul3A_1716, %add3A_1717 : i32
        %and3A_1719 = arith.constant 127 : i32
        %and3A_1720 = arith.andi %squeeze3A_1714, %and3A_1719 : i32
        %broadcast_in_dim3A_1721 = vector.broadcast %and3A_1720 : i32 to vector<16xi32>
        %broadcast_in_dim3A_1722 = arith.constant 2 : i32
        %broadcast_in_dim3A_1723 = vector.broadcast %broadcast_in_dim3A_1722 : i32 to vector<16xi32>
        %broadcast_in_dim3A_1724 = vector.broadcast %select_n3A_254 : i32 to vector<16xi32>
        %broadcast_in_dim3A_1725 = vector.broadcast %add3A_1718 : i32 to vector<16xi32>
        %add3A_1726 = arith.constant 0 : i32
        %add3A_1727 = vector.broadcast %add3A_1726 : i32 to vector<16xi32>
        %add3A_1728 = arith.addi %iota3A, %add3A_1727 : vector<16xi32>
        %gather3A_1729 = tpu.vector_load_idx %arg8[%broadcast_in_dim3A_1723, %add3A_1728, %broadcast_in_dim3A_1721] : memref<4x64x128xf32, #tpu.memory_space<vmem>>[vector<16xi32>, vector<16xi32>, vector<16xi32>], vector<16xf32>,
        %gather3A_1730 = tpu.vector_load_idx %arg9[%broadcast_in_dim3A_1723, %add3A_1728, %broadcast_in_dim3A_1721] : memref<4x64x128xf32, #tpu.memory_space<vmem>>[vector<16xi32>, vector<16xi32>, vector<16xi32>], vector<16xf32>,
        tpu.vector_store_idx %arg10[%broadcast_in_dim3A_1724, %add3A_1728, %broadcast_in_dim3A_1725], %gather3A_1729 : memref<2x64x128xf32, #tpu.memory_space<vmem>>[vector<16xi32>, vector<16xi32>, vector<16xi32>], vector<16xf32>,
        tpu.vector_store_idx %arg11[%broadcast_in_dim3A_1724, %add3A_1728, %broadcast_in_dim3A_1725], %gather3A_1730 : memref<2x64x128xf32, #tpu.memory_space<vmem>>[vector<16xi32>, vector<16xi32>, vector<16xi32>], vector<16xf32>,
        %add3A_1731 = arith.constant 16 : i32
        %add3A_1732 = vector.broadcast %add3A_1731 : i32 to vector<16xi32>
        %add3A_1733 = arith.addi %iota3A, %add3A_1732 : vector<16xi32>
        %gather3A_1734 = tpu.vector_load_idx %arg8[%broadcast_in_dim3A_1723, %add3A_1733, %broadcast_in_dim3A_1721] : memref<4x64x128xf32, #tpu.memory_space<vmem>>[vector<16xi32>, vector<16xi32>, vector<16xi32>], vector<16xf32>,
        %gather3A_1735 = tpu.vector_load_idx %arg9[%broadcast_in_dim3A_1723, %add3A_1733, %broadcast_in_dim3A_1721] : memref<4x64x128xf32, #tpu.memory_space<vmem>>[vector<16xi32>, vector<16xi32>, vector<16xi32>], vector<16xf32>,
        tpu.vector_store_idx %arg10[%broadcast_in_dim3A_1724, %add3A_1733, %broadcast_in_dim3A_1725], %gather3A_1734 : memref<2x64x128xf32, #tpu.memory_space<vmem>>[vector<16xi32>, vector<16xi32>, vector<16xi32>], vector<16xf32>,
        tpu.vector_store_idx %arg11[%broadcast_in_dim3A_1724, %add3A_1733, %broadcast_in_dim3A_1725], %gather3A_1735 : memref<2x64x128xf32, #tpu.memory_space<vmem>>[vector<16xi32>, vector<16xi32>, vector<16xi32>], vector<16xf32>,
        %add3A_1736 = arith.constant 32 : i32
        %add3A_1737 = vector.broadcast %add3A_1736 : i32 to vector<16xi32>
        %add3A_1738 = arith.addi %iota3A, %add3A_1737 : vector<16xi32>
        %gather3A_1739 = tpu.vector_load_idx %arg8[%broadcast_in_dim3A_1723, %add3A_1738, %broadcast_in_dim3A_1721] : memref<4x64x128xf32, #tpu.memory_space<vmem>>[vector<16xi32>, vector<16xi32>, vector<16xi32>], vector<16xf32>,
        %gather3A_1740 = tpu.vector_load_idx %arg9[%broadcast_in_dim3A_1723, %add3A_1738, %broadcast_in_dim3A_1721] : memref<4x64x128xf32, #tpu.memory_space<vmem>>[vector<16xi32>, vector<16xi32>, vector<16xi32>], vector<16xf32>,
        tpu.vector_store_idx %arg10[%broadcast_in_dim3A_1724, %add3A_1738, %broadcast_in_dim3A_1725], %gather3A_1739 : memref<2x64x128xf32, #tpu.memory_space<vmem>>[vector<16xi32>, vector<16xi32>, vector<16xi32>], vector<16xf32>,
        tpu.vector_store_idx %arg11[%broadcast_in_dim3A_1724, %add3A_1738, %broadcast_in_dim3A_1725], %gather3A_1740 : memref<2x64x128xf32, #tpu.memory_space<vmem>>[vector<16xi32>, vector<16xi32>, vector<16xi32>], vector<16xf32>,
        %add3A_1741 = arith.constant 48 : i32
        %add3A_1742 = vector.broadcast %add3A_1741 : i32 to vector<16xi32>
        %add3A_1743 = arith.addi %iota3A, %add3A_1742 : vector<16xi32>
        %gather3A_1744 = tpu.vector_load_idx %arg8[%broadcast_in_dim3A_1723, %add3A_1743, %broadcast_in_dim3A_1721] : memref<4x64x128xf32, #tpu.memory_space<vmem>>[vector<16xi32>, vector<16xi32>, vector<16xi32>], vector<16xf32>,
        %gather3A_1745 = tpu.vector_load_idx %arg9[%broadcast_in_dim3A_1723, %add3A_1743, %broadcast_in_dim3A_1721] : memref<4x64x128xf32, #tpu.memory_space<vmem>>[vector<16xi32>, vector<16xi32>, vector<16xi32>], vector<16xf32>,
        tpu.vector_store_idx %arg10[%broadcast_in_dim3A_1724, %add3A_1743, %broadcast_in_dim3A_1725], %gather3A_1744 : memref<2x64x128xf32, #tpu.memory_space<vmem>>[vector<16xi32>, vector<16xi32>, vector<16xi32>], vector<16xf32>,
        tpu.vector_store_idx %arg11[%broadcast_in_dim3A_1724, %add3A_1743, %broadcast_in_dim3A_1725], %gather3A_1745 : memref<2x64x128xf32, #tpu.memory_space<vmem>>[vector<16xi32>, vector<16xi32>, vector<16xi32>], vector<16xf32>,
        %dma_wait3A_1746 = arith.constant 3 : i32
        %dma_wait3A_1747 = arith.constant 0 : i32
        %dma_wait3A_1748 = arith.constant 0 : i32
        %dma_wait3A_1749 = tpu.memref_slice %arg8[%dma_wait3A_1746, %dma_wait3A_1747, %dma_wait3A_1748] : memref<4x64x128xf32, #tpu.memory_space<vmem>> -> memref<1x64x128xf32, #tpu.memory_space<vmem>>
        %dma_wait3A_1750 = tpu.memref_squeeze %dma_wait3A_1749 : memref<1x64x128xf32, #tpu.memory_space<vmem>> -> memref<64x128xf32, #tpu.memory_space<vmem>>
        %dma_wait3A_1751 = arith.constant 0 : i32
        %dma_wait3A_1752 = arith.constant 0 : i32
        %dma_wait3A_1753 = tpu.memref_slice %arg3[%dma_wait3A_1751, %dma_wait3A_1752] : memref<64x1000000xf32, #tpu.memory_space<hbm>> -> memref<64x128xf32, #tpu.memory_space<hbm>>
        %dma_wait3A_1754 = arith.constant 0 : i32
        %dma_wait3A_1755 = arith.constant 0 : i32
        %dma_wait3A_1756 = tpu.memref_slice %arg8[%dma_wait3A_1746, %dma_wait3A_1754, %dma_wait3A_1755] : memref<4x64x128xf32, #tpu.memory_space<vmem>> -> memref<1x64x128xf32, #tpu.memory_space<vmem>>
        %dma_wait3A_1757 = tpu.memref_squeeze %dma_wait3A_1756 : memref<1x64x128xf32, #tpu.memory_space<vmem>> -> memref<64x128xf32, #tpu.memory_space<vmem>>
        %dma_wait3A_1758 = arith.constant 0 : i32
        %dma_wait3A_1759 = arith.constant 0 : i32
        %dma_wait3A_1760 = tpu.memref_slice %arg3[%dma_wait3A_1758, %dma_wait3A_1759] : memref<64x1000000xf32, #tpu.memory_space<hbm>> -> memref<64x128xf32, #tpu.memory_space<hbm>>
        tpu.wait_dma2 semaphore(%arg15 : memref<!tpu.dma_semaphore, #tpu.memory_space<semaphore_mem>>) src(%dma_wait3A_1760 : memref<64x128xf32, #tpu.memory_space<hbm>>) dst(%dma_wait3A_1757 : memref<64x128xf32, #tpu.memory_space<vmem>>)
        %dma_wait3A_1761 = arith.constant 3 : i32
        %dma_wait3A_1762 = arith.constant 0 : i32
        %dma_wait3A_1763 = arith.constant 0 : i32
        %dma_wait3A_1764 = tpu.memref_slice %arg9[%dma_wait3A_1761, %dma_wait3A_1762, %dma_wait3A_1763] : memref<4x64x128xf32, #tpu.memory_space<vmem>> -> memref<1x64x128xf32, #tpu.memory_space<vmem>>
        %dma_wait3A_1765 = tpu.memref_squeeze %dma_wait3A_1764 : memref<1x64x128xf32, #tpu.memory_space<vmem>> -> memref<64x128xf32, #tpu.memory_space<vmem>>
        %dma_wait3A_1766 = arith.constant 0 : i32
        %dma_wait3A_1767 = arith.constant 0 : i32
        %dma_wait3A_1768 = tpu.memref_slice %arg4[%dma_wait3A_1766, %dma_wait3A_1767] : memref<64x1000000xf32, #tpu.memory_space<hbm>> -> memref<64x128xf32, #tpu.memory_space<hbm>>
        %dma_wait3A_1769 = arith.constant 0 : i32
        %dma_wait3A_1770 = arith.constant 0 : i32
        %dma_wait3A_1771 = tpu.memref_slice %arg9[%dma_wait3A_1761, %dma_wait3A_1769, %dma_wait3A_1770] : memref<4x64x128xf32, #tpu.memory_space<vmem>> -> memref<1x64x128xf32, #tpu.memory_space<vmem>>
        %dma_wait3A_1772 = tpu.memref_squeeze %dma_wait3A_1771 : memref<1x64x128xf32, #tpu.memory_space<vmem>> -> memref<64x128xf32, #tpu.memory_space<vmem>>
        %dma_wait3A_1773 = arith.constant 0 : i32
        %dma_wait3A_1774 = arith.constant 0 : i32
        %dma_wait3A_1775 = tpu.memref_slice %arg4[%dma_wait3A_1773, %dma_wait3A_1774] : memref<64x1000000xf32, #tpu.memory_space<hbm>> -> memref<64x128xf32, #tpu.memory_space<hbm>>
        tpu.wait_dma2 semaphore(%arg19 : memref<!tpu.dma_semaphore, #tpu.memory_space<semaphore_mem>>) src(%dma_wait3A_1775 : memref<64x128xf32, #tpu.memory_space<hbm>>) dst(%dma_wait3A_1772 : memref<64x128xf32, #tpu.memory_space<vmem>>)
        %slice3A_1776 = vector.extract_strided_slice %get3A_307 {offsets = [2], sizes = [1], strides = [1]} : vector<16xi32> to vector<1xi32>
        %squeeze3A_1777 = vector.extract %slice3A_1776[0] : i32 from vector<1xi32>
        %shift_right_arithmetic3A_1778 = arith.constant 7 : i32
        %shift_right_arithmetic3A_1779 = arith.shrsi %squeeze3A_1777, %shift_right_arithmetic3A_1778 : i32
        %shift_left3A_1780 = arith.constant 7 : i32
        %shift_left3A_1781 = arith.shli %shift_right_arithmetic3A_1779, %shift_left3A_1780 : i32
        %multiple_of3A_1782 = tpu.assume_multiple %shift_left3A_1781, 128 : i32
        %dma_start3A_1783 = arith.constant 2 : i32
        %dma_start3A_1784 = arith.constant 0 : i32
        %dma_start3A_1785 = arith.constant 0 : i32
        %dma_start3A_1786 = tpu.memref_slice %arg8[%dma_start3A_1783, %dma_start3A_1784, %dma_start3A_1785] : memref<4x64x128xf32, #tpu.memory_space<vmem>> -> memref<1x64x128xf32, #tpu.memory_space<vmem>>
        %dma_start3A_1787 = tpu.memref_squeeze %dma_start3A_1786 : memref<1x64x128xf32, #tpu.memory_space<vmem>> -> memref<64x128xf32, #tpu.memory_space<vmem>>
        %dma_start3A_1788 = arith.constant 0 : i32
        %dma_start3A_1789 = tpu.memref_slice %arg3[%dma_start3A_1788, %multiple_of3A_1782] : memref<64x1000000xf32, #tpu.memory_space<hbm>> -> memref<64x128xf32, #tpu.memory_space<hbm>>
        %dma_start3A_1790 = arith.constant 0 : i32
        %dma_start3A_1791 = arith.constant 0 : i32
        %dma_start3A_1792 = tpu.memref_slice %arg8[%dma_start3A_1783, %dma_start3A_1790, %dma_start3A_1791] : memref<4x64x128xf32, #tpu.memory_space<vmem>> -> memref<1x64x128xf32, #tpu.memory_space<vmem>>
        %dma_start3A_1793 = tpu.memref_squeeze %dma_start3A_1792 : memref<1x64x128xf32, #tpu.memory_space<vmem>> -> memref<64x128xf32, #tpu.memory_space<vmem>>
        %dma_start3A_1794 = arith.constant 0 : i32
        %dma_start3A_1795 = tpu.memref_slice %arg3[%dma_start3A_1794, %multiple_of3A_1782] : memref<64x1000000xf32, #tpu.memory_space<hbm>> -> memref<64x128xf32, #tpu.memory_space<hbm>>
        tpu.enqueue_dma source(%dma_start3A_1795 : memref<64x128xf32, #tpu.memory_space<hbm>>) target(%dma_start3A_1793 : memref<64x128xf32, #tpu.memory_space<vmem>>) target_semaphore(%arg14 : memref<!tpu.dma_semaphore, #tpu.memory_space<semaphore_mem>>)
        %dma_start3A_1796 = arith.constant 2 : i32
        %dma_start3A_1797 = arith.constant 0 : i32
        %dma_start3A_1798 = arith.constant 0 : i32
        %dma_start3A_1799 = tpu.memref_slice %arg9[%dma_start3A_1796, %dma_start3A_1797, %dma_start3A_1798] : memref<4x64x128xf32, #tpu.memory_space<vmem>> -> memref<1x64x128xf32, #tpu.memory_space<vmem>>
        %dma_start3A_1800 = tpu.memref_squeeze %dma_start3A_1799 : memref<1x64x128xf32, #tpu.memory_space<vmem>> -> memref<64x128xf32, #tpu.memory_space<vmem>>
        %dma_start3A_1801 = arith.constant 0 : i32
        %dma_start3A_1802 = tpu.memref_slice %arg4[%dma_start3A_1801, %multiple_of3A_1782] : memref<64x1000000xf32, #tpu.memory_space<hbm>> -> memref<64x128xf32, #tpu.memory_space<hbm>>
        %dma_start3A_1803 = arith.constant 0 : i32
        %dma_start3A_1804 = arith.constant 0 : i32
        %dma_start3A_1805 = tpu.memref_slice %arg9[%dma_start3A_1796, %dma_start3A_1803, %dma_start3A_1804] : memref<4x64x128xf32, #tpu.memory_space<vmem>> -> memref<1x64x128xf32, #tpu.memory_space<vmem>>
        %dma_start3A_1806 = tpu.memref_squeeze %dma_start3A_1805 : memref<1x64x128xf32, #tpu.memory_space<vmem>> -> memref<64x128xf32, #tpu.memory_space<vmem>>
        %dma_start3A_1807 = arith.constant 0 : i32
        %dma_start3A_1808 = tpu.memref_slice %arg4[%dma_start3A_1807, %multiple_of3A_1782] : memref<64x1000000xf32, #tpu.memory_space<hbm>> -> memref<64x128xf32, #tpu.memory_space<hbm>>
        tpu.enqueue_dma source(%dma_start3A_1808 : memref<64x128xf32, #tpu.memory_space<hbm>>) target(%dma_start3A_1806 : memref<64x128xf32, #tpu.memory_space<vmem>>) target_semaphore(%arg18 : memref<!tpu.dma_semaphore, #tpu.memory_space<semaphore_mem>>)
        %slice3A_1809 = vector.extract_strided_slice %get3A_300 {offsets = [15], sizes = [1], strides = [1]} : vector<16xi32> to vector<1xi32>
        %squeeze3A_1810 = vector.extract %slice3A_1809[0] : i32 from vector<1xi32>
        %mul3A_1811 = arith.constant 16 : i32
        %mul3A_1812 = arith.muli %scan3A_292, %mul3A_1811 : i32
        %add3A_1813 = arith.constant 15 : i32
        %add3A_1814 = arith.addi %mul3A_1812, %add3A_1813 : i32
        %and3A_1815 = arith.constant 127 : i32
        %and3A_1816 = arith.andi %squeeze3A_1810, %and3A_1815 : i32
        %broadcast_in_dim3A_1817 = vector.broadcast %and3A_1816 : i32 to vector<16xi32>
        %broadcast_in_dim3A_1818 = arith.constant 3 : i32
        %broadcast_in_dim3A_1819 = vector.broadcast %broadcast_in_dim3A_1818 : i32 to vector<16xi32>
        %broadcast_in_dim3A_1820 = vector.broadcast %select_n3A_254 : i32 to vector<16xi32>
        %broadcast_in_dim3A_1821 = vector.broadcast %add3A_1814 : i32 to vector<16xi32>
        %add3A_1822 = arith.constant 0 : i32
        %add3A_1823 = vector.broadcast %add3A_1822 : i32 to vector<16xi32>
        %add3A_1824 = arith.addi %iota3A, %add3A_1823 : vector<16xi32>
        %gather3A_1825 = tpu.vector_load_idx %arg8[%broadcast_in_dim3A_1819, %add3A_1824, %broadcast_in_dim3A_1817] : memref<4x64x128xf32, #tpu.memory_space<vmem>>[vector<16xi32>, vector<16xi32>, vector<16xi32>], vector<16xf32>,
        %gather3A_1826 = tpu.vector_load_idx %arg9[%broadcast_in_dim3A_1819, %add3A_1824, %broadcast_in_dim3A_1817] : memref<4x64x128xf32, #tpu.memory_space<vmem>>[vector<16xi32>, vector<16xi32>, vector<16xi32>], vector<16xf32>,
        tpu.vector_store_idx %arg10[%broadcast_in_dim3A_1820, %add3A_1824, %broadcast_in_dim3A_1821], %gather3A_1825 : memref<2x64x128xf32, #tpu.memory_space<vmem>>[vector<16xi32>, vector<16xi32>, vector<16xi32>], vector<16xf32>,
        tpu.vector_store_idx %arg11[%broadcast_in_dim3A_1820, %add3A_1824, %broadcast_in_dim3A_1821], %gather3A_1826 : memref<2x64x128xf32, #tpu.memory_space<vmem>>[vector<16xi32>, vector<16xi32>, vector<16xi32>], vector<16xf32>,
        %add3A_1827 = arith.constant 16 : i32
        %add3A_1828 = vector.broadcast %add3A_1827 : i32 to vector<16xi32>
        %add3A_1829 = arith.addi %iota3A, %add3A_1828 : vector<16xi32>
        %gather3A_1830 = tpu.vector_load_idx %arg8[%broadcast_in_dim3A_1819, %add3A_1829, %broadcast_in_dim3A_1817] : memref<4x64x128xf32, #tpu.memory_space<vmem>>[vector<16xi32>, vector<16xi32>, vector<16xi32>], vector<16xf32>,
        %gather3A_1831 = tpu.vector_load_idx %arg9[%broadcast_in_dim3A_1819, %add3A_1829, %broadcast_in_dim3A_1817] : memref<4x64x128xf32, #tpu.memory_space<vmem>>[vector<16xi32>, vector<16xi32>, vector<16xi32>], vector<16xf32>,
        tpu.vector_store_idx %arg10[%broadcast_in_dim3A_1820, %add3A_1829, %broadcast_in_dim3A_1821], %gather3A_1830 : memref<2x64x128xf32, #tpu.memory_space<vmem>>[vector<16xi32>, vector<16xi32>, vector<16xi32>], vector<16xf32>,
        tpu.vector_store_idx %arg11[%broadcast_in_dim3A_1820, %add3A_1829, %broadcast_in_dim3A_1821], %gather3A_1831 : memref<2x64x128xf32, #tpu.memory_space<vmem>>[vector<16xi32>, vector<16xi32>, vector<16xi32>], vector<16xf32>,
        %add3A_1832 = arith.constant 32 : i32
        %add3A_1833 = vector.broadcast %add3A_1832 : i32 to vector<16xi32>
        %add3A_1834 = arith.addi %iota3A, %add3A_1833 : vector<16xi32>
        %gather3A_1835 = tpu.vector_load_idx %arg8[%broadcast_in_dim3A_1819, %add3A_1834, %broadcast_in_dim3A_1817] : memref<4x64x128xf32, #tpu.memory_space<vmem>>[vector<16xi32>, vector<16xi32>, vector<16xi32>], vector<16xf32>,
        %gather3A_1836 = tpu.vector_load_idx %arg9[%broadcast_in_dim3A_1819, %add3A_1834, %broadcast_in_dim3A_1817] : memref<4x64x128xf32, #tpu.memory_space<vmem>>[vector<16xi32>, vector<16xi32>, vector<16xi32>], vector<16xf32>,
        tpu.vector_store_idx %arg10[%broadcast_in_dim3A_1820, %add3A_1834, %broadcast_in_dim3A_1821], %gather3A_1835 : memref<2x64x128xf32, #tpu.memory_space<vmem>>[vector<16xi32>, vector<16xi32>, vector<16xi32>], vector<16xf32>,
        tpu.vector_store_idx %arg11[%broadcast_in_dim3A_1820, %add3A_1834, %broadcast_in_dim3A_1821], %gather3A_1836 : memref<2x64x128xf32, #tpu.memory_space<vmem>>[vector<16xi32>, vector<16xi32>, vector<16xi32>], vector<16xf32>,
        %add3A_1837 = arith.constant 48 : i32
        %add3A_1838 = vector.broadcast %add3A_1837 : i32 to vector<16xi32>
        %add3A_1839 = arith.addi %iota3A, %add3A_1838 : vector<16xi32>
        %gather3A_1840 = tpu.vector_load_idx %arg8[%broadcast_in_dim3A_1819, %add3A_1839, %broadcast_in_dim3A_1817] : memref<4x64x128xf32, #tpu.memory_space<vmem>>[vector<16xi32>, vector<16xi32>, vector<16xi32>], vector<16xf32>,
        %gather3A_1841 = tpu.vector_load_idx %arg9[%broadcast_in_dim3A_1819, %add3A_1839, %broadcast_in_dim3A_1817] : memref<4x64x128xf32, #tpu.memory_space<vmem>>[vector<16xi32>, vector<16xi32>, vector<16xi32>], vector<16xf32>,
        tpu.vector_store_idx %arg10[%broadcast_in_dim3A_1820, %add3A_1839, %broadcast_in_dim3A_1821], %gather3A_1840 : memref<2x64x128xf32, #tpu.memory_space<vmem>>[vector<16xi32>, vector<16xi32>, vector<16xi32>], vector<16xf32>,
        tpu.vector_store_idx %arg11[%broadcast_in_dim3A_1820, %add3A_1839, %broadcast_in_dim3A_1821], %gather3A_1841 : memref<2x64x128xf32, #tpu.memory_space<vmem>>[vector<16xi32>, vector<16xi32>, vector<16xi32>], vector<16xf32>,
        %scan3A_1842 = arith.constant 0 : i32
        scf.yield %scan3A_1842 : i32
      }
      %scan3A_263 = arith.constant 8 : i32
      %mul3A_264 = arith.constant 128 : i32
      %mul3A_265 = arith.muli %scan3A_244, %mul3A_264 : i32
      %add3A_266 = arith.addi %mul3A_2, %mul3A_265 : i32
      %dma_start3A_267 = arith.constant 0 : i32
      %dma_start3A_268 = arith.constant 0 : i32
      %dma_start3A_269 = tpu.memref_slice %arg10[%select_n3A_254, %dma_start3A_267, %dma_start3A_268] : memref<2x64x128xf32, #tpu.memory_space<vmem>> -> memref<1x64x128xf32, #tpu.memory_space<vmem>>
      %dma_start3A_270 = tpu.memref_squeeze %dma_start3A_269 : memref<1x64x128xf32, #tpu.memory_space<vmem>> -> memref<64x128xf32, #tpu.memory_space<vmem>>
      %dma_start3A_271 = arith.constant 0 : i32
      %dma_start3A_272 = tpu.memref_slice %arg5[%dma_start3A_271, %add3A_266] : memref<64x16384xf32, #tpu.memory_space<hbm>> -> memref<64x128xf32, #tpu.memory_space<hbm>>
      %dma_start3A_273 = arith.constant 0 : i32
      %dma_start3A_274 = tpu.memref_slice %arg5[%dma_start3A_273, %add3A_266] : memref<64x16384xf32, #tpu.memory_space<hbm>> -> memref<64x128xf32, #tpu.memory_space<hbm>>
      %dma_start3A_275 = arith.constant 0 : i32
      %dma_start3A_276 = arith.constant 0 : i32
      %dma_start3A_277 = tpu.memref_slice %arg10[%select_n3A_254, %dma_start3A_275, %dma_start3A_276] : memref<2x64x128xf32, #tpu.memory_space<vmem>> -> memref<1x64x128xf32, #tpu.memory_space<vmem>>
      %dma_start3A_278 = tpu.memref_squeeze %dma_start3A_277 : memref<1x64x128xf32, #tpu.memory_space<vmem>> -> memref<64x128xf32, #tpu.memory_space<vmem>>
      tpu.enqueue_dma source(%dma_start3A_278 : memref<64x128xf32, #tpu.memory_space<vmem>>) target(%dma_start3A_274 : memref<64x128xf32, #tpu.memory_space<hbm>>) target_semaphore(%arg20 : memref<!tpu.dma_semaphore, #tpu.memory_space<semaphore_mem>>)
      %dma_start3A_279 = arith.constant 0 : i32
      %dma_start3A_280 = arith.constant 0 : i32
      %dma_start3A_281 = tpu.memref_slice %arg11[%select_n3A_254, %dma_start3A_279, %dma_start3A_280] : memref<2x64x128xf32, #tpu.memory_space<vmem>> -> memref<1x64x128xf32, #tpu.memory_space<vmem>>
      %dma_start3A_282 = tpu.memref_squeeze %dma_start3A_281 : memref<1x64x128xf32, #tpu.memory_space<vmem>> -> memref<64x128xf32, #tpu.memory_space<vmem>>
      %dma_start3A_283 = arith.constant 0 : i32
      %dma_start3A_284 = tpu.memref_slice %arg6[%dma_start3A_283, %add3A_266] : memref<64x16384xf32, #tpu.memory_space<hbm>> -> memref<64x128xf32, #tpu.memory_space<hbm>>
      %dma_start3A_285 = arith.constant 0 : i32
      %dma_start3A_286 = tpu.memref_slice %arg6[%dma_start3A_285, %add3A_266] : memref<64x16384xf32, #tpu.memory_space<hbm>> -> memref<64x128xf32, #tpu.memory_space<hbm>>
      %dma_start3A_287 = arith.constant 0 : i32
      %dma_start3A_288 = arith.constant 0 : i32
      %dma_start3A_289 = tpu.memref_slice %arg11[%select_n3A_254, %dma_start3A_287, %dma_start3A_288] : memref<2x64x128xf32, #tpu.memory_space<vmem>> -> memref<1x64x128xf32, #tpu.memory_space<vmem>>
      %dma_start3A_290 = tpu.memref_squeeze %dma_start3A_289 : memref<1x64x128xf32, #tpu.memory_space<vmem>> -> memref<64x128xf32, #tpu.memory_space<vmem>>
      tpu.enqueue_dma source(%dma_start3A_290 : memref<64x128xf32, #tpu.memory_space<vmem>>) target(%dma_start3A_286 : memref<64x128xf32, #tpu.memory_space<hbm>>) target_semaphore(%arg21 : memref<!tpu.dma_semaphore, #tpu.memory_space<semaphore_mem>>)
      %scan3A_291 = arith.constant 0 : i32
      scf.yield %scan3A_291 : i32
    }
    %scan3A_102 = arith.constant 4 : i32
    %dma_wait3A = arith.constant 0 : i32
    %dma_wait3A_103 = arith.constant 0 : i32
    %dma_wait3A_104 = arith.constant 0 : i32
    %dma_wait3A_105 = tpu.memref_slice %arg8[%dma_wait3A, %dma_wait3A_103, %dma_wait3A_104] : memref<4x64x128xf32, #tpu.memory_space<vmem>> -> memref<1x64x128xf32, #tpu.memory_space<vmem>>
    %dma_wait3A_106 = tpu.memref_squeeze %dma_wait3A_105 : memref<1x64x128xf32, #tpu.memory_space<vmem>> -> memref<64x128xf32, #tpu.memory_space<vmem>>
    %dma_wait3A_107 = arith.constant 0 : i32
    %dma_wait3A_108 = arith.constant 0 : i32
    %dma_wait3A_109 = tpu.memref_slice %arg3[%dma_wait3A_107, %dma_wait3A_108] : memref<64x1000000xf32, #tpu.memory_space<hbm>> -> memref<64x128xf32, #tpu.memory_space<hbm>>
    %dma_wait3A_110 = arith.constant 0 : i32
    %dma_wait3A_111 = arith.constant 0 : i32
    %dma_wait3A_112 = tpu.memref_slice %arg8[%dma_wait3A, %dma_wait3A_110, %dma_wait3A_111] : memref<4x64x128xf32, #tpu.memory_space<vmem>> -> memref<1x64x128xf32, #tpu.memory_space<vmem>>
    %dma_wait3A_113 = tpu.memref_squeeze %dma_wait3A_112 : memref<1x64x128xf32, #tpu.memory_space<vmem>> -> memref<64x128xf32, #tpu.memory_space<vmem>>
    %dma_wait3A_114 = arith.constant 0 : i32
    %dma_wait3A_115 = arith.constant 0 : i32
    %dma_wait3A_116 = tpu.memref_slice %arg3[%dma_wait3A_114, %dma_wait3A_115] : memref<64x1000000xf32, #tpu.memory_space<hbm>> -> memref<64x128xf32, #tpu.memory_space<hbm>>
    tpu.wait_dma2 semaphore(%arg12 : memref<!tpu.dma_semaphore, #tpu.memory_space<semaphore_mem>>) src(%dma_wait3A_116 : memref<64x128xf32, #tpu.memory_space<hbm>>) dst(%dma_wait3A_113 : memref<64x128xf32, #tpu.memory_space<vmem>>)
    %dma_wait3A_117 = arith.constant 0 : i32
    %dma_wait3A_118 = arith.constant 0 : i32
    %dma_wait3A_119 = arith.constant 0 : i32
    %dma_wait3A_120 = tpu.memref_slice %arg9[%dma_wait3A_117, %dma_wait3A_118, %dma_wait3A_119] : memref<4x64x128xf32, #tpu.memory_space<vmem>> -> memref<1x64x128xf32, #tpu.memory_space<vmem>>
    %dma_wait3A_121 = tpu.memref_squeeze %dma_wait3A_120 : memref<1x64x128xf32, #tpu.memory_space<vmem>> -> memref<64x128xf32, #tpu.memory_space<vmem>>
    %dma_wait3A_122 = arith.constant 0 : i32
    %dma_wait3A_123 = arith.constant 0 : i32
    %dma_wait3A_124 = tpu.memref_slice %arg4[%dma_wait3A_122, %dma_wait3A_123] : memref<64x1000000xf32, #tpu.memory_space<hbm>> -> memref<64x128xf32, #tpu.memory_space<hbm>>
    %dma_wait3A_125 = arith.constant 0 : i32
    %dma_wait3A_126 = arith.constant 0 : i32
    %dma_wait3A_127 = tpu.memref_slice %arg9[%dma_wait3A_117, %dma_wait3A_125, %dma_wait3A_126] : memref<4x64x128xf32, #tpu.memory_space<vmem>> -> memref<1x64x128xf32, #tpu.memory_space<vmem>>
    %dma_wait3A_128 = tpu.memref_squeeze %dma_wait3A_127 : memref<1x64x128xf32, #tpu.memory_space<vmem>> -> memref<64x128xf32, #tpu.memory_space<vmem>>
    %dma_wait3A_129 = arith.constant 0 : i32
    %dma_wait3A_130 = arith.constant 0 : i32
    %dma_wait3A_131 = tpu.memref_slice %arg4[%dma_wait3A_129, %dma_wait3A_130] : memref<64x1000000xf32, #tpu.memory_space<hbm>> -> memref<64x128xf32, #tpu.memory_space<hbm>>
    tpu.wait_dma2 semaphore(%arg16 : memref<!tpu.dma_semaphore, #tpu.memory_space<semaphore_mem>>) src(%dma_wait3A_131 : memref<64x128xf32, #tpu.memory_space<hbm>>) dst(%dma_wait3A_128 : memref<64x128xf32, #tpu.memory_space<vmem>>)
    %dma_wait3A_132 = arith.constant 1 : i32
    %dma_wait3A_133 = arith.constant 0 : i32
    %dma_wait3A_134 = arith.constant 0 : i32
    %dma_wait3A_135 = tpu.memref_slice %arg8[%dma_wait3A_132, %dma_wait3A_133, %dma_wait3A_134] : memref<4x64x128xf32, #tpu.memory_space<vmem>> -> memref<1x64x128xf32, #tpu.memory_space<vmem>>
    %dma_wait3A_136 = tpu.memref_squeeze %dma_wait3A_135 : memref<1x64x128xf32, #tpu.memory_space<vmem>> -> memref<64x128xf32, #tpu.memory_space<vmem>>
    %dma_wait3A_137 = arith.constant 0 : i32
    %dma_wait3A_138 = arith.constant 0 : i32
    %dma_wait3A_139 = tpu.memref_slice %arg3[%dma_wait3A_137, %dma_wait3A_138] : memref<64x1000000xf32, #tpu.memory_space<hbm>> -> memref<64x128xf32, #tpu.memory_space<hbm>>
    %dma_wait3A_140 = arith.constant 0 : i32
    %dma_wait3A_141 = arith.constant 0 : i32
    %dma_wait3A_142 = tpu.memref_slice %arg8[%dma_wait3A_132, %dma_wait3A_140, %dma_wait3A_141] : memref<4x64x128xf32, #tpu.memory_space<vmem>> -> memref<1x64x128xf32, #tpu.memory_space<vmem>>
    %dma_wait3A_143 = tpu.memref_squeeze %dma_wait3A_142 : memref<1x64x128xf32, #tpu.memory_space<vmem>> -> memref<64x128xf32, #tpu.memory_space<vmem>>
    %dma_wait3A_144 = arith.constant 0 : i32
    %dma_wait3A_145 = arith.constant 0 : i32
    %dma_wait3A_146 = tpu.memref_slice %arg3[%dma_wait3A_144, %dma_wait3A_145] : memref<64x1000000xf32, #tpu.memory_space<hbm>> -> memref<64x128xf32, #tpu.memory_space<hbm>>
    tpu.wait_dma2 semaphore(%arg13 : memref<!tpu.dma_semaphore, #tpu.memory_space<semaphore_mem>>) src(%dma_wait3A_146 : memref<64x128xf32, #tpu.memory_space<hbm>>) dst(%dma_wait3A_143 : memref<64x128xf32, #tpu.memory_space<vmem>>)
    %dma_wait3A_147 = arith.constant 1 : i32
    %dma_wait3A_148 = arith.constant 0 : i32
    %dma_wait3A_149 = arith.constant 0 : i32
    %dma_wait3A_150 = tpu.memref_slice %arg9[%dma_wait3A_147, %dma_wait3A_148, %dma_wait3A_149] : memref<4x64x128xf32, #tpu.memory_space<vmem>> -> memref<1x64x128xf32, #tpu.memory_space<vmem>>
    %dma_wait3A_151 = tpu.memref_squeeze %dma_wait3A_150 : memref<1x64x128xf32, #tpu.memory_space<vmem>> -> memref<64x128xf32, #tpu.memory_space<vmem>>
    %dma_wait3A_152 = arith.constant 0 : i32
    %dma_wait3A_153 = arith.constant 0 : i32
    %dma_wait3A_154 = tpu.memref_slice %arg4[%dma_wait3A_152, %dma_wait3A_153] : memref<64x1000000xf32, #tpu.memory_space<hbm>> -> memref<64x128xf32, #tpu.memory_space<hbm>>
    %dma_wait3A_155 = arith.constant 0 : i32
    %dma_wait3A_156 = arith.constant 0 : i32
    %dma_wait3A_157 = tpu.memref_slice %arg9[%dma_wait3A_147, %dma_wait3A_155, %dma_wait3A_156] : memref<4x64x128xf32, #tpu.memory_space<vmem>> -> memref<1x64x128xf32, #tpu.memory_space<vmem>>
    %dma_wait3A_158 = tpu.memref_squeeze %dma_wait3A_157 : memref<1x64x128xf32, #tpu.memory_space<vmem>> -> memref<64x128xf32, #tpu.memory_space<vmem>>
    %dma_wait3A_159 = arith.constant 0 : i32
    %dma_wait3A_160 = arith.constant 0 : i32
    %dma_wait3A_161 = tpu.memref_slice %arg4[%dma_wait3A_159, %dma_wait3A_160] : memref<64x1000000xf32, #tpu.memory_space<hbm>> -> memref<64x128xf32, #tpu.memory_space<hbm>>
    tpu.wait_dma2 semaphore(%arg17 : memref<!tpu.dma_semaphore, #tpu.memory_space<semaphore_mem>>) src(%dma_wait3A_161 : memref<64x128xf32, #tpu.memory_space<hbm>>) dst(%dma_wait3A_158 : memref<64x128xf32, #tpu.memory_space<vmem>>)
    %dma_wait3A_162 = arith.constant 2 : i32
    %dma_wait3A_163 = arith.constant 0 : i32
    %dma_wait3A_164 = arith.constant 0 : i32
    %dma_wait3A_165 = tpu.memref_slice %arg8[%dma_wait3A_162, %dma_wait3A_163, %dma_wait3A_164] : memref<4x64x128xf32, #tpu.memory_space<vmem>> -> memref<1x64x128xf32, #tpu.memory_space<vmem>>
    %dma_wait3A_166 = tpu.memref_squeeze %dma_wait3A_165 : memref<1x64x128xf32, #tpu.memory_space<vmem>> -> memref<64x128xf32, #tpu.memory_space<vmem>>
    %dma_wait3A_167 = arith.constant 0 : i32
    %dma_wait3A_168 = arith.constant 0 : i32
    %dma_wait3A_169 = tpu.memref_slice %arg3[%dma_wait3A_167, %dma_wait3A_168] : memref<64x1000000xf32, #tpu.memory_space<hbm>> -> memref<64x128xf32, #tpu.memory_space<hbm>>
    %dma_wait3A_170 = arith.constant 0 : i32
    %dma_wait3A_171 = arith.constant 0 : i32
    %dma_wait3A_172 = tpu.memref_slice %arg8[%dma_wait3A_162, %dma_wait3A_170, %dma_wait3A_171] : memref<4x64x128xf32, #tpu.memory_space<vmem>> -> memref<1x64x128xf32, #tpu.memory_space<vmem>>
    %dma_wait3A_173 = tpu.memref_squeeze %dma_wait3A_172 : memref<1x64x128xf32, #tpu.memory_space<vmem>> -> memref<64x128xf32, #tpu.memory_space<vmem>>
    %dma_wait3A_174 = arith.constant 0 : i32
    %dma_wait3A_175 = arith.constant 0 : i32
    %dma_wait3A_176 = tpu.memref_slice %arg3[%dma_wait3A_174, %dma_wait3A_175] : memref<64x1000000xf32, #tpu.memory_space<hbm>> -> memref<64x128xf32, #tpu.memory_space<hbm>>
    tpu.wait_dma2 semaphore(%arg14 : memref<!tpu.dma_semaphore, #tpu.memory_space<semaphore_mem>>) src(%dma_wait3A_176 : memref<64x128xf32, #tpu.memory_space<hbm>>) dst(%dma_wait3A_173 : memref<64x128xf32, #tpu.memory_space<vmem>>)
    %dma_wait3A_177 = arith.constant 2 : i32
    %dma_wait3A_178 = arith.constant 0 : i32
    %dma_wait3A_179 = arith.constant 0 : i32
    %dma_wait3A_180 = tpu.memref_slice %arg9[%dma_wait3A_177, %dma_wait3A_178, %dma_wait3A_179] : memref<4x64x128xf32, #tpu.memory_space<vmem>> -> memref<1x64x128xf32, #tpu.memory_space<vmem>>
    %dma_wait3A_181 = tpu.memref_squeeze %dma_wait3A_180 : memref<1x64x128xf32, #tpu.memory_space<vmem>> -> memref<64x128xf32, #tpu.memory_space<vmem>>
    %dma_wait3A_182 = arith.constant 0 : i32
    %dma_wait3A_183 = arith.constant 0 : i32
    %dma_wait3A_184 = tpu.memref_slice %arg4[%dma_wait3A_182, %dma_wait3A_183] : memref<64x1000000xf32, #tpu.memory_space<hbm>> -> memref<64x128xf32, #tpu.memory_space<hbm>>
    %dma_wait3A_185 = arith.constant 0 : i32
    %dma_wait3A_186 = arith.constant 0 : i32
    %dma_wait3A_187 = tpu.memref_slice %arg9[%dma_wait3A_177, %dma_wait3A_185, %dma_wait3A_186] : memref<4x64x128xf32, #tpu.memory_space<vmem>> -> memref<1x64x128xf32, #tpu.memory_space<vmem>>
    %dma_wait3A_188 = tpu.memref_squeeze %dma_wait3A_187 : memref<1x64x128xf32, #tpu.memory_space<vmem>> -> memref<64x128xf32, #tpu.memory_space<vmem>>
    %dma_wait3A_189 = arith.constant 0 : i32
    %dma_wait3A_190 = arith.constant 0 : i32
    %dma_wait3A_191 = tpu.memref_slice %arg4[%dma_wait3A_189, %dma_wait3A_190] : memref<64x1000000xf32, #tpu.memory_space<hbm>> -> memref<64x128xf32, #tpu.memory_space<hbm>>
    tpu.wait_dma2 semaphore(%arg18 : memref<!tpu.dma_semaphore, #tpu.memory_space<semaphore_mem>>) src(%dma_wait3A_191 : memref<64x128xf32, #tpu.memory_space<hbm>>) dst(%dma_wait3A_188 : memref<64x128xf32, #tpu.memory_space<vmem>>)
    %dma_wait3A_192 = arith.constant 0 : i32
    %dma_wait3A_193 = arith.constant 0 : i32
    %dma_wait3A_194 = arith.constant 0 : i32
    %dma_wait3A_195 = tpu.memref_slice %arg10[%dma_wait3A_192, %dma_wait3A_193, %dma_wait3A_194] : memref<2x64x128xf32, #tpu.memory_space<vmem>> -> memref<1x64x128xf32, #tpu.memory_space<vmem>>
    %dma_wait3A_196 = tpu.memref_squeeze %dma_wait3A_195 : memref<1x64x128xf32, #tpu.memory_space<vmem>> -> memref<64x128xf32, #tpu.memory_space<vmem>>
    %dma_wait3A_197 = arith.constant 0 : i32
    %dma_wait3A_198 = tpu.memref_slice %arg5[%dma_wait3A_197, %mul3A_2] : memref<64x16384xf32, #tpu.memory_space<hbm>> -> memref<64x128xf32, #tpu.memory_space<hbm>>
    %dma_wait3A_199 = arith.constant 0 : i32
    %dma_wait3A_200 = tpu.memref_slice %arg5[%dma_wait3A_199, %mul3A_2] : memref<64x16384xf32, #tpu.memory_space<hbm>> -> memref<64x128xf32, #tpu.memory_space<hbm>>
    %dma_wait3A_201 = arith.constant 0 : i32
    %dma_wait3A_202 = arith.constant 0 : i32
    %dma_wait3A_203 = tpu.memref_slice %arg10[%dma_wait3A_192, %dma_wait3A_201, %dma_wait3A_202] : memref<2x64x128xf32, #tpu.memory_space<vmem>> -> memref<1x64x128xf32, #tpu.memory_space<vmem>>
    %dma_wait3A_204 = tpu.memref_squeeze %dma_wait3A_203 : memref<1x64x128xf32, #tpu.memory_space<vmem>> -> memref<64x128xf32, #tpu.memory_space<vmem>>
    tpu.wait_dma2 semaphore(%arg20 : memref<!tpu.dma_semaphore, #tpu.memory_space<semaphore_mem>>) src(%dma_wait3A_204 : memref<64x128xf32, #tpu.memory_space<vmem>>) dst(%dma_wait3A_200 : memref<64x128xf32, #tpu.memory_space<hbm>>)
    %dma_wait3A_205 = arith.constant 0 : i32
    %dma_wait3A_206 = arith.constant 0 : i32
    %dma_wait3A_207 = arith.constant 0 : i32
    %dma_wait3A_208 = tpu.memref_slice %arg11[%dma_wait3A_205, %dma_wait3A_206, %dma_wait3A_207] : memref<2x64x128xf32, #tpu.memory_space<vmem>> -> memref<1x64x128xf32, #tpu.memory_space<vmem>>
    %dma_wait3A_209 = tpu.memref_squeeze %dma_wait3A_208 : memref<1x64x128xf32, #tpu.memory_space<vmem>> -> memref<64x128xf32, #tpu.memory_space<vmem>>
    %dma_wait3A_210 = arith.constant 0 : i32
    %dma_wait3A_211 = tpu.memref_slice %arg6[%dma_wait3A_210, %mul3A_2] : memref<64x16384xf32, #tpu.memory_space<hbm>> -> memref<64x128xf32, #tpu.memory_space<hbm>>
    %dma_wait3A_212 = arith.constant 0 : i32
    %dma_wait3A_213 = tpu.memref_slice %arg6[%dma_wait3A_212, %mul3A_2] : memref<64x16384xf32, #tpu.memory_space<hbm>> -> memref<64x128xf32, #tpu.memory_space<hbm>>
    %dma_wait3A_214 = arith.constant 0 : i32
    %dma_wait3A_215 = arith.constant 0 : i32
    %dma_wait3A_216 = tpu.memref_slice %arg11[%dma_wait3A_205, %dma_wait3A_214, %dma_wait3A_215] : memref<2x64x128xf32, #tpu.memory_space<vmem>> -> memref<1x64x128xf32, #tpu.memory_space<vmem>>
    %dma_wait3A_217 = tpu.memref_squeeze %dma_wait3A_216 : memref<1x64x128xf32, #tpu.memory_space<vmem>> -> memref<64x128xf32, #tpu.memory_space<vmem>>
    tpu.wait_dma2 semaphore(%arg21 : memref<!tpu.dma_semaphore, #tpu.memory_space<semaphore_mem>>) src(%dma_wait3A_217 : memref<64x128xf32, #tpu.memory_space<vmem>>) dst(%dma_wait3A_213 : memref<64x128xf32, #tpu.memory_space<hbm>>)
    %dma_wait3A_218 = arith.constant 0 : i32
    %dma_wait3A_219 = arith.constant 0 : i32
    %dma_wait3A_220 = arith.constant 0 : i32
    %dma_wait3A_221 = tpu.memref_slice %arg10[%dma_wait3A_218, %dma_wait3A_219, %dma_wait3A_220] : memref<2x64x128xf32, #tpu.memory_space<vmem>> -> memref<1x64x128xf32, #tpu.memory_space<vmem>>
    %dma_wait3A_222 = tpu.memref_squeeze %dma_wait3A_221 : memref<1x64x128xf32, #tpu.memory_space<vmem>> -> memref<64x128xf32, #tpu.memory_space<vmem>>
    %dma_wait3A_223 = arith.constant 0 : i32
    %dma_wait3A_224 = tpu.memref_slice %arg5[%dma_wait3A_223, %mul3A_2] : memref<64x16384xf32, #tpu.memory_space<hbm>> -> memref<64x128xf32, #tpu.memory_space<hbm>>
    %dma_wait3A_225 = arith.constant 0 : i32
    %dma_wait3A_226 = tpu.memref_slice %arg5[%dma_wait3A_225, %mul3A_2] : memref<64x16384xf32, #tpu.memory_space<hbm>> -> memref<64x128xf32, #tpu.memory_space<hbm>>
    %dma_wait3A_227 = arith.constant 0 : i32
    %dma_wait3A_228 = arith.constant 0 : i32
    %dma_wait3A_229 = tpu.memref_slice %arg10[%dma_wait3A_218, %dma_wait3A_227, %dma_wait3A_228] : memref<2x64x128xf32, #tpu.memory_space<vmem>> -> memref<1x64x128xf32, #tpu.memory_space<vmem>>
    %dma_wait3A_230 = tpu.memref_squeeze %dma_wait3A_229 : memref<1x64x128xf32, #tpu.memory_space<vmem>> -> memref<64x128xf32, #tpu.memory_space<vmem>>
    tpu.wait_dma2 semaphore(%arg20 : memref<!tpu.dma_semaphore, #tpu.memory_space<semaphore_mem>>) src(%dma_wait3A_230 : memref<64x128xf32, #tpu.memory_space<vmem>>) dst(%dma_wait3A_226 : memref<64x128xf32, #tpu.memory_space<hbm>>)
    %dma_wait3A_231 = arith.constant 0 : i32
    %dma_wait3A_232 = arith.constant 0 : i32
    %dma_wait3A_233 = arith.constant 0 : i32
    %dma_wait3A_234 = tpu.memref_slice %arg11[%dma_wait3A_231, %dma_wait3A_232, %dma_wait3A_233] : memref<2x64x128xf32, #tpu.memory_space<vmem>> -> memref<1x64x128xf32, #tpu.memory_space<vmem>>
    %dma_wait3A_235 = tpu.memref_squeeze %dma_wait3A_234 : memref<1x64x128xf32, #tpu.memory_space<vmem>> -> memref<64x128xf32, #tpu.memory_space<vmem>>
    %dma_wait3A_236 = arith.constant 0 : i32
    %dma_wait3A_237 = tpu.memref_slice %arg6[%dma_wait3A_236, %mul3A_2] : memref<64x16384xf32, #tpu.memory_space<hbm>> -> memref<64x128xf32, #tpu.memory_space<hbm>>
    %dma_wait3A_238 = arith.constant 0 : i32
    %dma_wait3A_239 = tpu.memref_slice %arg6[%dma_wait3A_238, %mul3A_2] : memref<64x16384xf32, #tpu.memory_space<hbm>> -> memref<64x128xf32, #tpu.memory_space<hbm>>
    %dma_wait3A_240 = arith.constant 0 : i32
    %dma_wait3A_241 = arith.constant 0 : i32
    %dma_wait3A_242 = tpu.memref_slice %arg11[%dma_wait3A_231, %dma_wait3A_240, %dma_wait3A_241] : memref<2x64x128xf32, #tpu.memory_space<vmem>> -> memref<1x64x128xf32, #tpu.memory_space<vmem>>
    %dma_wait3A_243 = tpu.memref_squeeze %dma_wait3A_242 : memref<1x64x128xf32, #tpu.memory_space<vmem>> -> memref<64x128xf32, #tpu.memory_space<vmem>>
    tpu.wait_dma2 semaphore(%arg21 : memref<!tpu.dma_semaphore, #tpu.memory_space<semaphore_mem>>) src(%dma_wait3A_243 : memref<64x128xf32, #tpu.memory_space<vmem>>) dst(%dma_wait3A_239 : memref<64x128xf32, #tpu.memory_space<hbm>>)
    return
  }
}

</mosaic_0001>

<sc_bundles>
// kernel: kernel.3.cloned.1.call-start
scs
__scs_entry_jumppad:
0x0: {  	(pc) =	sbr.rel $0x88, $3  }
0x1: {  	(tag) =	ssettag $0x0;
	lr =	simm.s32 $0x1  }
0x2: {  	[smem:$0x3F9E] =	sst lr;
	_ =	strace $0xD0000000  }
0x3: {  	_ = 	snop  }
0x4: {  	_ = 	snop  }
0x5: {  	_ = 	snop  }
0x6: {  	_ = 	snop  }
0x7: {  	_ = 	snop  }
__scs_overlays_trampoline_lowered:
0x8: {  	[smem:$0x3FAD] =	sst s0  }
0x9: {  	[smem:$0x3FAE] =	sst s1  }
0xa: {  	[smem:$0x3FAF] =	sst s2  }
0xb: {  	[smem:$0x3FB0] =	sst s3  }
0xc: {  	[smem:$0x3FB1] =	sst s4  }
0xd: {  	[smem:$0x3FB2] =	sst s5  }
0xe: {  	[smem:$0x3FB3] =	sst s6  }
0xf: {  	[smem:$0x3FB4] =	sst s7  }
0x10: {  	[smem:$0x3FB5] =	sst s8  }
0x11: {  	[smem:$0x3FB6] =	sst s9;
	s0 =	simm.s32 @!p0 $0x0  }
0x12: {  	s1 =	sld [smem:$0x3F9C];
	s0 =	simm.s32 @p0 $0x1  }
0x13: {  	[smem:$0x3FB7] =	sst s0;
	s0 =	simm.s32 @!p1 $0x0  }
0x14: {  	s2 =	sld [smem:$0x3F9B];
	s0 =	simm.s32 @p1 $0x1  }
0x15: {  	[smem:$0x3FB8] =	sst s0;
	s0 =	simm.s32 @!p2 $0x0  }
0x16: {  	s3 =	sld [smem:$0x3FDB];
	s0 =	simm.s32 @p2 $0x1  }
0x17: {  	s4 =	simm.s32 $0x1BF5;
	[smem:$0x3FBA] =	sst s0  }
0x18: {  	s0 =	sld [smem:$0x3F9D];
	_ =	swait.ge [sflag:s4], $0x0  }
0x19: {  	s7 =	sld [smem:$0x3F9E]  }
0x1a: {  	s8 =	sadd.s32 $0xFFFFE003, lr  }
0x1b: {  	s9 =	sadd.s32 $0xFFFFFEF7, lr;
	s5 =	simm.s32 $0xFFFFFFFF;
	p2 =	slt.u32 s8, $0xFFFFF086  }
0x1c: {  	p1 =	slt.u32 s9, $0xF7A;
	s5 =	simm.s32 @!p2 $0x0  }
0x1d: {  	s5 =	simm.s32 @p1 $0x1;
	p0 =	seq.s32 s7, s2  }
0x1e: {  	s7 =	smul.u32 @!p0 $0xF7A, s2;
	p2 =	seq.s32 @!p0 s5, $0x0  }
0x1f: {  	s9 =	smul.u32 $0xF7A, s1;
	s8 =	simm.s32 @!p0 $0x1BF5;
	p2 =	por !p2, p0  }
0x20: {  	[sflag:s8] =	ssyncset.s32 @!p0 $0xFFFFF086;
	s6 =	sadd.s32 @!p0 s3, s7;
	s7 =	simm.s32 @!p0 $0x108  }
0x21: {  	s3 =	sadd.s32 s3, s9;
	s6 =	sadd.s32 @!p0 $0x88, s6;
	s7 =	simm.s32 @p2 $0x1082  }
0x22: {  	[simem:s7], [sflag:s8] =	dma.local @!p0 [hbm:s6], $0xF7A  }
0x23: {  	s9 =	sor.u32 $0xD0000000, s2;
	s6 =	simm.s32 $0x108;
	_ =	swait.ge @!p0 [sflag:s8], $0x0  }
0x24: {  	s3 =	sadd.s32 $0x88, s3;
	s6 =	simm.s32 @!p1 $0x1082;
	[sflag:s4] =	ssyncset.s32 $0xFFFFF086  }
0x25: {  	[simem:s6], [sflag:s4] =	dma.local [hbm:s3], $0xF7A  }
0x26: {  	[smem:$0x3F9E] =	sst s1;
	(tag) =	ssettag s2;
	_ =	strace s9  }
0x27: {  	s1 =	sld [smem:$0x3FAE]  }
0x28: {  	s2 =	sld [smem:$0x3FAF]  }
0x29: {  	s4 =	sld [smem:$0x3FB1]  }
0x2a: {  	p0 =	seq.s32 s5, $0x0;
	s5 =	sld [smem:$0x3FB2]  }
0x2b: {  	s6 =	sld [smem:$0x3FB3]  }
0x2c: {  	s7 =	sld [smem:$0x3FB4]  }
0x2d: {  	s3 =	simm.s32 $0x108;
	s8 =	sld [smem:$0x3FB5]  }
0x2e: {  	s3 =	simm.s32 @!p0 $0x1082;
	s9 =	sld [smem:$0x3FB6]  }
0x2f: {  	lr =	sadd.s32 s0, s3;
	s0 =	sld [smem:$0x3FAD]  }
0x30: {  	s3 =	sld [smem:$0x3FB0]  }
0x31: {  	[smem:$0x3FB9] =	sst s10  }
0x32: {  	s10 =	sld [smem:$0x3FB7];
	_ =	sdelay $0x3  }
0x33: {  	p0 =	seq.s32 s10, $0x1;
	s10 =	sld [smem:$0x3FB9];
	_ =	sdelay $0x3  }
0x34: {  	[smem:$0x3FB9] =	sst s10  }
0x35: {  	s10 =	sld [smem:$0x3FB8];
	_ =	sdelay $0x3  }
0x36: {  	p1 =	seq.s32 s10, $0x1;
	s10 =	sld [smem:$0x3FB9];
	_ =	sdelay $0x3  }
0x37: {  	[smem:$0x3FB9] =	sst s10  }
0x38: {  	s10 =	sld [smem:$0x3FBA]  }
0x39: {  	_ = 	snop;
	(pc) =	sbr.ind lr, $3  }
0x3a: {  	_ = 	snop  }
0x3b: {  	_ = 	snop  }
0x3c: {  	p2 =	seq.s32 s10, $0x1;
	s10 =	sld [smem:$0x3FB9]  }
0x3d: {  	_ =	shalt  }
0x3e: {  	_ =	shalt  }
0x3f: {  	_ =	shalt  }
0x40: {  	_ =	shalt  }
0x41: {  	_ =	shalt  }
0x42: {  	_ =	shalt  }
0x43: {  	_ =	shalt  }
0x44: {  	_ =	shalt  }
0x45: {  	_ =	shalt  }
0x46: {  	_ =	shalt  }
0x47: {  	_ =	shalt  }
0x48: {  	_ =	shalt  }
0x49: {  	_ =	shalt  }
0x4a: {  	_ =	shalt  }
0x4b: {  	_ =	shalt  }
0x4c: {  	_ =	shalt  }
0x4d: {  	_ =	shalt  }
0x4e: {  	_ =	shalt  }
0x4f: {  	_ =	shalt  }
0x50: {  	_ =	shalt  }
0x51: {  	_ =	shalt  }
0x52: {  	_ =	shalt  }
0x53: {  	_ =	shalt  }
0x54: {  	_ =	shalt  }
0x55: {  	_ =	shalt  }
0x56: {  	_ =	shalt  }
0x57: {  	_ =	shalt  }
0x58: {  	_ =	shalt  }
0x59: {  	_ =	shalt  }
0x5a: {  	_ =	shalt  }
0x5b: {  	_ =	shalt  }
0x5c: {  	_ =	shalt  }
0x5d: {  	_ =	shalt  }
0x5e: {  	_ =	shalt  }
0x5f: {  	_ =	shalt  }
0x60: {  	_ =	shalt  }
0x61: {  	_ =	shalt  }
0x62: {  	_ =	shalt  }
0x63: {  	_ =	shalt  }
0x64: {  	_ =	shalt  }
0x65: {  	_ =	shalt  }
0x66: {  	_ =	shalt  }
0x67: {  	_ =	shalt  }
0x68: {  	_ =	shalt  }
0x69: {  	_ =	shalt  }
0x6a: {  	_ =	shalt  }
0x6b: {  	_ =	shalt  }
0x6c: {  	_ =	shalt  }
0x6d: {  	_ =	shalt  }
0x6e: {  	_ =	shalt  }
0x6f: {  	_ =	shalt  }
0x70: {  	_ =	shalt  }
0x71: {  	_ =	shalt  }
0x72: {  	_ =	shalt  }
0x73: {  	_ =	shalt  }
0x74: {  	_ =	shalt  }
0x75: {  	_ =	shalt  }
0x76: {  	_ =	shalt  }
0x77: {  	_ =	shalt  }
0x78: {  	_ =	shalt  }
0x79: {  	_ =	shalt  }
0x7a: {  	_ =	shalt  }
0x7b: {  	_ =	shalt  }
0x7c: {  	_ =	shalt  }
0x7d: {  	_ =	shalt  }
0x7e: {  	_ =	shalt  }
0x7f: {  	_ =	shalt  }
0x80: {  	_ =	shalt  }
0x81: {  	_ =	shalt  }
0x82: {  	_ =	shalt  }
0x83: {  	_ =	shalt  }
0x84: {  	_ =	shalt  }
0x85: {  	_ =	shalt  }
0x86: {  	_ =	shalt  }
0x87: {  	_ =	shalt  }
.Lfunc_end0:
.L_simem_size_0:
called_computation_lowered:
.L_overlay_start_0:
0x88: {  	s2 =	sld [smem:$0x3FD9]  }
0x89: {  	s3 =	sld [smem:$0x3FFE];
	_ =	sdelay $0x1  }
0x8a: {  	s1 =	srdreg.scid  }
0x8b: {  	s0 =	sand.u32 $0x1, s1  }
0x8c: {  	s14 =	sshll.u32 s0, $0xA;
	s2 =	sadd.s32 s3, s2  }
0x8d: {  	s2 =	sadd.s32 s2, s14  }
0x8e: {  	[smem:$0x3FC5] =	sst s2  }
0x8f: {  	_ = 	snop  }
0x90: {  	s2 =	sld [smem:$0x3FD0];
	_ =	sdelay $0x1  }
0x91: {  	s15 =	sld [smem:$0x3FC8]  }
0x92: {  	s5 =	simm.s32 $0xA;
	s6 =	simm.s32 $0x10;
	s4 =	sld [smem:$0x3FC7]  }
0x93: {  	[smem:s6], [sflag:s5] =	dma.local [hbm:s2], $0x1  }
0x94: {  	_ =	swait.eq [sflag:s5], $0x1  }
0x95: {  	[sflag:s5] =	ssyncset.done $0x0  }
0x96: {  	s16 =	sld [smem:$0x10];
	[sflag:s5] =	ssyncadd.s32 $0xFFFFFFFF  }
0x97: {  	s17 =	sld [smem:$0x11];
	(tm) =	ssettm $0x1  }
0x98: {  	s18 =	sld [smem:$0x3FFB];
	_ =	sdelay $0x3  }
0x99: {  	_ =	strace s18  }
0x9a: {  	s6 =	sld [smem:$0x3FFC];
	_ =	sdelay $0x3  }
0x9b: {  	_ =	strace s6  }
0x9c: {  	s6 =	sld [smem:$0x3FFD];
	_ =	sdelay $0x3  }
0x9d: {  	_ =	strace s6  }
0x9e: {  	_ =	strace $0x8FFFFFFF  }
0x9f: {  	s19 =	sld [smem:$0x3FDB];
	_ =	sdelay $0x1  }
0xa0: {  	s7 =	simm.s32 $_scs_section_size  }
0xa1: {  	s8 =	simm.s32 $_size__tile_overlayer_lowered;
	s9 =	simm.s32 $_tile_overlayer_lowered  }
0xa2: {  	s22 =	simm.s32 $0x1BFF;
	s21 =	sshll.u32 s9, $0x1;
	s6 =	sadd.s32 s7, s19  }
0xa3: {  	s10 =	simm.s32 $0x0;
	s20 =	sshll.u32 s8, $0x1;
	s8 =	sadd.s32 s21, s6  }
0xa4: {  	[timem:s10], [sflag:s22] =	dma.local [hbm:s8], s20  }
0xa5: {  	_ =	swait.ge [sflag:s22], s20  }
0xa6: {  	s7 =	ssub.s32 $0x0, s20;
	[sflag:s22] =	ssyncset.done $0x0  }
0xa7: {  	[sflag:s22] =	ssyncadd.s32 s7;
	_ =	sdelay $0x1  }
0xa8: {  	s23 =	simm.s32 $0x1B8B  }
0xa9: {  	_ =	swait.ge [sflag:s23], $0x1  }
0xaa: {  	[sflag:s23] =	ssyncset.done $0x0  }
0xab: {  	s25 =	simm.s32 $0x1B8E;
	s24 =	sld [smem:$0x3FFE];
	[sflag:s23] =	ssyncadd.s32 $0xFFFFFFFF  }
0xac: {  	s26 =	simm.s32 $execute0_lowered;
	[smem:$0x3FD2] =	sst s25  }
0xad: {  	s8 =	sshll.u32 s26, $0x1;
	_ =	strace $0x80000046;
	[dreg:$0x1] =	wrdreg $0xFFFFFFFF  }
0xae: {  	s28 =	simm.s32 $_size_execute0_lowered;
	s6 =	sadd.s32 s6, s8;
	[dreg:$0x0] =	wrdreg $0x0  }
0xaf: {  	s8 =	sshll.u32 s28, $0x1;
	[dreg:$0x2] =	wrdreg s6  }
0xb0: {  	[dreg:$0x3] =	wrdreg s8  }
0xb1: {  	[dreg:$0x4] =	wrdreg $0xC0  }
0xb2: {  	_ =	task [dreg:s10], $0x5FFFF  }
0xb3: {  	[dreg:$0x1] =	wrdreg $0xFFFFFFFF  }
0xb4: {  	[dreg:$0x0] =	wrdreg $0x60  }
0xb5: {  	[dreg:$0x2] =	wrdreg s24  }
0xb6: {  	[dreg:$0x3] =	wrdreg s15  }
0xb7: {  	[dreg:$0x4] =	wrdreg s4  }
0xb8: {  	[dreg:$0x5] =	wrdreg s16  }
0xb9: {  	[dreg:$0x6] =	wrdreg s17  }
0xba: {  	[dreg:$0x7] =	wrdreg $0x9  }
0xbb: {  	_ =	task.clear_ibuf [dreg:s10], $0x8FFFF;
	_ =	strace $0x90000046  }
0xbc: {  	s29 =	simm.s32 $0x9;
	_ =	strace $0x80000048  }
0xbd: {  	_ =	swait.ge [sflag:s29], $0x1  }
0xbe: {  	[sflag:s29] =	ssyncadd.s32 $0xFFFFFFFF  }
0xbf: {  	_ =	strace $0x90000048  }
0xc0: {  	_ =	sfence  }
0xc1: {  	s30 =	sld [smem:$0x0];
	_ =	sdelay $0x2  }
0xc2: {  	s31 =	sshll.u32 s1, $0xD;
	s1 =	sshrl.u32 s1, $0x2  }
0xc3: {  	s3 =	sand.u32 $0x4000, s31;
	s1 =	sadd.s32 s1, s30  }
0xc4: {  	s0 =	sor.u32 s3, s0;
	s1 =	sshll.u32 s1, $0x11  }
0xc5: {  	s0 =	sor.u32 s1, s0  }
0xc6: {  	s0 =	sadd.s32 $0x8F2B, s0  }
0xc7: {  	[sflag:s0] =	ssyncadd.remote.s32 $0x1  }
0xc8: {  	_ =	sfence.sel $0xFFFF  }
0xc9: {  	[dreg:$0x0] =	wrdreg $0xFFFFFFFF;
	(pc) =	sbr.abs _section_cstart, $3  }
0xca: {  	[dreg:$0x1] =	wrdreg $0xFFFFFFFF  }
0xcb: {  	_ =	task.clear_ibuf [dreg:s10], $0x2FFFF;
	_ =	strace $0x9FFFFFFF  }
0xcc: {  	(tm) =	ssettm $0x7FFFFFFF  }
0xcd: {  	_ =	shalt  }
tec
execute0_lowered:
.L_overlay_start_1:
0x0: {  	(tag) =	ssettag $0x1  }
0x1: {  	s0 =	rddreg [dreg:$0x0];
	s2 =	srdreg.scid  }
0x2: {  	s4 =	stileid.u32;
	s1 =	rddreg [dreg:$0x1];
	s24 =	simm.s32 $0x0  }
0x3: {  	s11 =	simm.s32 $0x400;
	s13 =	simm.s32 $0x7A1400;
	s14 =	simm.s32 $0x200  }
0x4: {  	s15 =	simm.s32 $0x8200;
	s16 =	simm.s32 $0x2200;
	s17 =	simm.s32 $0xA200  }
0x5: {  	s18 =	simm.s32 $0x4200;
	s19 =	simm.s32 $0xC200;
	s20 =	simm.s32 $0x1  }
0x6: {  	s21 =	simm.s32 $0x5;
	s22 =	simm.s32 $0x6200;
	s23 =	simm.s32 $0xE200  }
0x7: {  	s28 =	simm.s32 $0x6;
	s29 =	simm.s32 $0x3;
	s30 =	simm.s32 $0x7  }
0x8: {  	s3 =	sand.u32 $0x1, s2;
	s4 =	sshll.u32 s4, $0x1;
	s2 =	rddreg [dreg:$0x2]  }
0x9: {  	v0 =	vlaneseq.u32;
	s31 =	simm.s32 $0x4;
	[smem:$0x7FF] =	sst s24;
	s4 =	sor.u32 s3, s4  }
0xa: {  	v0 =	vmul.u32 $0x80, v0;
	s3 =	ssub.s32 $0x2, s3;
	s5 =	sshll.u32 s4, $0x9;
	s4 =	sshll.u32 s4, $0x7  }
0xb: {  	[dreg:$0x6] =	wrdreg s5;
	s5 =	sand.u32 $0x3000, s5;
	s4 =	sand.u32 $0x380, s4  }
0xc: {  	s24 =	simm.s32 $0x10200;
	s25 =	sshrl.u32 s3, $0x1;
	v1 =	vor.u32 $0x800, v0;
	v2 =	vor.u32 $0x1000, v0;
	v3 =	vor.u32 $0x1800, v0;
	s4 =	sor.u32 s4, s5  }
0xd: {  	v4 =	vor.u32 $0x2000, v0;
	v5 =	vor.u32 $0x2800, v0;
	v6 =	vor.u32 $0x3000, v0;
	s3 =	ssub.s32 s3, s25;
	s25 =	simm.s32 $0x14200;
	s4 =	sshrl.u32 s4, $0x3  }
0xe: {  	v7 =	vor.u32 $0x3800, v0;
	v8 =	vor.u32 $0x4000, v0;
	v9 =	vor.u32 $0x4800, v0;
	_ =	strace $0x80000047;
	s26 =	smax.u32 s3, $0x1;
	s0 =	sadd.s32 s4, s0  }
0xf: {  	v10 =	vor.u32 $0x5000, v0;
	v11 =	vor.u32 $0x5800, v0;
	v12 =	vor.u32 $0x6000, v0;
	s3 =	simm.s32 $0x8;
	[dreg:$0x8] =	wrdreg s26;
	s0 =	sadd.s32 $0x400, s0  }
0x10: {  	v13 =	vor.u32 $0x6800, v0;
	v14 =	vor.u32 $0x7000, v0;
	v15 =	vor.u32 $0x7800, v0;
	s5 =	simm.s32 $0x0;
	s26 =	simm.s32 $0x2;
	[dreg:$0x7] =	wrdreg s0  }
.LBB2_1:
0x11: {  	[dreg:$0x9] =	wrdreg s5;
	s0 =	simm.s32 $0x0  }
0x12: {  	s4 =	rddreg [dreg:$0x7];
	s12 =	simm.s32 $0x80;
	s5 =	simm.s32 $0xB  }
0x13: {  	[tilespmem:s0], [sflag:$0xB] =	stream.strided.gather [hbm4b:s4+s12], $0x200, s11, s12, $0x38;
	[tilespmem:$0x18200] =	vst v63  }
0x14: {  	_ =	swait.ge [sflag:s5], $0x200  }
0x15: {  	[sflag:s5] =	ssyncset.done $0x0  }
0x16: {  	[sflag:s5] =	ssyncadd.s32 $0xFFFFFE00  }
0x17: {  	v16 =	vld [tilespmem:$0x0];
	_ =	sdelay $0x4  }
0x18: {  	(v2sf) =	vpush v16, $0x0;
	_ =	sdelay $0x1  }
0x19: {  	(v2sf) =	vpush v16, $0x1;
	_ =	sdelay $0x5  }
0x1a: {  	(v2sf) =	vpush v16, $0x2;
	_ =	sdelay $0x6  }
0x1b: {  	s6 =	spop (v2sf)  }
0x1c: {  	s0 =	sand.u32 $0xFFFFF80, s6  }
0x1d: {  	s8 =	spop (v2sf);
	s7 =	sadd.s32 s1, s0  }
0x1e: {  	[tilespmem:s14], [sflag:$0x1] =	stream.strided.gather [hbm4b:s7+s11], $0x2000, s13, s11, $0x38;
	[tilespmem:$0x18200] =	vst v63  }
0x1f: {  	s0 =	sadd.s32 s2, s0;
	s9 =	sand.u32 $0xFFFFF80, s8  }
0x20: {  	[tilespmem:s15], [sflag:$0x5] =	stream.strided.gather [hbm4b:s0+s11], $0x2000, s13, s11, $0x38;
	[tilespmem:$0x18200] =	vst v63  }
0x21: {  	s4 =	sadd.s32 s1, s9  }
0x22: {  	[tilespmem:s16], [sflag:$0x2] =	stream.strided.gather [hbm4b:s4+s11], $0x2000, s13, s11, $0x38;
	[tilespmem:$0x18200] =	vst v63  }
0x23: {  	s10 =	spop (v2sf);
	s0 =	sadd.s32 s2, s9  }
0x24: {  	[tilespmem:s17], [sflag:$0x6] =	stream.strided.gather [hbm4b:s0+s11], $0x2000, s13, s11, $0x38;
	[tilespmem:$0x18200] =	vst v63  }
0x25: {  	s0 =	sand.u32 $0xFFFFF80, s10  }
0x26: {  	s7 =	simm.s32 $0x0;
	s12 =	sadd.s32 s1, s0  }
0x27: {  	[tilespmem:s18], [sflag:$0x3] =	stream.strided.gather [hbm4b:s12+s11], $0x2000, s13, s11, $0x38;
	[tilespmem:$0x18200] =	vst v63  }
0x28: {  	s9 =	simm.s32 $0x0;
	s0 =	sadd.s32 s2, s0;
	s12 =	simm.s32 $0x0  }
0x29: {  	[tilespmem:s19], [sflag:$0x7] =	stream.strided.gather [hbm4b:s0+s11], $0x2000, s13, s11, $0x38;
	[tilespmem:$0x18200] =	vst v63  }
.LBB2_2:
0x2a: {  	p0 =	slt.u32 s7, $0x2  }
0x2b: {  	s0 =	simm.s32 @!p0 $0x9  }
0x2c: {  	_ =	swait.ge @!p0 [sflag:s0], $0x2000  }
0x2d: {  	s4 =	sand.u32 $0x1, s7;
	[sflag:s0] =	ssyncset.done @!p0 $0x0  }
0x2e: {  	[dreg:$0xb] =	wrdreg s7;
	[sflag:s0] =	ssyncadd.s32 @!p0 $0xFFFFE000;
	s0 =	simm.s32 @!p0 $0xA  }
0x2f: {  	s4 =	sshll.u32 s4, $0xD;
	_ =	swait.ge @!p0 [sflag:s0], $0x2000  }
0x30: {  	v16 =	vor.u32 s4, v0;
	[dreg:$0xc] =	wrdreg s4;
	[sflag:s0] =	ssyncset.done @!p0 $0x0  }
0x31: {  	s8 =	simm.s32 $0xF;
	v17 =	vor.u32 s4, v1;
	v18 =	vor.u32 s4, v2;
	v19 =	vor.u32 s4, v3;
	[dreg:$0xa] =	wrdreg s9;
	[sflag:s0] =	ssyncadd.s32 @!p0 $0xFFFFE000  }
.LBB2_3:
0x32: {  	s0 =	sadd.s32 $0xFFFFFFF1, s8  }
0x33: {  	s4 =	sadd.s32 s12, s0  }
0x34: {  	p0 =	slt.s32 s4, $0x1E0  }
0x35: {  	v21 =	vld [tilespmem:s9+$0x0];
	s4 =	simm.s32 @!p0 $0x1E0  }
0x36: {  	v20 =	vld [tilespmem:s4+$0x10];
	_ =	swait.ge [sflag:s20], $0x2000  }
0x37: {  	[sflag:s20] =	ssyncset.done $0x0  }
0x38: {  	[sflag:s20] =	ssyncadd.s32 $0xFFFFE000  }
0x39: {  	_ =	swait.ge [sflag:s21], $0x2000  }
0x3a: {  	(v2sf) =	vpush v21, $0x3  }
0x3b: {  	(v2sf) =	vpush v21, $0x0;
	_ =	sdelay $0xd  }
0x3c: {  	s6 =	spop (v2sf)  }
0x3d: {  	s10 =	spop (v2sf)  }
0x3e: {  	s4 =	sand.u32 $0x7F, s10  }
0x3f: {  	[sflag:s21] =	ssyncset.done $0x0;
	s5 =	sand.u32 $0xFFFFF80, s6;
	v22 =	vor.u32 s4, v0  }
0x40: {  	v23 =	vmov s0;
	[sflag:s21] =	ssyncadd.s32 $0xFFFFE000;
	s7 =	sadd.s32 s1, s5  }
0x41: {  	v23 =	vand.u32 $0x70, v23;
	[tilespmem:s22], [sflag:$0x4] =	stream.strided.gather [hbm4b:s7+s11], $0x2000, s13, s11, $0x38;
	[tilespmem:$0x18200] =	vst v63  }
0x42: {  	v23 =	vbroadcast v23, $0x0;
	s5 =	sadd.s32 s2, s5  }
0x43: {  	[tilespmem:s23], [sflag:$0x8] =	stream.strided.gather [hbm4b:s5+s11], $0x2000, s13, s11, $0x38;
	[tilespmem:$0x18200] =	vst v63  }
0x44: {  	v25 =	vor.u32 v16, v23;
	v24 =	vld.idx.msk [tilespmem:v22+s14+$0x0], $0xffff  }
0x45: {  	v22 =	vld.idx.msk [tilespmem:v22+s15+$0x0], $0xffff  }
0x46: {  	v26 =	vor.u32 s4, v1;
	_ =	sdelay $0x2  }
0x47: {  	[tilespmem:v25+s24+$0x0] =	vst.idx.msk $0xffff, v24  }
0x48: {  	[tilespmem:v25+s25+$0x0] =	vst.idx.msk $0xffff, v22  }
0x49: {  	v34 =	vor.u32 v17, v23;
	v22 =	vld.idx.msk [tilespmem:v26+s14+$0x0], $0xffff  }
0x4a: {  	v25 =	vld.idx.msk [tilespmem:v26+s15+$0x0], $0xffff  }
0x4b: {  	v35 =	vor.u32 s4, v2;
	_ =	sdelay $0x2  }
0x4c: {  	[tilespmem:v34+s24+$0x0] =	vst.idx.msk $0xffff, v22  }
0x4d: {  	[tilespmem:v34+s25+$0x0] =	vst.idx.msk $0xffff, v25  }
0x4e: {  	v36 =	vor.u32 v18, v23;
	v22 =	vld.idx.msk [tilespmem:v35+s14+$0x0], $0xffff  }
0x4f: {  	v25 =	vld.idx.msk [tilespmem:v35+s15+$0x0], $0xffff  }
0x50: {  	v37 =	vor.u32 s4, v3;
	_ =	sdelay $0x2  }
0x51: {  	[tilespmem:v36+s24+$0x0] =	vst.idx.msk $0xffff, v22  }
0x52: {  	[tilespmem:v36+s25+$0x0] =	vst.idx.msk $0xffff, v25  }
0x53: {  	v23 =	vor.u32 v19, v23;
	v22 =	vld.idx.msk [tilespmem:v37+s14+$0x0], $0xffff  }
0x54: {  	v24 =	vld.idx.msk [tilespmem:v37+s15+$0x0], $0xffff;
	_ =	sdelay $0x3  }
0x55: {  	[tilespmem:v23+s24+$0x0] =	vst.idx.msk $0xffff, v22  }
0x56: {  	[tilespmem:v23+s25+$0x0] =	vst.idx.msk $0xffff, v24  }
0x57: {  	_ =	swait.ge [sflag:s26], $0x2000  }
0x58: {  	[sflag:s26] =	ssyncset.done $0x0  }
0x59: {  	[sflag:s26] =	ssyncadd.s32 $0xFFFFE000  }
0x5a: {  	_ =	swait.ge [sflag:s28], $0x2000  }
0x5b: {  	(v2sf) =	vpush v21, $0x4  }
0x5c: {  	(v2sf) =	vpush v21, $0x1;
	_ =	sdelay $0xd  }
0x5d: {  	s5 =	spop (v2sf)  }
0x5e: {  	s7 =	spop (v2sf)  }
0x5f: {  	s0 =	sand.u32 $0x7F, s7  }
0x60: {  	[sflag:s28] =	ssyncset.done $0x0;
	s4 =	sand.u32 $0xFFFFF80, s5;
	s7 =	sadd.s32 $0xFFFFFFF2, s8;
	v38 =	vor.u32 s0, v4  }
0x61: {  	[sflag:s28] =	ssyncadd.s32 $0xFFFFE000;
	s10 =	sadd.s32 s1, s4;
	v39 =	vmov s7  }
0x62: {  	[tilespmem:s14], [sflag:$0x1] =	stream.strided.gather [hbm4b:s10+s11], $0x2000, s13, s11, $0x38;
	v23 =	vand.u32 $0x71, v39;
	[tilespmem:$0x18200] =	vst v63  }
0x63: {  	s4 =	sadd.s32 s2, s4;
	v23 =	vbroadcast v23, $0x0  }
0x64: {  	[tilespmem:s15], [sflag:$0x5] =	stream.strided.gather [hbm4b:s4+s11], $0x2000, s13, s11, $0x38;
	[tilespmem:$0x18200] =	vst v63  }
0x65: {  	v41 =	vor.u32 v16, v23;
	v40 =	vld.idx.msk [tilespmem:v38+s14+$0x0], $0xffff  }
0x66: {  	v22 =	vld.idx.msk [tilespmem:v38+s15+$0x0], $0xffff  }
0x67: {  	v42 =	vor.u32 s0, v5;
	_ =	sdelay $0x2  }
0x68: {  	[tilespmem:v41+s24+$0x0] =	vst.idx.msk $0xffff, v40  }
0x69: {  	[tilespmem:v41+s25+$0x0] =	vst.idx.msk $0xffff, v22  }
0x6a: {  	v43 =	vor.u32 v17, v23;
	v22 =	vld.idx.msk [tilespmem:v42+s14+$0x0], $0xffff  }
0x6b: {  	v25 =	vld.idx.msk [tilespmem:v42+s15+$0x0], $0xffff  }
0x6c: {  	v44 =	vor.u32 s0, v6;
	_ =	sdelay $0x2  }
0x6d: {  	[tilespmem:v43+s24+$0x0] =	vst.idx.msk $0xffff, v22  }
0x6e: {  	[tilespmem:v43+s25+$0x0] =	vst.idx.msk $0xffff, v25  }
0x6f: {  	v45 =	vor.u32 v18, v23;
	v22 =	vld.idx.msk [tilespmem:v44+s14+$0x0], $0xffff  }
0x70: {  	v25 =	vld.idx.msk [tilespmem:v44+s15+$0x0], $0xffff  }
0x71: {  	v46 =	vor.u32 s0, v7;
	_ =	sdelay $0x2  }
0x72: {  	[tilespmem:v45+s24+$0x0] =	vst.idx.msk $0xffff, v22  }
0x73: {  	[tilespmem:v45+s25+$0x0] =	vst.idx.msk $0xffff, v25  }
0x74: {  	v23 =	vor.u32 v19, v23;
	v22 =	vld.idx.msk [tilespmem:v46+s14+$0x0], $0xffff  }
0x75: {  	v24 =	vld.idx.msk [tilespmem:v46+s15+$0x0], $0xffff;
	_ =	sdelay $0x3  }
0x76: {  	[tilespmem:v23+s24+$0x0] =	vst.idx.msk $0xffff, v22  }
0x77: {  	[tilespmem:v23+s25+$0x0] =	vst.idx.msk $0xffff, v24  }
0x78: {  	_ =	swait.ge [sflag:s29], $0x2000  }
0x79: {  	[sflag:s29] =	ssyncset.done $0x0  }
0x7a: {  	[sflag:s29] =	ssyncadd.s32 $0xFFFFE000  }
0x7b: {  	_ =	swait.ge [sflag:s30], $0x2000  }
0x7c: {  	(v2sf) =	vpush v21, $0x5  }
0x7d: {  	(v2sf) =	vpush v21, $0x2;
	_ =	sdelay $0xd  }
0x7e: {  	s0 =	spop (v2sf)  }
0x7f: {  	s10 =	spop (v2sf)  }
0x80: {  	s4 =	sand.u32 $0x7F, s10  }
0x81: {  	[sflag:s30] =	ssyncset.done $0x0;
	s7 =	sand.u32 $0xFFFFF80, s0;
	s10 =	sadd.s32 $0xFFFFFFF3, s8;
	v47 =	vor.u32 s4, v8  }
0x82: {  	[sflag:s30] =	ssyncadd.s32 $0xFFFFE000;
	v48 =	vmov s10;
	s10 =	sadd.s32 s1, s7  }
0x83: {  	[tilespmem:s16], [sflag:$0x2] =	stream.strided.gather [hbm4b:s10+s11], $0x2000, s13, s11, $0x38;
	v23 =	vand.u32 $0x72, v48;
	[tilespmem:$0x18200] =	vst v63  }
0x84: {  	s7 =	sadd.s32 s2, s7;
	v23 =	vbroadcast v23, $0x0  }
0x85: {  	[tilespmem:s17], [sflag:$0x6] =	stream.strided.gather [hbm4b:s7+s11], $0x2000, s13, s11, $0x38;
	[tilespmem:$0x18200] =	vst v63  }
0x86: {  	v50 =	vor.u32 v16, v23;
	v49 =	vld.idx.msk [tilespmem:v47+s14+$0x0], $0xffff  }
0x87: {  	v22 =	vld.idx.msk [tilespmem:v47+s15+$0x0], $0xffff  }
0x88: {  	v51 =	vor.u32 s4, v9;
	_ =	sdelay $0x2  }
0x89: {  	[tilespmem:v50+s24+$0x0] =	vst.idx.msk $0xffff, v49  }
0x8a: {  	[tilespmem:v50+s25+$0x0] =	vst.idx.msk $0xffff, v22  }
0x8b: {  	v52 =	vor.u32 v17, v23;
	v22 =	vld.idx.msk [tilespmem:v51+s14+$0x0], $0xffff  }
0x8c: {  	v25 =	vld.idx.msk [tilespmem:v51+s15+$0x0], $0xffff  }
0x8d: {  	v53 =	vor.u32 s4, v10;
	_ =	sdelay $0x2  }
0x8e: {  	[tilespmem:v52+s24+$0x0] =	vst.idx.msk $0xffff, v22  }
0x8f: {  	[tilespmem:v52+s25+$0x0] =	vst.idx.msk $0xffff, v25  }
0x90: {  	v54 =	vor.u32 v18, v23;
	v22 =	vld.idx.msk [tilespmem:v53+s14+$0x0], $0xffff  }
0x91: {  	v25 =	vld.idx.msk [tilespmem:v53+s15+$0x0], $0xffff  }
0x92: {  	v55 =	vor.u32 s4, v11;
	_ =	sdelay $0x2  }
0x93: {  	[tilespmem:v54+s24+$0x0] =	vst.idx.msk $0xffff, v22  }
0x94: {  	[tilespmem:v54+s25+$0x0] =	vst.idx.msk $0xffff, v25  }
0x95: {  	v23 =	vor.u32 v19, v23;
	v22 =	vld.idx.msk [tilespmem:v55+s14+$0x0], $0xffff  }
0x96: {  	v24 =	vld.idx.msk [tilespmem:v55+s15+$0x0], $0xffff;
	_ =	sdelay $0x3  }
0x97: {  	[tilespmem:v23+s24+$0x0] =	vst.idx.msk $0xffff, v22  }
0x98: {  	[tilespmem:v23+s25+$0x0] =	vst.idx.msk $0xffff, v24  }
0x99: {  	_ =	swait.ge [sflag:s31], $0x2000  }
0x9a: {  	[sflag:s31] =	ssyncset.done $0x0  }
0x9b: {  	[sflag:s31] =	ssyncadd.s32 $0xFFFFE000  }
0x9c: {  	_ =	swait.ge [sflag:s3], $0x2000  }
0x9d: {  	(v2sf) =	vpush v21, $0x6;
	_ =	sdelay $0xe  }
0x9e: {  	s6 =	sand.u32 $0x7F, s6;
	s4 =	spop (v2sf)  }
0x9f: {  	v56 =	vor.u32 s6, v12;
	s10 =	sadd.s32 $0xFFFFFFF4, s8;
	[sflag:s3] =	ssyncset.done $0x0;
	s7 =	sand.u32 $0xFFFFF80, s4  }
0xa0: {  	v57 =	vmov s10;
	[sflag:s3] =	ssyncadd.s32 $0xFFFFE000;
	s10 =	sadd.s32 s1, s7  }
0xa1: {  	v23 =	vand.u32 $0x73, v57;
	[tilespmem:s18], [sflag:$0x3] =	stream.strided.gather [hbm4b:s10+s11], $0x2000, s13, s11, $0x38;
	[tilespmem:$0x18200] =	vst v63  }
0xa2: {  	v23 =	vbroadcast v23, $0x0;
	s7 =	sadd.s32 s2, s7  }
0xa3: {  	[tilespmem:s19], [sflag:$0x7] =	stream.strided.gather [hbm4b:s7+s11], $0x2000, s13, s11, $0x38;
	[tilespmem:$0x18200] =	vst v63  }
0xa4: {  	v59 =	vor.u32 v16, v23;
	v58 =	vld.idx.msk [tilespmem:v56+s14+$0x0], $0xffff  }
0xa5: {  	v22 =	vld.idx.msk [tilespmem:v56+s15+$0x0], $0xffff  }
0xa6: {  	v60 =	vor.u32 s6, v13;
	_ =	sdelay $0x2  }
0xa7: {  	[tilespmem:v59+s24+$0x0] =	vst.idx.msk $0xffff, v58  }
0xa8: {  	[tilespmem:v59+s25+$0x0] =	vst.idx.msk $0xffff, v22  }
0xa9: {  	v61 =	vor.u32 v17, v23;
	v22 =	vld.idx.msk [tilespmem:v60+s14+$0x0], $0xffff  }
0xaa: {  	v25 =	vld.idx.msk [tilespmem:v60+s15+$0x0], $0xffff  }
0xab: {  	v62 =	vor.u32 s6, v14;
	_ =	sdelay $0x2  }
0xac: {  	[tilespmem:v61+s24+$0x0] =	vst.idx.msk $0xffff, v22  }
0xad: {  	[tilespmem:v61+s25+$0x0] =	vst.idx.msk $0xffff, v25  }
0xae: {  	v63 =	vor.u32 v18, v23;
	v22 =	vld.idx.msk [tilespmem:v62+s14+$0x0], $0xffff  }
0xaf: {  	v25 =	vld.idx.msk [tilespmem:v62+s15+$0x0], $0xffff  }
0xb0: {  	v28 =	vor.u32 s6, v15;
	_ =	sdelay $0x2  }
0xb1: {  	[tilespmem:v63+s24+$0x0] =	vst.idx.msk $0xffff, v22  }
0xb2: {  	[tilespmem:v63+s25+$0x0] =	vst.idx.msk $0xffff, v25  }
0xb3: {  	v23 =	vor.u32 v19, v23;
	v22 =	vld.idx.msk [tilespmem:v28+s14+$0x0], $0xffff  }
0xb4: {  	v24 =	vld.idx.msk [tilespmem:v28+s15+$0x0], $0xffff;
	_ =	sdelay $0x3  }
0xb5: {  	[tilespmem:v23+s24+$0x0] =	vst.idx.msk $0xffff, v22  }
0xb6: {  	[tilespmem:v23+s25+$0x0] =	vst.idx.msk $0xffff, v24  }
0xb7: {  	_ =	swait.ge [sflag:s20], $0x2000  }
0xb8: {  	[sflag:s20] =	ssyncset.done $0x0  }
0xb9: {  	[sflag:s20] =	ssyncadd.s32 $0xFFFFE000  }
0xba: {  	_ =	swait.ge [sflag:s21], $0x2000  }
0xbb: {  	(v2sf) =	vpush v21, $0x7;
	_ =	sdelay $0xe  }
0xbc: {  	s5 =	sand.u32 $0x7F, s5;
	s6 =	spop (v2sf)  }
0xbd: {  	v29 =	vor.u32 s5, v0;
	s10 =	sadd.s32 $0xFFFFFFF5, s8;
	[sflag:s21] =	ssyncset.done $0x0;
	s7 =	sand.u32 $0xFFFFF80, s6  }
0xbe: {  	v30 =	vmov s10;
	[sflag:s21] =	ssyncadd.s32 $0xFFFFE000;
	s10 =	sadd.s32 s1, s7  }
0xbf: {  	v23 =	vand.u32 $0x74, v30;
	[tilespmem:s22], [sflag:$0x4] =	stream.strided.gather [hbm4b:s10+s11], $0x2000, s13, s11, $0x38;
	[tilespmem:$0x18200] =	vst v63  }
0xc0: {  	v23 =	vbroadcast v23, $0x0;
	s7 =	sadd.s32 s2, s7  }
0xc1: {  	[tilespmem:s23], [sflag:$0x8] =	stream.strided.gather [hbm4b:s7+s11], $0x2000, s13, s11, $0x38;
	[tilespmem:$0x18200] =	vst v63  }
0xc2: {  	v32 =	vor.u32 v16, v23;
	v31 =	vld.idx.msk [tilespmem:v29+s14+$0x0], $0xffff  }
0xc3: {  	v22 =	vld.idx.msk [tilespmem:v29+s15+$0x0], $0xffff  }
0xc4: {  	v33 =	vor.u32 s5, v1;
	_ =	sdelay $0x2  }
0xc5: {  	[tilespmem:v32+s24+$0x0] =	vst.idx.msk $0xffff, v31  }
0xc6: {  	[tilespmem:v32+s25+$0x0] =	vst.idx.msk $0xffff, v22  }
0xc7: {  	v34 =	vor.u32 v17, v23;
	v22 =	vld.idx.msk [tilespmem:v33+s14+$0x0], $0xffff  }
0xc8: {  	v25 =	vld.idx.msk [tilespmem:v33+s15+$0x0], $0xffff  }
0xc9: {  	v35 =	vor.u32 s5, v2;
	_ =	sdelay $0x2  }
0xca: {  	[tilespmem:v34+s24+$0x0] =	vst.idx.msk $0xffff, v22  }
0xcb: {  	[tilespmem:v34+s25+$0x0] =	vst.idx.msk $0xffff, v25  }
0xcc: {  	v36 =	vor.u32 v18, v23;
	v22 =	vld.idx.msk [tilespmem:v35+s14+$0x0], $0xffff  }
0xcd: {  	v25 =	vld.idx.msk [tilespmem:v35+s15+$0x0], $0xffff  }
0xce: {  	v37 =	vor.u32 s5, v3;
	_ =	sdelay $0x2  }
0xcf: {  	[tilespmem:v36+s24+$0x0] =	vst.idx.msk $0xffff, v22  }
0xd0: {  	[tilespmem:v36+s25+$0x0] =	vst.idx.msk $0xffff, v25  }
0xd1: {  	v23 =	vor.u32 v19, v23;
	v22 =	vld.idx.msk [tilespmem:v37+s14+$0x0], $0xffff  }
0xd2: {  	v24 =	vld.idx.msk [tilespmem:v37+s15+$0x0], $0xffff;
	_ =	sdelay $0x3  }
0xd3: {  	[tilespmem:v23+s24+$0x0] =	vst.idx.msk $0xffff, v22  }
0xd4: {  	[tilespmem:v23+s25+$0x0] =	vst.idx.msk $0xffff, v24  }
0xd5: {  	_ =	swait.ge [sflag:s26], $0x2000  }
0xd6: {  	[sflag:s26] =	ssyncset.done $0x0  }
0xd7: {  	[sflag:s26] =	ssyncadd.s32 $0xFFFFE000  }
0xd8: {  	_ =	swait.ge [sflag:s28], $0x2000  }
0xd9: {  	(v2sf) =	vpush v21, $0x8;
	_ =	sdelay $0xe  }
0xda: {  	s0 =	sand.u32 $0x7F, s0;
	s5 =	spop (v2sf)  }
0xdb: {  	v38 =	vor.u32 s0, v4;
	s10 =	sadd.s32 $0xFFFFFFF6, s8;
	[sflag:s28] =	ssyncset.done $0x0;
	s7 =	sand.u32 $0xFFFFF80, s5  }
0xdc: {  	v39 =	vmov s10;
	[sflag:s28] =	ssyncadd.s32 $0xFFFFE000;
	s10 =	sadd.s32 s1, s7  }
0xdd: {  	v23 =	vand.u32 $0x75, v39;
	[tilespmem:s14], [sflag:$0x1] =	stream.strided.gather [hbm4b:s10+s11], $0x2000, s13, s11, $0x38;
	[tilespmem:$0x18200] =	vst v63  }
0xde: {  	v23 =	vbroadcast v23, $0x0;
	s7 =	sadd.s32 s2, s7  }
0xdf: {  	[tilespmem:s15], [sflag:$0x5] =	stream.strided.gather [hbm4b:s7+s11], $0x2000, s13, s11, $0x38;
	[tilespmem:$0x18200] =	vst v63  }
0xe0: {  	v41 =	vor.u32 v16, v23;
	v40 =	vld.idx.msk [tilespmem:v38+s14+$0x0], $0xffff  }
0xe1: {  	v22 =	vld.idx.msk [tilespmem:v38+s15+$0x0], $0xffff  }
0xe2: {  	v42 =	vor.u32 s0, v5;
	_ =	sdelay $0x2  }
0xe3: {  	[tilespmem:v41+s24+$0x0] =	vst.idx.msk $0xffff, v40  }
0xe4: {  	[tilespmem:v41+s25+$0x0] =	vst.idx.msk $0xffff, v22  }
0xe5: {  	v43 =	vor.u32 v17, v23;
	v22 =	vld.idx.msk [tilespmem:v42+s14+$0x0], $0xffff  }
0xe6: {  	v25 =	vld.idx.msk [tilespmem:v42+s15+$0x0], $0xffff  }
0xe7: {  	v44 =	vor.u32 s0, v6;
	_ =	sdelay $0x2  }
0xe8: {  	[tilespmem:v43+s24+$0x0] =	vst.idx.msk $0xffff, v22  }
0xe9: {  	[tilespmem:v43+s25+$0x0] =	vst.idx.msk $0xffff, v25  }
0xea: {  	v45 =	vor.u32 v18, v23;
	v22 =	vld.idx.msk [tilespmem:v44+s14+$0x0], $0xffff  }
0xeb: {  	v25 =	vld.idx.msk [tilespmem:v44+s15+$0x0], $0xffff  }
0xec: {  	v46 =	vor.u32 s0, v7;
	_ =	sdelay $0x2  }
0xed: {  	[tilespmem:v45+s24+$0x0] =	vst.idx.msk $0xffff, v22  }
0xee: {  	[tilespmem:v45+s25+$0x0] =	vst.idx.msk $0xffff, v25  }
0xef: {  	v23 =	vor.u32 v19, v23;
	v22 =	vld.idx.msk [tilespmem:v46+s14+$0x0], $0xffff  }
0xf0: {  	v24 =	vld.idx.msk [tilespmem:v46+s15+$0x0], $0xffff;
	_ =	sdelay $0x3  }
0xf1: {  	[tilespmem:v23+s24+$0x0] =	vst.idx.msk $0xffff, v22  }
0xf2: {  	[tilespmem:v23+s25+$0x0] =	vst.idx.msk $0xffff, v24  }
0xf3: {  	_ =	swait.ge [sflag:s29], $0x2000  }
0xf4: {  	[sflag:s29] =	ssyncset.done $0x0  }
0xf5: {  	[sflag:s29] =	ssyncadd.s32 $0xFFFFE000  }
0xf6: {  	_ =	swait.ge [sflag:s30], $0x2000  }
0xf7: {  	(v2sf) =	vpush v21, $0x9;
	_ =	sdelay $0xe  }
0xf8: {  	s4 =	sand.u32 $0x7F, s4;
	s0 =	spop (v2sf)  }
0xf9: {  	v47 =	vor.u32 s4, v8;
	s10 =	sadd.s32 $0xFFFFFFF7, s8;
	[sflag:s30] =	ssyncset.done $0x0;
	s7 =	sand.u32 $0xFFFFF80, s0  }
0xfa: {  	v48 =	vmov s10;
	[sflag:s30] =	ssyncadd.s32 $0xFFFFE000;
	s10 =	sadd.s32 s1, s7  }
0xfb: {  	v23 =	vand.u32 $0x76, v48;
	[tilespmem:s16], [sflag:$0x2] =	stream.strided.gather [hbm4b:s10+s11], $0x2000, s13, s11, $0x38;
	[tilespmem:$0x18200] =	vst v63  }
0xfc: {  	v23 =	vbroadcast v23, $0x0;
	s7 =	sadd.s32 s2, s7  }
0xfd: {  	[tilespmem:s17], [sflag:$0x6] =	stream.strided.gather [hbm4b:s7+s11], $0x2000, s13, s11, $0x38;
	[tilespmem:$0x18200] =	vst v63  }
0xfe: {  	v50 =	vor.u32 v16, v23;
	v49 =	vld.idx.msk [tilespmem:v47+s14+$0x0], $0xffff  }
0xff: {  	v22 =	vld.idx.msk [tilespmem:v47+s15+$0x0], $0xffff  }
0x100: {  	v51 =	vor.u32 s4, v9;
	_ =	sdelay $0x2  }
0x101: {  	[tilespmem:v50+s24+$0x0] =	vst.idx.msk $0xffff, v49  }
0x102: {  	[tilespmem:v50+s25+$0x0] =	vst.idx.msk $0xffff, v22  }
0x103: {  	v52 =	vor.u32 v17, v23;
	v22 =	vld.idx.msk [tilespmem:v51+s14+$0x0], $0xffff  }
0x104: {  	v25 =	vld.idx.msk [tilespmem:v51+s15+$0x0], $0xffff  }
0x105: {  	v53 =	vor.u32 s4, v10;
	_ =	sdelay $0x2  }
0x106: {  	[tilespmem:v52+s24+$0x0] =	vst.idx.msk $0xffff, v22  }
0x107: {  	[tilespmem:v52+s25+$0x0] =	vst.idx.msk $0xffff, v25  }
0x108: {  	v54 =	vor.u32 v18, v23;
	v22 =	vld.idx.msk [tilespmem:v53+s14+$0x0], $0xffff  }
0x109: {  	v25 =	vld.idx.msk [tilespmem:v53+s15+$0x0], $0xffff  }
0x10a: {  	v55 =	vor.u32 s4, v11;
	_ =	sdelay $0x2  }
0x10b: {  	[tilespmem:v54+s24+$0x0] =	vst.idx.msk $0xffff, v22  }
0x10c: {  	[tilespmem:v54+s25+$0x0] =	vst.idx.msk $0xffff, v25  }
0x10d: {  	v23 =	vor.u32 v19, v23;
	v22 =	vld.idx.msk [tilespmem:v55+s14+$0x0], $0xffff  }
0x10e: {  	v24 =	vld.idx.msk [tilespmem:v55+s15+$0x0], $0xffff;
	_ =	sdelay $0x3  }
0x10f: {  	[tilespmem:v23+s24+$0x0] =	vst.idx.msk $0xffff, v22  }
0x110: {  	[tilespmem:v23+s25+$0x0] =	vst.idx.msk $0xffff, v24  }
0x111: {  	_ =	swait.ge [sflag:s31], $0x2000  }
0x112: {  	[sflag:s31] =	ssyncset.done $0x0  }
0x113: {  	[sflag:s31] =	ssyncadd.s32 $0xFFFFE000  }
0x114: {  	_ =	swait.ge [sflag:s3], $0x2000  }
0x115: {  	(v2sf) =	vpush v21, $0xA;
	_ =	sdelay $0xe  }
0x116: {  	s6 =	sand.u32 $0x7F, s6;
	s4 =	spop (v2sf)  }
0x117: {  	v56 =	vor.u32 s6, v12;
	s10 =	sadd.s32 $0xFFFFFFF8, s8;
	[sflag:s3] =	ssyncset.done $0x0;
	s7 =	sand.u32 $0xFFFFF80, s4  }
0x118: {  	v57 =	vmov s10;
	[sflag:s3] =	ssyncadd.s32 $0xFFFFE000;
	s10 =	sadd.s32 s1, s7  }
0x119: {  	v23 =	vand.u32 $0x77, v57;
	[tilespmem:s18], [sflag:$0x3] =	stream.strided.gather [hbm4b:s10+s11], $0x2000, s13, s11, $0x38;
	[tilespmem:$0x18200] =	vst v63  }
0x11a: {  	v23 =	vbroadcast v23, $0x0;
	s7 =	sadd.s32 s2, s7  }
0x11b: {  	[tilespmem:s19], [sflag:$0x7] =	stream.strided.gather [hbm4b:s7+s11], $0x2000, s13, s11, $0x38;
	[tilespmem:$0x18200] =	vst v63  }
0x11c: {  	v59 =	vor.u32 v16, v23;
	v58 =	vld.idx.msk [tilespmem:v56+s14+$0x0], $0xffff  }
0x11d: {  	v22 =	vld.idx.msk [tilespmem:v56+s15+$0x0], $0xffff  }
0x11e: {  	v60 =	vor.u32 s6, v13;
	_ =	sdelay $0x2  }
0x11f: {  	[tilespmem:v59+s24+$0x0] =	vst.idx.msk $0xffff, v58  }
0x120: {  	[tilespmem:v59+s25+$0x0] =	vst.idx.msk $0xffff, v22  }
0x121: {  	v61 =	vor.u32 v17, v23;
	v22 =	vld.idx.msk [tilespmem:v60+s14+$0x0], $0xffff  }
0x122: {  	v25 =	vld.idx.msk [tilespmem:v60+s15+$0x0], $0xffff  }
0x123: {  	v62 =	vor.u32 s6, v14;
	_ =	sdelay $0x2  }
0x124: {  	[tilespmem:v61+s24+$0x0] =	vst.idx.msk $0xffff, v22  }
0x125: {  	[tilespmem:v61+s25+$0x0] =	vst.idx.msk $0xffff, v25  }
0x126: {  	v63 =	vor.u32 v18, v23;
	v22 =	vld.idx.msk [tilespmem:v62+s14+$0x0], $0xffff  }
0x127: {  	v25 =	vld.idx.msk [tilespmem:v62+s15+$0x0], $0xffff  }
0x128: {  	v28 =	vor.u32 s6, v15;
	_ =	sdelay $0x2  }
0x129: {  	[tilespmem:v63+s24+$0x0] =	vst.idx.msk $0xffff, v22  }
0x12a: {  	[tilespmem:v63+s25+$0x0] =	vst.idx.msk $0xffff, v25  }
0x12b: {  	v23 =	vor.u32 v19, v23;
	v22 =	vld.idx.msk [tilespmem:v28+s14+$0x0], $0xffff  }
0x12c: {  	v24 =	vld.idx.msk [tilespmem:v28+s15+$0x0], $0xffff;
	_ =	sdelay $0x3  }
0x12d: {  	[tilespmem:v23+s24+$0x0] =	vst.idx.msk $0xffff, v22  }
0x12e: {  	[tilespmem:v23+s25+$0x0] =	vst.idx.msk $0xffff, v24  }
0x12f: {  	_ =	swait.ge [sflag:s20], $0x2000  }
0x130: {  	[sflag:s20] =	ssyncset.done $0x0  }
0x131: {  	[sflag:s20] =	ssyncadd.s32 $0xFFFFE000  }
0x132: {  	_ =	swait.ge [sflag:s21], $0x2000  }
0x133: {  	(v2sf) =	vpush v21, $0xB;
	_ =	sdelay $0xe  }
0x134: {  	s5 =	sand.u32 $0x7F, s5;
	s6 =	spop (v2sf)  }
0x135: {  	v29 =	vor.u32 s5, v0;
	s10 =	sadd.s32 $0xFFFFFFF9, s8;
	[sflag:s21] =	ssyncset.done $0x0;
	s7 =	sand.u32 $0xFFFFF80, s6  }
0x136: {  	v30 =	vmov s10;
	[sflag:s21] =	ssyncadd.s32 $0xFFFFE000;
	s10 =	sadd.s32 s1, s7  }
0x137: {  	v23 =	vand.u32 $0x78, v30;
	[tilespmem:s22], [sflag:$0x4] =	stream.strided.gather [hbm4b:s10+s11], $0x2000, s13, s11, $0x38;
	[tilespmem:$0x18200] =	vst v63  }
0x138: {  	v23 =	vbroadcast v23, $0x0;
	s7 =	sadd.s32 s2, s7  }
0x139: {  	[tilespmem:s23], [sflag:$0x8] =	stream.strided.gather [hbm4b:s7+s11], $0x2000, s13, s11, $0x38;
	[tilespmem:$0x18200] =	vst v63  }
0x13a: {  	v32 =	vor.u32 v16, v23;
	v31 =	vld.idx.msk [tilespmem:v29+s14+$0x0], $0xffff  }
0x13b: {  	v22 =	vld.idx.msk [tilespmem:v29+s15+$0x0], $0xffff  }
0x13c: {  	v33 =	vor.u32 s5, v1;
	_ =	sdelay $0x2  }
0x13d: {  	[tilespmem:v32+s24+$0x0] =	vst.idx.msk $0xffff, v31  }
0x13e: {  	[tilespmem:v32+s25+$0x0] =	vst.idx.msk $0xffff, v22  }
0x13f: {  	v34 =	vor.u32 v17, v23;
	v22 =	vld.idx.msk [tilespmem:v33+s14+$0x0], $0xffff  }
0x140: {  	v25 =	vld.idx.msk [tilespmem:v33+s15+$0x0], $0xffff  }
0x141: {  	v35 =	vor.u32 s5, v2;
	_ =	sdelay $0x2  }
0x142: {  	[tilespmem:v34+s24+$0x0] =	vst.idx.msk $0xffff, v22  }
0x143: {  	[tilespmem:v34+s25+$0x0] =	vst.idx.msk $0xffff, v25  }
0x144: {  	v36 =	vor.u32 v18, v23;
	v22 =	vld.idx.msk [tilespmem:v35+s14+$0x0], $0xffff  }
0x145: {  	v25 =	vld.idx.msk [tilespmem:v35+s15+$0x0], $0xffff  }
0x146: {  	v37 =	vor.u32 s5, v3;
	_ =	sdelay $0x2  }
0x147: {  	[tilespmem:v36+s24+$0x0] =	vst.idx.msk $0xffff, v22  }
0x148: {  	[tilespmem:v36+s25+$0x0] =	vst.idx.msk $0xffff, v25  }
0x149: {  	v23 =	vor.u32 v19, v23;
	v22 =	vld.idx.msk [tilespmem:v37+s14+$0x0], $0xffff  }
0x14a: {  	v24 =	vld.idx.msk [tilespmem:v37+s15+$0x0], $0xffff;
	_ =	sdelay $0x3  }
0x14b: {  	[tilespmem:v23+s24+$0x0] =	vst.idx.msk $0xffff, v22  }
0x14c: {  	[tilespmem:v23+s25+$0x0] =	vst.idx.msk $0xffff, v24  }
0x14d: {  	_ =	swait.ge [sflag:s26], $0x2000  }
0x14e: {  	[sflag:s26] =	ssyncset.done $0x0  }
0x14f: {  	[sflag:s26] =	ssyncadd.s32 $0xFFFFE000  }
0x150: {  	_ =	swait.ge [sflag:s28], $0x2000  }
0x151: {  	(v2sf) =	vpush v21, $0xC;
	_ =	sdelay $0xe  }
0x152: {  	s0 =	sand.u32 $0x7F, s0;
	s5 =	spop (v2sf)  }
0x153: {  	v38 =	vor.u32 s0, v4;
	s10 =	sadd.s32 $0xFFFFFFFA, s8;
	[sflag:s28] =	ssyncset.done $0x0;
	s7 =	sand.u32 $0xFFFFF80, s5  }
0x154: {  	v39 =	vmov s10;
	[sflag:s28] =	ssyncadd.s32 $0xFFFFE000;
	s10 =	sadd.s32 s1, s7  }
0x155: {  	v23 =	vand.u32 $0x79, v39;
	[tilespmem:s14], [sflag:$0x1] =	stream.strided.gather [hbm4b:s10+s11], $0x2000, s13, s11, $0x38;
	[tilespmem:$0x18200] =	vst v63  }
0x156: {  	v23 =	vbroadcast v23, $0x0;
	s7 =	sadd.s32 s2, s7  }
0x157: {  	[tilespmem:s15], [sflag:$0x5] =	stream.strided.gather [hbm4b:s7+s11], $0x2000, s13, s11, $0x38;
	[tilespmem:$0x18200] =	vst v63  }
0x158: {  	v41 =	vor.u32 v16, v23;
	v40 =	vld.idx.msk [tilespmem:v38+s14+$0x0], $0xffff  }
0x159: {  	v22 =	vld.idx.msk [tilespmem:v38+s15+$0x0], $0xffff  }
0x15a: {  	v42 =	vor.u32 s0, v5;
	_ =	sdelay $0x2  }
0x15b: {  	[tilespmem:v41+s24+$0x0] =	vst.idx.msk $0xffff, v40  }
0x15c: {  	[tilespmem:v41+s25+$0x0] =	vst.idx.msk $0xffff, v22  }
0x15d: {  	v43 =	vor.u32 v17, v23;
	v22 =	vld.idx.msk [tilespmem:v42+s14+$0x0], $0xffff  }
0x15e: {  	v25 =	vld.idx.msk [tilespmem:v42+s15+$0x0], $0xffff  }
0x15f: {  	v44 =	vor.u32 s0, v6;
	_ =	sdelay $0x2  }
0x160: {  	[tilespmem:v43+s24+$0x0] =	vst.idx.msk $0xffff, v22  }
0x161: {  	[tilespmem:v43+s25+$0x0] =	vst.idx.msk $0xffff, v25  }
0x162: {  	v45 =	vor.u32 v18, v23;
	v22 =	vld.idx.msk [tilespmem:v44+s14+$0x0], $0xffff  }
0x163: {  	v25 =	vld.idx.msk [tilespmem:v44+s15+$0x0], $0xffff  }
0x164: {  	v46 =	vor.u32 s0, v7;
	_ =	sdelay $0x2  }
0x165: {  	[tilespmem:v45+s24+$0x0] =	vst.idx.msk $0xffff, v22  }
0x166: {  	[tilespmem:v45+s25+$0x0] =	vst.idx.msk $0xffff, v25  }
0x167: {  	v23 =	vor.u32 v19, v23;
	v22 =	vld.idx.msk [tilespmem:v46+s14+$0x0], $0xffff  }
0x168: {  	v24 =	vld.idx.msk [tilespmem:v46+s15+$0x0], $0xffff;
	_ =	sdelay $0x3  }
0x169: {  	[tilespmem:v23+s24+$0x0] =	vst.idx.msk $0xffff, v22  }
0x16a: {  	[tilespmem:v23+s25+$0x0] =	vst.idx.msk $0xffff, v24  }
0x16b: {  	_ =	swait.ge [sflag:s29], $0x2000  }
0x16c: {  	[sflag:s29] =	ssyncset.done $0x0  }
0x16d: {  	[sflag:s29] =	ssyncadd.s32 $0xFFFFE000  }
0x16e: {  	_ =	swait.ge [sflag:s30], $0x2000  }
0x16f: {  	(v2sf) =	vpush v21, $0xD;
	_ =	sdelay $0xe  }
0x170: {  	s4 =	sand.u32 $0x7F, s4;
	s0 =	spop (v2sf)  }
0x171: {  	v47 =	vor.u32 s4, v8;
	s10 =	sadd.s32 $0xFFFFFFFB, s8;
	[sflag:s30] =	ssyncset.done $0x0;
	s7 =	sand.u32 $0xFFFFF80, s0  }
0x172: {  	v48 =	vmov s10;
	[sflag:s30] =	ssyncadd.s32 $0xFFFFE000;
	s10 =	sadd.s32 s1, s7  }
0x173: {  	v23 =	vand.u32 $0x7A, v48;
	[tilespmem:s16], [sflag:$0x2] =	stream.strided.gather [hbm4b:s10+s11], $0x2000, s13, s11, $0x38;
	[tilespmem:$0x18200] =	vst v63  }
0x174: {  	v23 =	vbroadcast v23, $0x0;
	s7 =	sadd.s32 s2, s7  }
0x175: {  	[tilespmem:s17], [sflag:$0x6] =	stream.strided.gather [hbm4b:s7+s11], $0x2000, s13, s11, $0x38;
	[tilespmem:$0x18200] =	vst v63  }
0x176: {  	v50 =	vor.u32 v16, v23;
	v49 =	vld.idx.msk [tilespmem:v47+s14+$0x0], $0xffff  }
0x177: {  	v22 =	vld.idx.msk [tilespmem:v47+s15+$0x0], $0xffff  }
0x178: {  	v51 =	vor.u32 s4, v9;
	_ =	sdelay $0x2  }
0x179: {  	[tilespmem:v50+s24+$0x0] =	vst.idx.msk $0xffff, v49  }
0x17a: {  	[tilespmem:v50+s25+$0x0] =	vst.idx.msk $0xffff, v22  }
0x17b: {  	v52 =	vor.u32 v17, v23;
	v22 =	vld.idx.msk [tilespmem:v51+s14+$0x0], $0xffff  }
0x17c: {  	v25 =	vld.idx.msk [tilespmem:v51+s15+$0x0], $0xffff  }
0x17d: {  	v53 =	vor.u32 s4, v10;
	_ =	sdelay $0x2  }
0x17e: {  	[tilespmem:v52+s24+$0x0] =	vst.idx.msk $0xffff, v22  }
0x17f: {  	[tilespmem:v52+s25+$0x0] =	vst.idx.msk $0xffff, v25  }
0x180: {  	v54 =	vor.u32 v18, v23;
	v22 =	vld.idx.msk [tilespmem:v53+s14+$0x0], $0xffff  }
0x181: {  	v25 =	vld.idx.msk [tilespmem:v53+s15+$0x0], $0xffff  }
0x182: {  	v55 =	vor.u32 s4, v11;
	_ =	sdelay $0x2  }
0x183: {  	[tilespmem:v54+s24+$0x0] =	vst.idx.msk $0xffff, v22  }
0x184: {  	[tilespmem:v54+s25+$0x0] =	vst.idx.msk $0xffff, v25  }
0x185: {  	v23 =	vor.u32 v19, v23;
	v22 =	vld.idx.msk [tilespmem:v55+s14+$0x0], $0xffff  }
0x186: {  	v24 =	vld.idx.msk [tilespmem:v55+s15+$0x0], $0xffff;
	_ =	sdelay $0x3  }
0x187: {  	[tilespmem:v23+s24+$0x0] =	vst.idx.msk $0xffff, v22  }
0x188: {  	[tilespmem:v23+s25+$0x0] =	vst.idx.msk $0xffff, v24  }
0x189: {  	_ =	swait.ge [sflag:s31], $0x2000  }
0x18a: {  	[sflag:s31] =	ssyncset.done $0x0  }
0x18b: {  	[sflag:s31] =	ssyncadd.s32 $0xFFFFE000  }
0x18c: {  	_ =	swait.ge [sflag:s3], $0x2000  }
0x18d: {  	(v2sf) =	vpush v21, $0xE;
	_ =	sdelay $0xe  }
0x18e: {  	s6 =	sand.u32 $0x7F, s6;
	s4 =	spop (v2sf)  }
0x18f: {  	v56 =	vor.u32 s6, v12;
	s10 =	sadd.s32 $0xFFFFFFFC, s8;
	[sflag:s3] =	ssyncset.done $0x0;
	s7 =	sand.u32 $0xFFFFF80, s4  }
0x190: {  	v57 =	vmov s10;
	[sflag:s3] =	ssyncadd.s32 $0xFFFFE000;
	s10 =	sadd.s32 s1, s7  }
0x191: {  	v23 =	vand.u32 $0x7B, v57;
	[tilespmem:s18], [sflag:$0x3] =	stream.strided.gather [hbm4b:s10+s11], $0x2000, s13, s11, $0x38;
	[tilespmem:$0x18200] =	vst v63  }
0x192: {  	v23 =	vbroadcast v23, $0x0;
	s7 =	sadd.s32 s2, s7  }
0x193: {  	[tilespmem:s19], [sflag:$0x7] =	stream.strided.gather [hbm4b:s7+s11], $0x2000, s13, s11, $0x38;
	[tilespmem:$0x18200] =	vst v63  }
0x194: {  	v59 =	vor.u32 v16, v23;
	v58 =	vld.idx.msk [tilespmem:v56+s14+$0x0], $0xffff  }
0x195: {  	v22 =	vld.idx.msk [tilespmem:v56+s15+$0x0], $0xffff  }
0x196: {  	v60 =	vor.u32 s6, v13;
	_ =	sdelay $0x2  }
0x197: {  	[tilespmem:v59+s24+$0x0] =	vst.idx.msk $0xffff, v58  }
0x198: {  	[tilespmem:v59+s25+$0x0] =	vst.idx.msk $0xffff, v22  }
0x199: {  	v61 =	vor.u32 v17, v23;
	v22 =	vld.idx.msk [tilespmem:v60+s14+$0x0], $0xffff  }
0x19a: {  	v25 =	vld.idx.msk [tilespmem:v60+s15+$0x0], $0xffff  }
0x19b: {  	v62 =	vor.u32 s6, v14;
	_ =	sdelay $0x2  }
0x19c: {  	[tilespmem:v61+s24+$0x0] =	vst.idx.msk $0xffff, v22  }
0x19d: {  	[tilespmem:v61+s25+$0x0] =	vst.idx.msk $0xffff, v25  }
0x19e: {  	v63 =	vor.u32 v18, v23;
	v22 =	vld.idx.msk [tilespmem:v62+s14+$0x0], $0xffff  }
0x19f: {  	v25 =	vld.idx.msk [tilespmem:v62+s15+$0x0], $0xffff  }
0x1a0: {  	v28 =	vor.u32 s6, v15;
	_ =	sdelay $0x2  }
0x1a1: {  	[tilespmem:v63+s24+$0x0] =	vst.idx.msk $0xffff, v22  }
0x1a2: {  	[tilespmem:v63+s25+$0x0] =	vst.idx.msk $0xffff, v25  }
0x1a3: {  	v23 =	vor.u32 v19, v23;
	v22 =	vld.idx.msk [tilespmem:v28+s14+$0x0], $0xffff  }
0x1a4: {  	v24 =	vld.idx.msk [tilespmem:v28+s15+$0x0], $0xffff;
	_ =	sdelay $0x3  }
0x1a5: {  	[tilespmem:v23+s24+$0x0] =	vst.idx.msk $0xffff, v22  }
0x1a6: {  	[tilespmem:v23+s25+$0x0] =	vst.idx.msk $0xffff, v24  }
0x1a7: {  	_ =	swait.ge [sflag:s20], $0x2000  }
0x1a8: {  	[sflag:s20] =	ssyncset.done $0x0  }
0x1a9: {  	[sflag:s20] =	ssyncadd.s32 $0xFFFFE000  }
0x1aa: {  	_ =	swait.ge [sflag:s21], $0x2000  }
0x1ab: {  	(v2sf) =	vpush v21, $0xF;
	_ =	sdelay $0xe  }
0x1ac: {  	s5 =	sand.u32 $0x7F, s5;
	s6 =	spop (v2sf)  }
0x1ad: {  	v29 =	vor.u32 s5, v0;
	s10 =	sadd.s32 $0xFFFFFFFD, s8;
	[sflag:s21] =	ssyncset.done $0x0;
	s7 =	sand.u32 $0xFFFFF80, s6  }
0x1ae: {  	v30 =	vmov s10;
	[sflag:s21] =	ssyncadd.s32 $0xFFFFE000;
	s10 =	sadd.s32 s1, s7  }
0x1af: {  	v22 =	vand.u32 $0x7C, v30;
	[tilespmem:s22], [sflag:$0x4] =	stream.strided.gather [hbm4b:s10+s11], $0x2000, s13, s11, $0x38;
	[tilespmem:$0x18200] =	vst v63  }
0x1b0: {  	v22 =	vbroadcast v22, $0x0;
	s7 =	sadd.s32 s2, s7  }
0x1b1: {  	[tilespmem:s23], [sflag:$0x8] =	stream.strided.gather [hbm4b:s7+s11], $0x2000, s13, s11, $0x38;
	[tilespmem:$0x18200] =	vst v63  }
0x1b2: {  	v32 =	vor.u32 v16, v22;
	v31 =	vld.idx.msk [tilespmem:v29+s14+$0x0], $0xffff  }
0x1b3: {  	v21 =	vld.idx.msk [tilespmem:v29+s15+$0x0], $0xffff  }
0x1b4: {  	v33 =	vor.u32 s5, v1;
	_ =	sdelay $0x2  }
0x1b5: {  	[tilespmem:v32+s24+$0x0] =	vst.idx.msk $0xffff, v31  }
0x1b6: {  	[tilespmem:v32+s25+$0x0] =	vst.idx.msk $0xffff, v21  }
0x1b7: {  	v34 =	vor.u32 v17, v22;
	v21 =	vld.idx.msk [tilespmem:v33+s14+$0x0], $0xffff  }
0x1b8: {  	v24 =	vld.idx.msk [tilespmem:v33+s15+$0x0], $0xffff  }
0x1b9: {  	v35 =	vor.u32 s5, v2;
	_ =	sdelay $0x2  }
0x1ba: {  	[tilespmem:v34+s24+$0x0] =	vst.idx.msk $0xffff, v21  }
0x1bb: {  	[tilespmem:v34+s25+$0x0] =	vst.idx.msk $0xffff, v24  }
0x1bc: {  	v36 =	vor.u32 v18, v22;
	v21 =	vld.idx.msk [tilespmem:v35+s14+$0x0], $0xffff  }
0x1bd: {  	v24 =	vld.idx.msk [tilespmem:v35+s15+$0x0], $0xffff  }
0x1be: {  	v37 =	vor.u32 s5, v3;
	_ =	sdelay $0x2  }
0x1bf: {  	[tilespmem:v36+s24+$0x0] =	vst.idx.msk $0xffff, v21  }
0x1c0: {  	[tilespmem:v36+s25+$0x0] =	vst.idx.msk $0xffff, v24  }
0x1c1: {  	v22 =	vor.u32 v19, v22;
	v21 =	vld.idx.msk [tilespmem:v37+s14+$0x0], $0xffff  }
0x1c2: {  	v23 =	vld.idx.msk [tilespmem:v37+s15+$0x0], $0xffff;
	_ =	sdelay $0x3  }
0x1c3: {  	[tilespmem:v22+s24+$0x0] =	vst.idx.msk $0xffff, v21  }
0x1c4: {  	[tilespmem:v22+s25+$0x0] =	vst.idx.msk $0xffff, v23  }
0x1c5: {  	_ =	swait.ge [sflag:s26], $0x2000  }
0x1c6: {  	[sflag:s26] =	ssyncset.done $0x0  }
0x1c7: {  	[sflag:s26] =	ssyncadd.s32 $0xFFFFE000  }
0x1c8: {  	_ =	swait.ge [sflag:s28], $0x2000  }
0x1c9: {  	(v2sf) =	vpush v20, $0x0;
	_ =	sdelay $0xe  }
0x1ca: {  	s0 =	sand.u32 $0x7F, s0;
	s7 =	spop (v2sf)  }
0x1cb: {  	v38 =	vor.u32 s0, v4;
	s10 =	sadd.s32 $0xFFFFFFFE, s8;
	[sflag:s28] =	ssyncset.done $0x0;
	s5 =	sand.u32 $0xFFFFF80, s7  }
0x1cc: {  	v39 =	vmov s10;
	[sflag:s28] =	ssyncadd.s32 $0xFFFFE000;
	s10 =	sadd.s32 s1, s5  }
0x1cd: {  	v22 =	vand.u32 $0x7D, v39;
	[tilespmem:s14], [sflag:$0x1] =	stream.strided.gather [hbm4b:s10+s11], $0x2000, s13, s11, $0x38;
	[tilespmem:$0x18200] =	vst v63  }
0x1ce: {  	v22 =	vbroadcast v22, $0x0;
	s5 =	sadd.s32 s2, s5  }
0x1cf: {  	[tilespmem:s15], [sflag:$0x5] =	stream.strided.gather [hbm4b:s5+s11], $0x2000, s13, s11, $0x38;
	[tilespmem:$0x18200] =	vst v63  }
0x1d0: {  	v41 =	vor.u32 v16, v22;
	v40 =	vld.idx.msk [tilespmem:v38+s14+$0x0], $0xffff  }
0x1d1: {  	v21 =	vld.idx.msk [tilespmem:v38+s15+$0x0], $0xffff  }
0x1d2: {  	v42 =	vor.u32 s0, v5;
	_ =	sdelay $0x2  }
0x1d3: {  	[tilespmem:v41+s24+$0x0] =	vst.idx.msk $0xffff, v40  }
0x1d4: {  	[tilespmem:v41+s25+$0x0] =	vst.idx.msk $0xffff, v21  }
0x1d5: {  	v43 =	vor.u32 v17, v22;
	v21 =	vld.idx.msk [tilespmem:v42+s14+$0x0], $0xffff  }
0x1d6: {  	v24 =	vld.idx.msk [tilespmem:v42+s15+$0x0], $0xffff  }
0x1d7: {  	v44 =	vor.u32 s0, v6;
	_ =	sdelay $0x2  }
0x1d8: {  	[tilespmem:v43+s24+$0x0] =	vst.idx.msk $0xffff, v21  }
0x1d9: {  	[tilespmem:v43+s25+$0x0] =	vst.idx.msk $0xffff, v24  }
0x1da: {  	v45 =	vor.u32 v18, v22;
	v21 =	vld.idx.msk [tilespmem:v44+s14+$0x0], $0xffff  }
0x1db: {  	v24 =	vld.idx.msk [tilespmem:v44+s15+$0x0], $0xffff  }
0x1dc: {  	v46 =	vor.u32 s0, v7;
	_ =	sdelay $0x2  }
0x1dd: {  	[tilespmem:v45+s24+$0x0] =	vst.idx.msk $0xffff, v21  }
0x1de: {  	[tilespmem:v45+s25+$0x0] =	vst.idx.msk $0xffff, v24  }
0x1df: {  	v22 =	vor.u32 v19, v22;
	v21 =	vld.idx.msk [tilespmem:v46+s14+$0x0], $0xffff  }
0x1e0: {  	v23 =	vld.idx.msk [tilespmem:v46+s15+$0x0], $0xffff;
	_ =	sdelay $0x3  }
0x1e1: {  	[tilespmem:v22+s24+$0x0] =	vst.idx.msk $0xffff, v21  }
0x1e2: {  	[tilespmem:v22+s25+$0x0] =	vst.idx.msk $0xffff, v23  }
0x1e3: {  	_ =	swait.ge [sflag:s29], $0x2000  }
0x1e4: {  	[sflag:s29] =	ssyncset.done $0x0  }
0x1e5: {  	[sflag:s29] =	ssyncadd.s32 $0xFFFFE000  }
0x1e6: {  	_ =	swait.ge [sflag:s30], $0x2000  }
0x1e7: {  	(v2sf) =	vpush v20, $0x1;
	_ =	sdelay $0xe  }
0x1e8: {  	s4 =	sand.u32 $0x7F, s4;
	s5 =	spop (v2sf)  }
0x1e9: {  	v47 =	vor.u32 s4, v8;
	s7 =	sadd.s32 $0xFFFFFFFF, s8;
	[sflag:s30] =	ssyncset.done $0x0;
	s0 =	sand.u32 $0xFFFFF80, s5  }
0x1ea: {  	v48 =	vmov s7;
	[sflag:s30] =	ssyncadd.s32 $0xFFFFE000;
	s10 =	sadd.s32 s1, s0  }
0x1eb: {  	v22 =	vand.u32 $0x7E, v48;
	[tilespmem:s16], [sflag:$0x2] =	stream.strided.gather [hbm4b:s10+s11], $0x2000, s13, s11, $0x38;
	[tilespmem:$0x18200] =	vst v63  }
0x1ec: {  	v22 =	vbroadcast v22, $0x0;
	s0 =	sadd.s32 s2, s0  }
0x1ed: {  	[tilespmem:s17], [sflag:$0x6] =	stream.strided.gather [hbm4b:s0+s11], $0x2000, s13, s11, $0x38;
	[tilespmem:$0x18200] =	vst v63  }
0x1ee: {  	v50 =	vor.u32 v16, v22;
	v49 =	vld.idx.msk [tilespmem:v47+s14+$0x0], $0xffff  }
0x1ef: {  	v21 =	vld.idx.msk [tilespmem:v47+s15+$0x0], $0xffff  }
0x1f0: {  	v51 =	vor.u32 s4, v9;
	_ =	sdelay $0x2  }
0x1f1: {  	[tilespmem:v50+s24+$0x0] =	vst.idx.msk $0xffff, v49  }
0x1f2: {  	[tilespmem:v50+s25+$0x0] =	vst.idx.msk $0xffff, v21  }
0x1f3: {  	v52 =	vor.u32 v17, v22;
	v21 =	vld.idx.msk [tilespmem:v51+s14+$0x0], $0xffff  }
0x1f4: {  	v24 =	vld.idx.msk [tilespmem:v51+s15+$0x0], $0xffff  }
0x1f5: {  	v53 =	vor.u32 s4, v10;
	_ =	sdelay $0x2  }
0x1f6: {  	[tilespmem:v52+s24+$0x0] =	vst.idx.msk $0xffff, v21  }
0x1f7: {  	[tilespmem:v52+s25+$0x0] =	vst.idx.msk $0xffff, v24  }
0x1f8: {  	v54 =	vor.u32 v18, v22;
	v21 =	vld.idx.msk [tilespmem:v53+s14+$0x0], $0xffff  }
0x1f9: {  	v24 =	vld.idx.msk [tilespmem:v53+s15+$0x0], $0xffff  }
0x1fa: {  	v55 =	vor.u32 s4, v11;
	_ =	sdelay $0x2  }
0x1fb: {  	[tilespmem:v54+s24+$0x0] =	vst.idx.msk $0xffff, v21  }
0x1fc: {  	[tilespmem:v54+s25+$0x0] =	vst.idx.msk $0xffff, v24  }
0x1fd: {  	v22 =	vor.u32 v19, v22;
	v21 =	vld.idx.msk [tilespmem:v55+s14+$0x0], $0xffff  }
0x1fe: {  	v23 =	vld.idx.msk [tilespmem:v55+s15+$0x0], $0xffff;
	_ =	sdelay $0x3  }
0x1ff: {  	[tilespmem:v22+s24+$0x0] =	vst.idx.msk $0xffff, v21  }
0x200: {  	[tilespmem:v22+s25+$0x0] =	vst.idx.msk $0xffff, v23  }
0x201: {  	_ =	swait.ge [sflag:s31], $0x2000  }
0x202: {  	[sflag:s31] =	ssyncset.done $0x0  }
0x203: {  	[sflag:s31] =	ssyncadd.s32 $0xFFFFE000  }
0x204: {  	_ =	swait.ge [sflag:s3], $0x2000  }
0x205: {  	(v2sf) =	vpush v20, $0x2;
	_ =	sdelay $0xe  }
0x206: {  	s7 =	sand.u32 $0x7F, s6;
	s5 =	spop (v2sf)  }
0x207: {  	[sflag:s3] =	ssyncset.done $0x0;
	v20 =	vor.u32 s7, v12;
	s0 =	sand.u32 $0xFFFFF80, s5  }
0x208: {  	v56 =	vmov s8;
	[sflag:s3] =	ssyncadd.s32 $0xFFFFE000;
	s10 =	sadd.s32 s1, s0  }
0x209: {  	v21 =	vand.u32 $0x7F, v56;
	[tilespmem:s18], [sflag:$0x3] =	stream.strided.gather [hbm4b:s10+s11], $0x2000, s13, s11, $0x38;
	[tilespmem:$0x18200] =	vst v63  }
0x20a: {  	v21 =	vbroadcast v21, $0x0;
	s0 =	sadd.s32 s2, s0  }
0x20b: {  	[tilespmem:s19], [sflag:$0x7] =	stream.strided.gather [hbm4b:s0+s11], $0x2000, s13, s11, $0x38;
	[tilespmem:$0x18200] =	vst v63  }
0x20c: {  	v58 =	vor.u32 v16, v21;
	v57 =	vld.idx.msk [tilespmem:v20+s14+$0x0], $0xffff  }
0x20d: {  	v20 =	vld.idx.msk [tilespmem:v20+s15+$0x0], $0xffff  }
0x20e: {  	v59 =	vor.u32 s7, v13;
	_ =	sdelay $0x2  }
0x20f: {  	[tilespmem:v58+s24+$0x0] =	vst.idx.msk $0xffff, v57  }
0x210: {  	[tilespmem:v58+s25+$0x0] =	vst.idx.msk $0xffff, v20  }
0x211: {  	v60 =	vor.u32 v17, v21;
	v20 =	vld.idx.msk [tilespmem:v59+s14+$0x0], $0xffff  }
0x212: {  	v23 =	vld.idx.msk [tilespmem:v59+s15+$0x0], $0xffff  }
0x213: {  	v61 =	vor.u32 s7, v14;
	_ =	sdelay $0x2  }
0x214: {  	[tilespmem:v60+s24+$0x0] =	vst.idx.msk $0xffff, v20  }
0x215: {  	[tilespmem:v60+s25+$0x0] =	vst.idx.msk $0xffff, v23  }
0x216: {  	v62 =	vor.u32 v18, v21;
	v20 =	vld.idx.msk [tilespmem:v61+s14+$0x0], $0xffff  }
0x217: {  	v23 =	vld.idx.msk [tilespmem:v61+s15+$0x0], $0xffff  }
0x218: {  	v63 =	vor.u32 s7, v15;
	_ =	sdelay $0x2  }
0x219: {  	[tilespmem:v62+s24+$0x0] =	vst.idx.msk $0xffff, v20  }
0x21a: {  	[tilespmem:v62+s25+$0x0] =	vst.idx.msk $0xffff, v23  }
0x21b: {  	v21 =	vor.u32 v19, v21;
	v20 =	vld.idx.msk [tilespmem:v63+s14+$0x0], $0xffff  }
0x21c: {  	p0 =	sne.s32 s8, $0x7F;
	v22 =	vld.idx.msk [tilespmem:v63+s15+$0x0], $0xffff  }
.Ltmp0:
0x21d: {  	_ = 	snop;
	(pc) =	sbr.rel @p0 .LBB2_3-.Ltmp0, $3  }
0x21e: {  	_ =	sdelay $0x1  }
0x21f: {  	[tilespmem:v21+s24+$0x0] =	vst.idx.msk $0xffff, v20  }
0x220: {  	s9 =	sadd.s32 $0x10, s9;
	s8 =	sadd.s32 $0x10, s8;
	[tilespmem:v21+s25+$0x0] =	vst.idx.msk $0xffff, v22  }
0x221: {  	s7 =	rddreg [dreg:$0xb]  }
0x222: {  	s4 =	rddreg [dreg:$0x6]  }
0x223: {  	s8 =	rddreg [dreg:$0xc]  }
0x224: {  	s5 =	rddreg [dreg:$0x3];
	s0 =	sshll.u32 s7, $0x7  }
0x225: {  	s6 =	simm.s32 $0x20000;
	s7 =	sadd.s32 $0x1, s7;
	s0 =	sadd.s32 s4, s0  }
0x226: {  	s10 =	sor.u32 $0x10200, s8;
	p0 =	sne.s32 s7, $0x4;
	s5 =	sadd.s32 s5, s0  }
0x227: {  	[hbm4b:s5+s11] =	stream.strided.scatter [tilespmem:s10], [sflag:$0x9], $0x2000, s6, s11, $0x38;
	[tilespmem:$0x18200] =	vst v63  }
.Ltmp1:
0x228: {  	s10 =	rddreg [dreg:$0x4];
	(pc) =	sbr.rel @p0 .LBB2_2-.Ltmp1, $4  }
0x229: {  	s9 =	sor.u32 $0x14200, s8;
	s0 =	sadd.s32 s10, s0  }
0x22a: {  	[hbm4b:s0+s11] =	stream.strided.scatter [tilespmem:s9], [sflag:$0xA], $0x2000, s6, s11, $0x38;
	[tilespmem:$0x18200] =	vst v63  }
0x22b: {  	s9 =	rddreg [dreg:$0xa]  }
0x22c: {  	s12 =	sadd.s32 $0x80, s12;
	s9 =	sadd.s32 $0x80, s9  }
0x22d: {  	_ =	swait.ge [sflag:s20], $0x2000  }
0x22e: {  	[sflag:s20] =	ssyncset.done $0x0  }
0x22f: {  	[sflag:s20] =	ssyncadd.s32 $0xFFFFE000  }
0x230: {  	_ =	swait.ge [sflag:s21], $0x2000  }
0x231: {  	[sflag:s21] =	ssyncset.done $0x0  }
0x232: {  	[sflag:s21] =	ssyncadd.s32 $0xFFFFE000  }
0x233: {  	_ =	swait.ge [sflag:s26], $0x2000  }
0x234: {  	[sflag:s26] =	ssyncset.done $0x0  }
0x235: {  	[sflag:s26] =	ssyncadd.s32 $0xFFFFE000  }
0x236: {  	_ =	swait.ge [sflag:s28], $0x2000  }
0x237: {  	[sflag:s28] =	ssyncset.done $0x0  }
0x238: {  	[sflag:s28] =	ssyncadd.s32 $0xFFFFE000  }
0x239: {  	_ =	swait.ge [sflag:s29], $0x2000  }
0x23a: {  	[sflag:s29] =	ssyncset.done $0x0  }
0x23b: {  	[sflag:s29] =	ssyncadd.s32 $0xFFFFE000  }
0x23c: {  	_ =	swait.ge [sflag:s30], $0x2000  }
0x23d: {  	[sflag:s30] =	ssyncset.done $0x0  }
0x23e: {  	s0 =	simm.s32 $0x9;
	[sflag:s30] =	ssyncadd.s32 $0xFFFFE000  }
0x23f: {  	_ =	swait.ge [sflag:s0], $0x2000  }
0x240: {  	[sflag:s0] =	ssyncset.done $0x0  }
0x241: {  	s4 =	simm.s32 $0xA;
	[sflag:s0] =	ssyncadd.s32 $0xFFFFE000  }
0x242: {  	_ =	swait.ge [sflag:s4], $0x2000  }
0x243: {  	[sflag:s4] =	ssyncset.done $0x0  }
0x244: {  	[sflag:s4] =	ssyncadd.s32 $0xFFFFE000  }
0x245: {  	_ =	swait.ge [sflag:s0], $0x2000  }
0x246: {  	[sflag:s0] =	ssyncset.done $0x0  }
0x247: {  	[sflag:s0] =	ssyncadd.s32 $0xFFFFE000  }
0x248: {  	_ =	swait.ge [sflag:s4], $0x2000  }
0x249: {  	s5 =	rddreg [dreg:$0x9]  }
0x24a: {  	s12 =	rddreg [dreg:$0x8];
	s5 =	sadd.s32 $0x1, s5  }
0x24b: {  	p0 =	sne.s32 s5, s12  }
.Ltmp2:
0x24c: {  	_ = 	snop;
	(pc) =	sbr.rel @p0 .LBB2_1-.Ltmp2, $3  }
0x24d: {  	_ =	sdelay $0x1  }
0x24e: {  	[sflag:s4] =	ssyncset.done $0x0  }
0x24f: {  	[sflag:s4] =	ssyncadd.s32 $0xFFFFE000  }
0x250: {  	_ =	sfence.sel $0x180000  }
0x251: {  	[bflag:$0x0] =	sbarrier.arrive $0xFFFF  }
0x252: {  	_ =	strace $0x90000047  }
0x253: {  	s0 =	stileid.u32;
	[bflag:$0x2] =	sbarrier.arrive $0xFFFF  }
0x254: {  	p0 =	sne.s32 s0, $0x0;
	s0 =	rddreg [dreg:$0x5]  }
0x255: {  	s0 =	sadd.s32 @!p0 $0x100000, s0  }
0x256: {  	[sflag:s0] =	ssyncadd.tile.s32 @!p0 $0x1;
	_ =	shalt  }
.Lfunc_end2:
_tile_overlayer_lowered:
.L_overlay_start_2:
0x257: {  	(tag) =	ssettag $0x2  }
0x258: {  	s0 =	rddreg [dreg:$0x0];
	s2 =	stileid.u32  }
0x259: {  	s1 =	rddreg [dreg:$0x1];
	p0 =	sne.s32 s2, $0x0  }
0x25a: {  	s3 =	rddreg [dreg:$0x2];
	[bflag:$0x3] =	sbarrier.arrive $0xFFFF;
	s2 =	simm.s32 @!p0 $0x1C0B  }
0x25b: {  	[timem:s3], [sflag:s2] =	dma.local @!p0 [hbm:s0], s1  }
0x25c: {  	s0 =	simm.s32 @!p0 $0xB  }
0x25d: {  	_ =	swait.ge @!p0 [sflag:s0], s1  }
0x25e: {  	s1 =	ssub.s32 @!p0 $0x0, s1;
	[sflag:s0] =	ssyncset.done @!p0 $0x0  }
0x25f: {  	[sflag:s0] =	ssyncadd.s32 @!p0 s1  }
0x260: {  	[bflag:$0x3] =	sbarrier.arrive $0xFFFF  }
0x261: {  	_ =	shalt  }

</sc_bundles>
